<compile_context>
chip_gen: v7x
topology: tpu7x:2x2x1
jax: 0.10.2.dev20260603
libtpu: 0.0.44.dev20260713+nightly
codegen_flags: <defaults>
</compile_context>

<pallas_src>
import jax
import jax.numpy as jnp
from jax import lax
from jax.experimental import pallas as pl
from jax.experimental.pallas import tpu as pltpu
from jax.experimental.pallas import tpu_sc as plsc

N = 10000
E = 320000
D_IN = 128
D_HID = 64
N_CLASSES = 64
K_ITERS = 10
ALPHA = 0.1

N_PAD = 10112
DUMMY = 10008
NC, NS = 2, 16
NCOL = N_CLASSES // NC
GL = 128
RING = 4
NBLK = 40
T_EDGES = NBLK * RING * GL
E_PAD = NS * T_EDGES
RPT = N_PAD // NS
RCH = RPT // 4

ROW_BLOCK = 1000

_mesh = plsc.VectorSubcoreMesh(core_axis_name="c", subcore_axis_name="s")
_sc_params = pltpu.CompilerParams(use_tc_tiling_on_sc=False)


def _mlp_body(x_ref, w1_ref, b1_ref, w2_ref, b2_ref, out_ref):
    h = jnp.maximum(x_ref[...] @ w1_ref[...].T + b1_ref[...], 0.0)
    out_ref[...] = h @ w2_ref[...].T + b2_ref[...]


def _mlp(x, W1, b1, W2, b2):
    return pl.pallas_call(
        _mlp_body,
        grid=(N // ROW_BLOCK,),
        in_specs=[
            pl.BlockSpec((ROW_BLOCK, D_IN), lambda i: (i, 0)),
            pl.BlockSpec((D_HID, D_IN), lambda i: (0, 0)),
            pl.BlockSpec((D_HID,), lambda i: (0,)),
            pl.BlockSpec((N_CLASSES, D_HID), lambda i: (0, 0)),
            pl.BlockSpec((N_CLASSES,), lambda i: (0,)),
        ],
        out_specs=pl.BlockSpec((ROW_BLOCK, N_CLASSES), lambda i: (i, 0)),
        out_shape=jax.ShapeDtypeStruct((N, N_CLASSES), jnp.float32),
    )(x, W1, b1, W2, b2)


def _deg_body(dst3, ones_hbm, zeros16, deg_out, acc, dbuf, ones_v, sem):
    c = lax.axis_index("c")
    s = lax.axis_index("s")
    wid = c * NS + s
    pltpu.sync_copy(dst3.at[wid], dbuf)
    pltpu.sync_copy(ones_hbm, ones_v)
    row0 = s * RPT
    pltpu.sync_copy(zeros16.at[pl.ds(row0, RPT)], acc.at[pl.ds(row0, RPT)])
    plsc.subcore_barrier()
    @pl.loop(0, 8)
    def _(b):
        pltpu.async_copy(ones_v, acc.at[dbuf.at[b]], sem, add=True)
    @pl.loop(8, E_PAD // NW_DEG // GL)
    def _(g):
        pltpu.make_async_copy(ones_hbm, ones_v, sem).wait()
        pltpu.async_copy(ones_v, acc.at[dbuf.at[g]], sem, add=True)
    @pl.loop(0, 8)
    def _(b):
        pltpu.make_async_copy(ones_hbm, ones_v, sem).wait()
    plsc.subcore_barrier()
    pltpu.sync_copy(acc.at[pl.ds(row0, RPT)],
                    deg_out.at[c].at[pl.ds(row0, RPT)])


NW_DEG = NC * NS


def _deg_partials(dst3, ones16, zeros16):
    kern = pl.kernel(
        _deg_body,
        out_type=jax.ShapeDtypeStruct((NC, N_PAD, 16), jnp.float32),
        mesh=_mesh,
        compiler_params=_sc_params,
        scratch_types=[
            pltpu.VMEM_SHARED((N_PAD, 16), jnp.float32),
            pltpu.VMEM((E_PAD // NW_DEG // GL, GL), jnp.int32),
            pltpu.VMEM((GL, 16), jnp.float32),
            pltpu.SemaphoreType.DMA,
        ],
    )
    return kern(dst3, ones16, zeros16)


def _prep_body(p_ref, h0_ref, u0h_ref, hbh_ref, coef_ref):
    deg = p_ref[0, :, 0:1] + p_ref[1, :, 0:1] + 1.0
    dinv = lax.rsqrt(deg)
    u0 = h0_ref[...] * dinv
    hb = (ALPHA * dinv) * h0_ref[...]
    u0h_ref[0] = u0[:, :NCOL]
    u0h_ref[1] = u0[:, NCOL:]
    hbh_ref[0] = hb[:, :NCOL]
    hbh_ref[1] = hb[:, NCOL:]
    a = (1.0 - ALPHA) * dinv * dinv
    rc = lax.sqrt(deg)
    coef_ref[...] = jnp.concatenate(
        [a, rc] + [jnp.zeros_like(a)] * 14, axis=1)


def _prep(deg_p, h0):
    return pl.pallas_call(
        _prep_body,
        grid=(N // ROW_BLOCK,),
        in_specs=[
            pl.BlockSpec((NC, ROW_BLOCK, 16), lambda i: (0, i, 0)),
            pl.BlockSpec((ROW_BLOCK, N_CLASSES), lambda i: (i, 0)),
        ],
        out_specs=[
            pl.BlockSpec((NC, ROW_BLOCK, NCOL), lambda i: (0, i, 0)),
            pl.BlockSpec((NC, ROW_BLOCK, NCOL), lambda i: (0, i, 0)),
            pl.BlockSpec((ROW_BLOCK, 16), lambda i: (i, 0)),
        ],
        out_shape=[
            jax.ShapeDtypeStruct((NC, N_PAD, NCOL), jnp.float32),
            jax.ShapeDtypeStruct((NC, N_PAD, NCOL), jnp.float32),
            jax.ShapeDtypeStruct((N_PAD, 16), jnp.float32),
        ],
    )(deg_p, h0)


def _diff_body(u0h, hbh, coef, src4, dst4, zeros32, zout,
               u_sp, acc, sbuf, dbuf, rows, hb_v, cf_v, zb,
               cb_acc, cb_u, isem, gsem, ssem):
    c = lax.axis_index("c")
    s = lax.axis_index("s")
    row0 = s * RPT
    pltpu.sync_copy(u0h.at[c].at[pl.ds(row0, RPT)], u_sp.at[pl.ds(row0, RPT)])
    pltpu.sync_copy(zeros32.at[pl.ds(row0, RPT)], acc.at[pl.ds(row0, RPT)])
    pltpu.sync_copy(hbh.at[c].at[pl.ds(row0, RPT)], hb_v)
    pltpu.sync_copy(coef.at[pl.ds(row0, RPT)], cf_v)
    pltpu.sync_copy(zeros32.at[pl.ds(0, RPT)], zb)
    pltpu.async_copy(src4.at[s].at[0], sbuf.at[0], isem.at[0])
    pltpu.async_copy(dst4.at[s].at[0], dbuf.at[0], isem.at[0])
    plsc.subcore_barrier()

    @pl.loop(0, K_ITERS)
    def _(k):
        @pl.loop(0, NBLK)
        def _(j):
            pb = j % 4

            @pl.when(j + 1 < NBLK)
            def _():
                nb = (j + 1) % 4
                pltpu.async_copy(src4.at[s].at[j + 1], sbuf.at[nb],
                                 isem.at[nb])
                pltpu.async_copy(dst4.at[s].at[j + 1], dbuf.at[nb],
                                 isem.at[nb])

            pltpu.make_async_copy(src4.at[s].at[j], sbuf.at[pb],
                                  isem.at[pb]).wait()
            pltpu.make_async_copy(dst4.at[s].at[j], dbuf.at[pb],
                                  isem.at[pb]).wait()
            for b in range(RING):
                @pl.when(j > 0)
                def _():
                    pltpu.make_async_copy(u0h.at[c].at[pl.ds(0, GL)],
                                          rows.at[b], ssem.at[b]).wait()

                pltpu.async_copy(u_sp.at[sbuf.at[pb].at[b]], rows.at[b],
                                 gsem.at[b])
            for b in range(RING):
                pltpu.make_async_copy(u0h.at[c].at[pl.ds(0, GL)], rows.at[b],
                                      gsem.at[b]).wait()
                pltpu.async_copy(rows.at[b], acc.at[dbuf.at[pb].at[b]],
                                 ssem.at[b], add=True)

        for b in range(RING):
            pltpu.make_async_copy(u0h.at[c].at[pl.ds(0, GL)], rows.at[b],
                                  ssem.at[b]).wait()
        @pl.when(k + 1 < K_ITERS)
        def _():
            pltpu.async_copy(src4.at[s].at[0], sbuf.at[0], isem.at[0])
            pltpu.async_copy(dst4.at[s].at[0], dbuf.at[0], isem.at[0])
        plsc.subcore_barrier()

        for ch in range(4):
            r0 = row0 + ch * RCH
            pltpu.sync_copy(acc.at[pl.ds(r0, RCH)], cb_acc)
            pltpu.sync_copy(u_sp.at[pl.ds(r0, RCH)], cb_u)

            @pl.loop(0, RCH)
            def _(r):
                av = cf_v[ch * RCH + r, pl.ds(0, 16)][0]
                for cc in range(NCOL // 16):
                    x = cb_acc[r, pl.ds(cc * 16, 16)] + cb_u[r, pl.ds(cc * 16, 16)]
                    cb_u[r, pl.ds(cc * 16, 16)] = (
                        av * x + hb_v[ch * RCH + r, pl.ds(cc * 16, 16)])

            pltpu.sync_copy(cb_u, u_sp.at[pl.ds(r0, RCH)])
            pltpu.sync_copy(zb.at[pl.ds(0, RCH)], acc.at[pl.ds(r0, RCH)])
        plsc.subcore_barrier()

    for ch in range(4):
        r0 = row0 + ch * RCH
        pltpu.sync_copy(u_sp.at[pl.ds(r0, RCH)], cb_u)

        @pl.loop(0, RCH)
        def _(r):
            rv = cf_v[ch * RCH + r, pl.ds(0, 16)][1]
            for cc in range(NCOL // 16):
                cb_u[r, pl.ds(cc * 16, 16)] = rv * cb_u[r, pl.ds(cc * 16, 16)]

        pltpu.sync_copy(cb_u, zout.at[c].at[pl.ds(r0, RCH)])


def _diffusion(u0h, hbh, coef, src4, dst4, zeros32):
    kern = pl.kernel(
        _diff_body,
        out_type=jax.ShapeDtypeStruct((NC, N_PAD, NCOL), jnp.float32),
        mesh=_mesh,
        compiler_params=_sc_params,
        scratch_types=[
            pltpu.VMEM_SHARED((N_PAD, NCOL), jnp.float32),
            pltpu.VMEM_SHARED((N_PAD, NCOL), jnp.float32),
            pltpu.VMEM((4, RING, GL), jnp.int32),
            pltpu.VMEM((4, RING, GL), jnp.int32),
            pltpu.VMEM((RING, GL, NCOL), jnp.float32),
            pltpu.VMEM((RPT, NCOL), jnp.float32),
            pltpu.VMEM((RPT, 16), jnp.float32),
            pltpu.VMEM((RPT, NCOL), jnp.float32),
            pltpu.VMEM((RCH, NCOL), jnp.float32),
            pltpu.VMEM((RCH, NCOL), jnp.float32),
            pltpu.SemaphoreType.DMA((4,)),
            pltpu.SemaphoreType.DMA((RING,)),
            pltpu.SemaphoreType.DMA((RING,)),
        ],
    )
    return kern(u0h, hbh, coef, src4, dst4, zeros32)


def _final_body(zh_ref, z_ref, soft_ref):
    z = jnp.concatenate([zh_ref[0], zh_ref[1]], axis=1)
    z_ref[...] = z
    m = jnp.max(z, axis=1, keepdims=True)
    e = jnp.exp(z - m)
    soft_ref[...] = e / jnp.sum(e, axis=1, keepdims=True)


def _final(zh):
    return pl.pallas_call(
        _final_body,
        grid=(N // ROW_BLOCK,),
        in_specs=[pl.BlockSpec((NC, ROW_BLOCK, NCOL), lambda i: (0, i, 0))],
        out_specs=[
            pl.BlockSpec((ROW_BLOCK, N_CLASSES), lambda i: (i, 0)),
            pl.BlockSpec((ROW_BLOCK, N_CLASSES), lambda i: (i, 0)),
        ],
        out_shape=[
            jax.ShapeDtypeStruct((N, N_CLASSES), jnp.float32),
            jax.ShapeDtypeStruct((N, N_CLASSES), jnp.float32),
        ],
    )(zh)


def kernel(x, edge_index, W1, b1, W2, b2):
    src = edge_index[0].astype(jnp.int32)
    dst = edge_index[1].astype(jnp.int32)
    pad = jnp.full((E_PAD - E,), DUMMY, jnp.int32)
    src4 = jnp.concatenate([src, pad]).reshape(NS, NBLK, RING, GL)
    dst4 = jnp.concatenate([dst, pad]).reshape(NS, NBLK, RING, GL)
    dst3 = dst4.reshape(NW_DEG, E_PAD // NW_DEG // GL, GL)
    zeros32 = jnp.zeros((N_PAD, NCOL), jnp.float32)
    zeros16 = jnp.zeros((N_PAD, 16), jnp.float32)
    ones16 = jnp.ones((GL, 16), jnp.float32)

    h0 = _mlp(x, W1, b1, W2, b2)
    deg_p = _deg_partials(dst3, ones16, zeros16)
    u0h, hbh, coef = _prep(deg_p, h0)
    zh = _diffusion(u0h, hbh, coef, src4, dst4, zeros32)
    z, soft = _final(zh)
    return (z, soft)

# --- scband reference (transcript-rebuilt; emitter-appended) ---
"""Pipeline reference for scband-appnp-80616536146468 (READ-ONLY COPY).

The authoritative reference and input builder live on the scoring server;
editing this copy changes nothing except your own understanding.
"""

import jax, jax.numpy as jnp
import numpy as np

N = 10000
E = 320000
D_IN = 128
D_HID = 64
N_CLASSES = 64
K_ITERS = 10
ALPHA = 0.1


def setup_inputs(seed: int = 0) -> dict:
    key = jax.random.key(seed)
    k1, k2, k3, k4 = jax.random.split(key, 4)
    x = jax.random.normal(k1, (N, D_IN), dtype=jnp.float32)
    edge_index = jax.random.randint(k2, (2, E), 0, N)
    W1 = jax.random.normal(k3, (D_HID, D_IN), dtype=jnp.float32) * 0.05
    b1 = jnp.zeros((D_HID,), dtype=jnp.float32)
    W2 = jax.random.normal(k4, (N_CLASSES, D_HID), dtype=jnp.float32) * 0.05
    b2 = jnp.zeros((N_CLASSES,), dtype=jnp.float32)
    return {"x": x, "edge_index": edge_index, "W1": W1, "b1": b1, "W2": W2, "b2": b2}


def _appnp_diffusion(h, edge_index):
    # APPNPConv: add self loops, GCN symmetric normalization, K power-iteration steps
    src = edge_index[0]
    dst = edge_index[1]
    loop = jnp.arange(N, dtype=src.dtype)
    src = jnp.concatenate([src, loop])
    dst = jnp.concatenate([dst, loop])
    deg = jnp.zeros((N,), dtype=h.dtype).at[dst].add(1.0)
    dinv = jax.lax.rsqrt(jnp.maximum(deg, 1.0))
    norm = dinv[src] * dinv[dst]
    h0 = h
    z = h
    for _ in range(K_ITERS):
        msg = norm[:, None] * z[src]
        agg = jax.ops.segment_sum(msg, dst, num_segments=N)
        z = (1.0 - ALPHA) * agg + ALPHA * h0
    return z


def reference(x, edge_index, W1, b1, W2, b2):
    # MLP feature transformation (blocks), then APPNP diffusion of the logits
    h = jnp.maximum(x @ W1.T + b1, 0.0)
    logits = h @ W2.T + b2
    logits_diffused = _appnp_diffusion(logits, edge_index)
    soft = jax.nn.softmax(logits_diffused, axis=1)
    return (logits_diffused, soft)

if __name__ == "__main__":
    import jax
    _d = setup_inputs()
    print(jax.jit(kernel)(*tuple(_d.values())))

</pallas_src>

<mosaic_0001>
#map = affine_map<(d0, d1) -> (0, 0, 0)>
#map1 = affine_map<(d0, d1) -> (0, 0)>
module attributes {stable_mosaic.version = 14 : i64} {
  func.func @_deg_body(%arg0: i32, %arg1: i32, %arg2: memref<32x80x128xi32, #tpu.memory_space<hbm>>, %arg3: memref<128x16xf32, #tpu.memory_space<hbm>>, %arg4: memref<10112x16xf32, #tpu.memory_space<hbm>>, %arg5: memref<2x10112x16xf32, #tpu.memory_space<hbm>>, %arg6: memref<10112x16xf32, #tpu.memory_space<vmem_shared>>, %arg7: memref<80x128xi32, #tpu.memory_space<vmem>>, %arg8: memref<128x16xf32, #tpu.memory_space<vmem>>, %arg9: memref<!tpu.dma_semaphore, #tpu.memory_space<semaphore_mem>>) attributes {dimension_semantics = [#tpu.dimension_semantics<core_parallel>, #tpu.dimension_semantics<subcore_parallel>], iteration_bounds = array<i64: 2, 16>, scalar_prefetch = 0 : i64, scratch_operands = 4 : i64, tpu.core_type = #tpu.core_type<sc_vector_subcore>, window_params = [{transform_indices = #map}, {transform_indices = #map1}, {transform_indices = #map1}, {transform_indices = #map}]} {
    %mul3A = arith.constant 16 : i32
    %mul3A_0 = arith.muli %arg0, %mul3A : i32
    %add3A = arith.addi %mul3A_0, %arg1 : i32
    "tpu.region"() ({
      %run_scoped3A = tpu.sem_alloc : memref<!tpu.dma_semaphore, #tpu.memory_space<semaphore_mem>>
      %dma_start3A = arith.constant 0 : i32
      %dma_start3A_18 = arith.constant 0 : i32
      %dma_start3A_19 = tpu.memref_slice %arg2[%add3A, %dma_start3A, %dma_start3A_18] : memref<32x80x128xi32, #tpu.memory_space<hbm>> -> memref<1x80x128xi32, #tpu.memory_space<hbm>>
      %dma_start3A_20 = tpu.memref_squeeze %dma_start3A_19 : memref<1x80x128xi32, #tpu.memory_space<hbm>> -> memref<80x128xi32, #tpu.memory_space<hbm>>
      %dma_start3A_21 = arith.constant 0 : i32
      %dma_start3A_22 = arith.constant 0 : i32
      %dma_start3A_23 = tpu.memref_slice %arg2[%add3A, %dma_start3A_21, %dma_start3A_22] : memref<32x80x128xi32, #tpu.memory_space<hbm>> -> memref<1x80x128xi32, #tpu.memory_space<hbm>>
      %dma_start3A_24 = tpu.memref_squeeze %dma_start3A_23 : memref<1x80x128xi32, #tpu.memory_space<hbm>> -> memref<80x128xi32, #tpu.memory_space<hbm>>
      tpu.enqueue_dma source(%dma_start3A_24 : memref<80x128xi32, #tpu.memory_space<hbm>>) target(%arg7 : memref<80x128xi32, #tpu.memory_space<vmem>>) target_semaphore(%run_scoped3A : memref<!tpu.dma_semaphore, #tpu.memory_space<semaphore_mem>>)
      %dma_wait3A = arith.constant 0 : i32
      %dma_wait3A_25 = arith.constant 0 : i32
      %dma_wait3A_26 = tpu.memref_slice %arg2[%add3A, %dma_wait3A, %dma_wait3A_25] : memref<32x80x128xi32, #tpu.memory_space<hbm>> -> memref<1x80x128xi32, #tpu.memory_space<hbm>>
      %dma_wait3A_27 = tpu.memref_squeeze %dma_wait3A_26 : memref<1x80x128xi32, #tpu.memory_space<hbm>> -> memref<80x128xi32, #tpu.memory_space<hbm>>
      %dma_wait3A_28 = arith.constant 0 : i32
      %dma_wait3A_29 = arith.constant 0 : i32
      %dma_wait3A_30 = tpu.memref_slice %arg2[%add3A, %dma_wait3A_28, %dma_wait3A_29] : memref<32x80x128xi32, #tpu.memory_space<hbm>> -> memref<1x80x128xi32, #tpu.memory_space<hbm>>
      %dma_wait3A_31 = tpu.memref_squeeze %dma_wait3A_30 : memref<1x80x128xi32, #tpu.memory_space<hbm>> -> memref<80x128xi32, #tpu.memory_space<hbm>>
      tpu.wait_dma2 semaphore(%run_scoped3A : memref<!tpu.dma_semaphore, #tpu.memory_space<semaphore_mem>>) src(%dma_wait3A_31 : memref<80x128xi32, #tpu.memory_space<hbm>>) dst(%arg7 : memref<80x128xi32, #tpu.memory_space<vmem>>)
      tpu.yield
    }) : () -> ()
    "tpu.region"() ({
      %run_scoped3A = tpu.sem_alloc : memref<!tpu.dma_semaphore, #tpu.memory_space<semaphore_mem>>
      tpu.enqueue_dma source(%arg3 : memref<128x16xf32, #tpu.memory_space<hbm>>) target(%arg8 : memref<128x16xf32, #tpu.memory_space<vmem>>) target_semaphore(%run_scoped3A : memref<!tpu.dma_semaphore, #tpu.memory_space<semaphore_mem>>)
      tpu.wait_dma2 semaphore(%run_scoped3A : memref<!tpu.dma_semaphore, #tpu.memory_space<semaphore_mem>>) src(%arg3 : memref<128x16xf32, #tpu.memory_space<hbm>>) dst(%arg8 : memref<128x16xf32, #tpu.memory_space<vmem>>)
      tpu.yield
    }) : () -> ()
    %mul3A_1 = arith.constant 632 : i32
    %mul3A_2 = arith.muli %arg1, %mul3A_1 : i32
    "tpu.region"() ({
      %run_scoped3A = tpu.sem_alloc : memref<!tpu.dma_semaphore, #tpu.memory_space<semaphore_mem>>
      %dma_start3A = arith.constant 0 : i32
      %dma_start3A_18 = tpu.memref_slice %arg6[%mul3A_2, %dma_start3A] : memref<10112x16xf32, #tpu.memory_space<vmem_shared>> -> memref<632x16xf32, #tpu.memory_space<vmem_shared>>
      %dma_start3A_19 = arith.constant 0 : i32
      %dma_start3A_20 = tpu.memref_slice %arg4[%mul3A_2, %dma_start3A_19] : memref<10112x16xf32, #tpu.memory_space<hbm>> -> memref<632x16xf32, #tpu.memory_space<hbm>>
      tpu.enqueue_dma source(%dma_start3A_20 : memref<632x16xf32, #tpu.memory_space<hbm>>) target(%dma_start3A_18 : memref<632x16xf32, #tpu.memory_space<vmem_shared>>) target_semaphore(%run_scoped3A : memref<!tpu.dma_semaphore, #tpu.memory_space<semaphore_mem>>)
      %dma_wait3A = arith.constant 0 : i32
      %dma_wait3A_21 = tpu.memref_slice %arg6[%mul3A_2, %dma_wait3A] : memref<10112x16xf32, #tpu.memory_space<vmem_shared>> -> memref<632x16xf32, #tpu.memory_space<vmem_shared>>
      %dma_wait3A_22 = arith.constant 0 : i32
      %dma_wait3A_23 = tpu.memref_slice %arg4[%mul3A_2, %dma_wait3A_22] : memref<10112x16xf32, #tpu.memory_space<hbm>> -> memref<632x16xf32, #tpu.memory_space<hbm>>
      tpu.wait_dma2 semaphore(%run_scoped3A : memref<!tpu.dma_semaphore, #tpu.memory_space<semaphore_mem>>) src(%dma_wait3A_23 : memref<632x16xf32, #tpu.memory_space<hbm>>) dst(%dma_wait3A_21 : memref<632x16xf32, #tpu.memory_space<vmem_shared>>)
      tpu.yield
    }) : () -> ()
    %barrier3A = arith.constant 0 : index
    tpu.barrier barrier_id(%barrier3A)
    %scan3A = arith.constant 0 : i32
    %scan3A_3 = arith.constant 8 : i32
    %scan3A_4 = arith.addi %scan3A, %scan3A_3 : i32
    %scan3A_5 = arith.constant 1 : i32
    scf.for %scan3A_18 = %scan3A to %scan3A_4 step %scan3A_5  : i32 {
      %mul3A_19 = arith.constant 1 : i32
      %mul3A_20 = arith.muli %scan3A_18, %mul3A_19 : i32
      %add3A_21 = arith.constant 0 : i32
      %add3A_22 = arith.addi %add3A_21, %mul3A_20 : i32
      %dma_start3A = arith.constant 0 : i32
      %dma_start3A_23 = tpu.memref_slice %arg7[%add3A_22, %dma_start3A] : memref<80x128xi32, #tpu.memory_space<vmem>> -> memref<1x128xi32, #tpu.memory_space<vmem>>
      %dma_start3A_24 = tpu.memref_squeeze %dma_start3A_23 : memref<1x128xi32, #tpu.memory_space<vmem>> -> memref<128xi32, #tpu.memory_space<vmem>>
      %dma_start3A_25 = arith.constant 0 : i32
      %dma_start3A_26 = arith.constant 0 : i32
      %dma_start3A_27 = tpu.memref_slice %arg6[%dma_start3A_25, %dma_start3A_26] : memref<10112x16xf32, #tpu.memory_space<vmem_shared>> -> memref<10112x16xf32, #tpu.memory_space<vmem_shared>>
      tpu.enqueue_indirect_dma source(%arg8 : memref<128x16xf32, #tpu.memory_space<vmem>>) target(%dma_start3A_27 : memref<10112x16xf32, #tpu.memory_space<vmem_shared>>) offsets(%dma_start3A_24 : memref<128xi32, #tpu.memory_space<vmem>>) semaphore(%arg9 : memref<!tpu.dma_semaphore, #tpu.memory_space<semaphore_mem>>) {add = true}
    }
    %scan3A_6 = arith.constant 8 : i32
    %scan3A_7 = arith.constant 0 : i32
    %scan3A_8 = arith.constant 72 : i32
    %scan3A_9 = arith.addi %scan3A_7, %scan3A_8 : i32
    %scan3A_10 = arith.constant 1 : i32
    scf.for %scan3A_18 = %scan3A_7 to %scan3A_9 step %scan3A_10  : i32 {
      %mul3A_19 = arith.constant 1 : i32
      %mul3A_20 = arith.muli %scan3A_18, %mul3A_19 : i32
      %add3A_21 = arith.constant 8 : i32
      %add3A_22 = arith.addi %add3A_21, %mul3A_20 : i32
      tpu.wait_dma2 semaphore(%arg9 : memref<!tpu.dma_semaphore, #tpu.memory_space<semaphore_mem>>) src(%arg3 : memref<128x16xf32, #tpu.memory_space<hbm>>) dst(%arg8 : memref<128x16xf32, #tpu.memory_space<vmem>>)
      %dma_start3A = arith.constant 0 : i32
      %dma_start3A_23 = tpu.memref_slice %arg7[%add3A_22, %dma_start3A] : memref<80x128xi32, #tpu.memory_space<vmem>> -> memref<1x128xi32, #tpu.memory_space<vmem>>
      %dma_start3A_24 = tpu.memref_squeeze %dma_start3A_23 : memref<1x128xi32, #tpu.memory_space<vmem>> -> memref<128xi32, #tpu.memory_space<vmem>>
      %dma_start3A_25 = arith.constant 0 : i32
      %dma_start3A_26 = arith.constant 0 : i32
      %dma_start3A_27 = tpu.memref_slice %arg6[%dma_start3A_25, %dma_start3A_26] : memref<10112x16xf32, #tpu.memory_space<vmem_shared>> -> memref<10112x16xf32, #tpu.memory_space<vmem_shared>>
      tpu.enqueue_indirect_dma source(%arg8 : memref<128x16xf32, #tpu.memory_space<vmem>>) target(%dma_start3A_27 : memref<10112x16xf32, #tpu.memory_space<vmem_shared>>) offsets(%dma_start3A_24 : memref<128xi32, #tpu.memory_space<vmem>>) semaphore(%arg9 : memref<!tpu.dma_semaphore, #tpu.memory_space<semaphore_mem>>) {add = true}
    }
    %scan3A_11 = arith.constant 72 : i32
    %scan3A_12 = arith.constant 0 : i32
    %scan3A_13 = arith.constant 8 : i32
    %scan3A_14 = arith.addi %scan3A_12, %scan3A_13 : i32
    %scan3A_15 = arith.constant 1 : i32
    scf.for %scan3A_18 = %scan3A_12 to %scan3A_14 step %scan3A_15  : i32 {
      %mul3A_19 = arith.constant 1 : i32
      %mul3A_20 = arith.muli %scan3A_18, %mul3A_19 : i32
      %add3A_21 = arith.constant 0 : i32
      %add3A_22 = arith.addi %add3A_21, %mul3A_20 : i32
      tpu.wait_dma2 semaphore(%arg9 : memref<!tpu.dma_semaphore, #tpu.memory_space<semaphore_mem>>) src(%arg3 : memref<128x16xf32, #tpu.memory_space<hbm>>) dst(%arg8 : memref<128x16xf32, #tpu.memory_space<vmem>>)
    }
    %scan3A_16 = arith.constant 8 : i32
    %barrier3A_17 = arith.constant 0 : index
    tpu.barrier barrier_id(%barrier3A_17)
    "tpu.region"() ({
      %run_scoped3A = tpu.sem_alloc : memref<!tpu.dma_semaphore, #tpu.memory_space<semaphore_mem>>
      %dma_start3A = arith.constant 0 : i32
      %dma_start3A_18 = arith.constant 0 : i32
      %dma_start3A_19 = tpu.memref_slice %arg5[%arg0, %dma_start3A, %dma_start3A_18] : memref<2x10112x16xf32, #tpu.memory_space<hbm>> -> memref<1x10112x16xf32, #tpu.memory_space<hbm>>
      %dma_start3A_20 = tpu.memref_squeeze %dma_start3A_19 : memref<1x10112x16xf32, #tpu.memory_space<hbm>> -> memref<10112x16xf32, #tpu.memory_space<hbm>>
      %dma_start3A_21 = arith.constant 0 : i32
      %dma_start3A_22 = tpu.memref_slice %dma_start3A_20[%mul3A_2, %dma_start3A_21] : memref<10112x16xf32, #tpu.memory_space<hbm>> -> memref<632x16xf32, #tpu.memory_space<hbm>>
      %dma_start3A_23 = arith.constant 0 : i32
      %dma_start3A_24 = tpu.memref_slice %arg6[%mul3A_2, %dma_start3A_23] : memref<10112x16xf32, #tpu.memory_space<vmem_shared>> -> memref<632x16xf32, #tpu.memory_space<vmem_shared>>
      tpu.enqueue_dma source(%dma_start3A_24 : memref<632x16xf32, #tpu.memory_space<vmem_shared>>) target(%dma_start3A_22 : memref<632x16xf32, #tpu.memory_space<hbm>>) target_semaphore(%run_scoped3A : memref<!tpu.dma_semaphore, #tpu.memory_space<semaphore_mem>>)
      %dma_wait3A = arith.constant 0 : i32
      %dma_wait3A_25 = arith.constant 0 : i32
      %dma_wait3A_26 = tpu.memref_slice %arg5[%arg0, %dma_wait3A, %dma_wait3A_25] : memref<2x10112x16xf32, #tpu.memory_space<hbm>> -> memref<1x10112x16xf32, #tpu.memory_space<hbm>>
      %dma_wait3A_27 = tpu.memref_squeeze %dma_wait3A_26 : memref<1x10112x16xf32, #tpu.memory_space<hbm>> -> memref<10112x16xf32, #tpu.memory_space<hbm>>
      %dma_wait3A_28 = arith.constant 0 : i32
      %dma_wait3A_29 = tpu.memref_slice %dma_wait3A_27[%mul3A_2, %dma_wait3A_28] : memref<10112x16xf32, #tpu.memory_space<hbm>> -> memref<632x16xf32, #tpu.memory_space<hbm>>
      %dma_wait3A_30 = arith.constant 0 : i32
      %dma_wait3A_31 = tpu.memref_slice %arg6[%mul3A_2, %dma_wait3A_30] : memref<10112x16xf32, #tpu.memory_space<vmem_shared>> -> memref<632x16xf32, #tpu.memory_space<vmem_shared>>
      tpu.wait_dma2 semaphore(%run_scoped3A : memref<!tpu.dma_semaphore, #tpu.memory_space<semaphore_mem>>) src(%dma_wait3A_31 : memref<632x16xf32, #tpu.memory_space<vmem_shared>>) dst(%dma_wait3A_29 : memref<632x16xf32, #tpu.memory_space<hbm>>)
      tpu.yield
    }) : () -> ()
    return
  }
}

#map = affine_map<(d0, d1) -> (0, 0, 0)>
#map1 = affine_map<(d0, d1) -> (0, 0)>
#map2 = affine_map<(d0, d1) -> (0, 0, 0, 0)>
module attributes {stable_mosaic.version = 14 : i64} {
  func.func @_diff_body(%arg0: i32, %arg1: i32, %arg2: memref<2x10112x32xf32, #tpu.memory_space<hbm>>, %arg3: memref<2x10112x32xf32, #tpu.memory_space<hbm>>, %arg4: memref<10112x16xf32, #tpu.memory_space<hbm>>, %arg5: memref<16x40x4x128xi32, #tpu.memory_space<hbm>>, %arg6: memref<16x40x4x128xi32, #tpu.memory_space<hbm>>, %arg7: memref<10112x32xf32, #tpu.memory_space<hbm>>, %arg8: memref<2x10112x32xf32, #tpu.memory_space<hbm>>, %arg9: memref<10112x32xf32, #tpu.memory_space<vmem_shared>>, %arg10: memref<10112x32xf32, #tpu.memory_space<vmem_shared>>, %arg11: memref<4x4x128xi32, #tpu.memory_space<vmem>>, %arg12: memref<4x4x128xi32, #tpu.memory_space<vmem>>, %arg13: memref<4x128x32xf32, #tpu.memory_space<vmem>>, %arg14: memref<632x32xf32, #tpu.memory_space<vmem>>, %arg15: memref<632x16xf32, #tpu.memory_space<vmem>>, %arg16: memref<632x32xf32, #tpu.memory_space<vmem>>, %arg17: memref<158x32xf32, #tpu.memory_space<vmem>>, %arg18: memref<158x32xf32, #tpu.memory_space<vmem>>, %arg19: memref<4x!tpu.dma_semaphore, #tpu.memory_space<semaphore_mem>>, %arg20: memref<4x!tpu.dma_semaphore, #tpu.memory_space<semaphore_mem>>, %arg21: memref<4x!tpu.dma_semaphore, #tpu.memory_space<semaphore_mem>>) attributes {dimension_semantics = [#tpu.dimension_semantics<core_parallel>, #tpu.dimension_semantics<subcore_parallel>], iteration_bounds = array<i64: 2, 16>, scalar_prefetch = 0 : i64, scratch_operands = 13 : i64, tpu.core_type = #tpu.core_type<sc_vector_subcore>, window_params = [{transform_indices = #map}, {transform_indices = #map}, {transform_indices = #map1}, {transform_indices = #map2}, {transform_indices = #map2}, {transform_indices = #map1}, {transform_indices = #map}]} {
    %mul3A = arith.constant 632 : i32
    %mul3A_0 = arith.muli %arg1, %mul3A : i32
    "tpu.region"() ({
      %run_scoped3A = tpu.sem_alloc : memref<!tpu.dma_semaphore, #tpu.memory_space<semaphore_mem>>
      %dma_start3A_93 = arith.constant 0 : i32
      %dma_start3A_94 = tpu.memref_slice %arg9[%mul3A_0, %dma_start3A_93] : memref<10112x32xf32, #tpu.memory_space<vmem_shared>> -> memref<632x32xf32, #tpu.memory_space<vmem_shared>>
      %dma_start3A_95 = arith.constant 0 : i32
      %dma_start3A_96 = arith.constant 0 : i32
      %dma_start3A_97 = tpu.memref_slice %arg2[%arg0, %dma_start3A_95, %dma_start3A_96] : memref<2x10112x32xf32, #tpu.memory_space<hbm>> -> memref<1x10112x32xf32, #tpu.memory_space<hbm>>
      %dma_start3A_98 = tpu.memref_squeeze %dma_start3A_97 : memref<1x10112x32xf32, #tpu.memory_space<hbm>> -> memref<10112x32xf32, #tpu.memory_space<hbm>>
      %dma_start3A_99 = arith.constant 0 : i32
      %dma_start3A_100 = tpu.memref_slice %dma_start3A_98[%mul3A_0, %dma_start3A_99] : memref<10112x32xf32, #tpu.memory_space<hbm>> -> memref<632x32xf32, #tpu.memory_space<hbm>>
      tpu.enqueue_dma source(%dma_start3A_100 : memref<632x32xf32, #tpu.memory_space<hbm>>) target(%dma_start3A_94 : memref<632x32xf32, #tpu.memory_space<vmem_shared>>) target_semaphore(%run_scoped3A : memref<!tpu.dma_semaphore, #tpu.memory_space<semaphore_mem>>)
      %dma_wait3A = arith.constant 0 : i32
      %dma_wait3A_101 = tpu.memref_slice %arg9[%mul3A_0, %dma_wait3A] : memref<10112x32xf32, #tpu.memory_space<vmem_shared>> -> memref<632x32xf32, #tpu.memory_space<vmem_shared>>
      %dma_wait3A_102 = arith.constant 0 : i32
      %dma_wait3A_103 = arith.constant 0 : i32
      %dma_wait3A_104 = tpu.memref_slice %arg2[%arg0, %dma_wait3A_102, %dma_wait3A_103] : memref<2x10112x32xf32, #tpu.memory_space<hbm>> -> memref<1x10112x32xf32, #tpu.memory_space<hbm>>
      %dma_wait3A_105 = tpu.memref_squeeze %dma_wait3A_104 : memref<1x10112x32xf32, #tpu.memory_space<hbm>> -> memref<10112x32xf32, #tpu.memory_space<hbm>>
      %dma_wait3A_106 = arith.constant 0 : i32
      %dma_wait3A_107 = tpu.memref_slice %dma_wait3A_105[%mul3A_0, %dma_wait3A_106] : memref<10112x32xf32, #tpu.memory_space<hbm>> -> memref<632x32xf32, #tpu.memory_space<hbm>>
      tpu.wait_dma2 semaphore(%run_scoped3A : memref<!tpu.dma_semaphore, #tpu.memory_space<semaphore_mem>>) src(%dma_wait3A_107 : memref<632x32xf32, #tpu.memory_space<hbm>>) dst(%dma_wait3A_101 : memref<632x32xf32, #tpu.memory_space<vmem_shared>>)
      tpu.yield
    }) : () -> ()
    "tpu.region"() ({
      %run_scoped3A = tpu.sem_alloc : memref<!tpu.dma_semaphore, #tpu.memory_space<semaphore_mem>>
      %dma_start3A_93 = arith.constant 0 : i32
      %dma_start3A_94 = tpu.memref_slice %arg10[%mul3A_0, %dma_start3A_93] : memref<10112x32xf32, #tpu.memory_space<vmem_shared>> -> memref<632x32xf32, #tpu.memory_space<vmem_shared>>
      %dma_start3A_95 = arith.constant 0 : i32
      %dma_start3A_96 = tpu.memref_slice %arg7[%mul3A_0, %dma_start3A_95] : memref<10112x32xf32, #tpu.memory_space<hbm>> -> memref<632x32xf32, #tpu.memory_space<hbm>>
      tpu.enqueue_dma source(%dma_start3A_96 : memref<632x32xf32, #tpu.memory_space<hbm>>) target(%dma_start3A_94 : memref<632x32xf32, #tpu.memory_space<vmem_shared>>) target_semaphore(%run_scoped3A : memref<!tpu.dma_semaphore, #tpu.memory_space<semaphore_mem>>)
      %dma_wait3A = arith.constant 0 : i32
      %dma_wait3A_97 = tpu.memref_slice %arg10[%mul3A_0, %dma_wait3A] : memref<10112x32xf32, #tpu.memory_space<vmem_shared>> -> memref<632x32xf32, #tpu.memory_space<vmem_shared>>
      %dma_wait3A_98 = arith.constant 0 : i32
      %dma_wait3A_99 = tpu.memref_slice %arg7[%mul3A_0, %dma_wait3A_98] : memref<10112x32xf32, #tpu.memory_space<hbm>> -> memref<632x32xf32, #tpu.memory_space<hbm>>
      tpu.wait_dma2 semaphore(%run_scoped3A : memref<!tpu.dma_semaphore, #tpu.memory_space<semaphore_mem>>) src(%dma_wait3A_99 : memref<632x32xf32, #tpu.memory_space<hbm>>) dst(%dma_wait3A_97 : memref<632x32xf32, #tpu.memory_space<vmem_shared>>)
      tpu.yield
    }) : () -> ()
    "tpu.region"() ({
      %run_scoped3A = tpu.sem_alloc : memref<!tpu.dma_semaphore, #tpu.memory_space<semaphore_mem>>
      %dma_start3A_93 = arith.constant 0 : i32
      %dma_start3A_94 = arith.constant 0 : i32
      %dma_start3A_95 = tpu.memref_slice %arg3[%arg0, %dma_start3A_93, %dma_start3A_94] : memref<2x10112x32xf32, #tpu.memory_space<hbm>> -> memref<1x10112x32xf32, #tpu.memory_space<hbm>>
      %dma_start3A_96 = tpu.memref_squeeze %dma_start3A_95 : memref<1x10112x32xf32, #tpu.memory_space<hbm>> -> memref<10112x32xf32, #tpu.memory_space<hbm>>
      %dma_start3A_97 = arith.constant 0 : i32
      %dma_start3A_98 = tpu.memref_slice %dma_start3A_96[%mul3A_0, %dma_start3A_97] : memref<10112x32xf32, #tpu.memory_space<hbm>> -> memref<632x32xf32, #tpu.memory_space<hbm>>
      %dma_start3A_99 = arith.constant 0 : i32
      %dma_start3A_100 = arith.constant 0 : i32
      %dma_start3A_101 = tpu.memref_slice %arg3[%arg0, %dma_start3A_99, %dma_start3A_100] : memref<2x10112x32xf32, #tpu.memory_space<hbm>> -> memref<1x10112x32xf32, #tpu.memory_space<hbm>>
      %dma_start3A_102 = tpu.memref_squeeze %dma_start3A_101 : memref<1x10112x32xf32, #tpu.memory_space<hbm>> -> memref<10112x32xf32, #tpu.memory_space<hbm>>
      %dma_start3A_103 = arith.constant 0 : i32
      %dma_start3A_104 = tpu.memref_slice %dma_start3A_102[%mul3A_0, %dma_start3A_103] : memref<10112x32xf32, #tpu.memory_space<hbm>> -> memref<632x32xf32, #tpu.memory_space<hbm>>
      tpu.enqueue_dma source(%dma_start3A_104 : memref<632x32xf32, #tpu.memory_space<hbm>>) target(%arg14 : memref<632x32xf32, #tpu.memory_space<vmem>>) target_semaphore(%run_scoped3A : memref<!tpu.dma_semaphore, #tpu.memory_space<semaphore_mem>>)
      %dma_wait3A = arith.constant 0 : i32
      %dma_wait3A_105 = arith.constant 0 : i32
      %dma_wait3A_106 = tpu.memref_slice %arg3[%arg0, %dma_wait3A, %dma_wait3A_105] : memref<2x10112x32xf32, #tpu.memory_space<hbm>> -> memref<1x10112x32xf32, #tpu.memory_space<hbm>>
      %dma_wait3A_107 = tpu.memref_squeeze %dma_wait3A_106 : memref<1x10112x32xf32, #tpu.memory_space<hbm>> -> memref<10112x32xf32, #tpu.memory_space<hbm>>
      %dma_wait3A_108 = arith.constant 0 : i32
      %dma_wait3A_109 = tpu.memref_slice %dma_wait3A_107[%mul3A_0, %dma_wait3A_108] : memref<10112x32xf32, #tpu.memory_space<hbm>> -> memref<632x32xf32, #tpu.memory_space<hbm>>
      %dma_wait3A_110 = arith.constant 0 : i32
      %dma_wait3A_111 = arith.constant 0 : i32
      %dma_wait3A_112 = tpu.memref_slice %arg3[%arg0, %dma_wait3A_110, %dma_wait3A_111] : memref<2x10112x32xf32, #tpu.memory_space<hbm>> -> memref<1x10112x32xf32, #tpu.memory_space<hbm>>
      %dma_wait3A_113 = tpu.memref_squeeze %dma_wait3A_112 : memref<1x10112x32xf32, #tpu.memory_space<hbm>> -> memref<10112x32xf32, #tpu.memory_space<hbm>>
      %dma_wait3A_114 = arith.constant 0 : i32
      %dma_wait3A_115 = tpu.memref_slice %dma_wait3A_113[%mul3A_0, %dma_wait3A_114] : memref<10112x32xf32, #tpu.memory_space<hbm>> -> memref<632x32xf32, #tpu.memory_space<hbm>>
      tpu.wait_dma2 semaphore(%run_scoped3A : memref<!tpu.dma_semaphore, #tpu.memory_space<semaphore_mem>>) src(%dma_wait3A_115 : memref<632x32xf32, #tpu.memory_space<hbm>>) dst(%arg14 : memref<632x32xf32, #tpu.memory_space<vmem>>)
      tpu.yield
    }) : () -> ()
    "tpu.region"() ({
      %run_scoped3A = tpu.sem_alloc : memref<!tpu.dma_semaphore, #tpu.memory_space<semaphore_mem>>
      %dma_start3A_93 = arith.constant 0 : i32
      %dma_start3A_94 = tpu.memref_slice %arg4[%mul3A_0, %dma_start3A_93] : memref<10112x16xf32, #tpu.memory_space<hbm>> -> memref<632x16xf32, #tpu.memory_space<hbm>>
      %dma_start3A_95 = arith.constant 0 : i32
      %dma_start3A_96 = tpu.memref_slice %arg4[%mul3A_0, %dma_start3A_95] : memref<10112x16xf32, #tpu.memory_space<hbm>> -> memref<632x16xf32, #tpu.memory_space<hbm>>
      tpu.enqueue_dma source(%dma_start3A_96 : memref<632x16xf32, #tpu.memory_space<hbm>>) target(%arg15 : memref<632x16xf32, #tpu.memory_space<vmem>>) target_semaphore(%run_scoped3A : memref<!tpu.dma_semaphore, #tpu.memory_space<semaphore_mem>>)
      %dma_wait3A = arith.constant 0 : i32
      %dma_wait3A_97 = tpu.memref_slice %arg4[%mul3A_0, %dma_wait3A] : memref<10112x16xf32, #tpu.memory_space<hbm>> -> memref<632x16xf32, #tpu.memory_space<hbm>>
      %dma_wait3A_98 = arith.constant 0 : i32
      %dma_wait3A_99 = tpu.memref_slice %arg4[%mul3A_0, %dma_wait3A_98] : memref<10112x16xf32, #tpu.memory_space<hbm>> -> memref<632x16xf32, #tpu.memory_space<hbm>>
      tpu.wait_dma2 semaphore(%run_scoped3A : memref<!tpu.dma_semaphore, #tpu.memory_space<semaphore_mem>>) src(%dma_wait3A_99 : memref<632x16xf32, #tpu.memory_space<hbm>>) dst(%arg15 : memref<632x16xf32, #tpu.memory_space<vmem>>)
      tpu.yield
    }) : () -> ()
    "tpu.region"() ({
      %run_scoped3A = tpu.sem_alloc : memref<!tpu.dma_semaphore, #tpu.memory_space<semaphore_mem>>
      %dma_start3A_93 = arith.constant 0 : i32
      %dma_start3A_94 = arith.constant 0 : i32
      %dma_start3A_95 = tpu.memref_slice %arg7[%dma_start3A_93, %dma_start3A_94] : memref<10112x32xf32, #tpu.memory_space<hbm>> -> memref<632x32xf32, #tpu.memory_space<hbm>>
      %dma_start3A_96 = arith.constant 0 : i32
      %dma_start3A_97 = arith.constant 0 : i32
      %dma_start3A_98 = tpu.memref_slice %arg7[%dma_start3A_96, %dma_start3A_97] : memref<10112x32xf32, #tpu.memory_space<hbm>> -> memref<632x32xf32, #tpu.memory_space<hbm>>
      tpu.enqueue_dma source(%dma_start3A_98 : memref<632x32xf32, #tpu.memory_space<hbm>>) target(%arg16 : memref<632x32xf32, #tpu.memory_space<vmem>>) target_semaphore(%run_scoped3A : memref<!tpu.dma_semaphore, #tpu.memory_space<semaphore_mem>>)
      %dma_wait3A = arith.constant 0 : i32
      %dma_wait3A_99 = arith.constant 0 : i32
      %dma_wait3A_100 = tpu.memref_slice %arg7[%dma_wait3A, %dma_wait3A_99] : memref<10112x32xf32, #tpu.memory_space<hbm>> -> memref<632x32xf32, #tpu.memory_space<hbm>>
      %dma_wait3A_101 = arith.constant 0 : i32
      %dma_wait3A_102 = arith.constant 0 : i32
      %dma_wait3A_103 = tpu.memref_slice %arg7[%dma_wait3A_101, %dma_wait3A_102] : memref<10112x32xf32, #tpu.memory_space<hbm>> -> memref<632x32xf32, #tpu.memory_space<hbm>>
      tpu.wait_dma2 semaphore(%run_scoped3A : memref<!tpu.dma_semaphore, #tpu.memory_space<semaphore_mem>>) src(%dma_wait3A_103 : memref<632x32xf32, #tpu.memory_space<hbm>>) dst(%arg16 : memref<632x32xf32, #tpu.memory_space<vmem>>)
      tpu.yield
    }) : () -> ()
    %dma_start3A = arith.constant 0 : i32
    %dma_start3A_1 = arith.constant 0 : i32
    %dma_start3A_2 = arith.constant 0 : i32
    %dma_start3A_3 = arith.constant 0 : i32
    %dma_start3A_4 = arith.constant 0 : i32
    %dma_start3A_5 = tpu.memref_slice %arg11[%dma_start3A_1, %dma_start3A_3, %dma_start3A_4] : memref<4x4x128xi32, #tpu.memory_space<vmem>> -> memref<1x4x128xi32, #tpu.memory_space<vmem>>
    %dma_start3A_6 = tpu.memref_squeeze %dma_start3A_5 : memref<1x4x128xi32, #tpu.memory_space<vmem>> -> memref<4x128xi32, #tpu.memory_space<vmem>>
    %dma_start3A_7 = arith.constant 0 : i32
    %dma_start3A_8 = arith.constant 0 : i32
    %dma_start3A_9 = arith.constant 0 : i32
    %dma_start3A_10 = tpu.memref_slice %arg5[%arg1, %dma_start3A_7, %dma_start3A_8, %dma_start3A_9] : memref<16x40x4x128xi32, #tpu.memory_space<hbm>> -> memref<1x40x4x128xi32, #tpu.memory_space<hbm>>
    %dma_start3A_11 = tpu.memref_squeeze %dma_start3A_10 : memref<1x40x4x128xi32, #tpu.memory_space<hbm>> -> memref<40x4x128xi32, #tpu.memory_space<hbm>>
    %dma_start3A_12 = arith.constant 0 : i32
    %dma_start3A_13 = arith.constant 0 : i32
    %dma_start3A_14 = tpu.memref_slice %dma_start3A_11[%dma_start3A, %dma_start3A_12, %dma_start3A_13] : memref<40x4x128xi32, #tpu.memory_space<hbm>> -> memref<1x4x128xi32, #tpu.memory_space<hbm>>
    %dma_start3A_15 = tpu.memref_squeeze %dma_start3A_14 : memref<1x4x128xi32, #tpu.memory_space<hbm>> -> memref<4x128xi32, #tpu.memory_space<hbm>>
    %dma_start3A_16 = tpu.memref_slice %arg19[%dma_start3A_2] : memref<4x!tpu.dma_semaphore, #tpu.memory_space<semaphore_mem>> -> memref<1x!tpu.dma_semaphore, #tpu.memory_space<semaphore_mem>>
    %dma_start3A_17 = tpu.memref_squeeze %dma_start3A_16 : memref<1x!tpu.dma_semaphore, #tpu.memory_space<semaphore_mem>> -> memref<!tpu.dma_semaphore, #tpu.memory_space<semaphore_mem>>
    %dma_start3A_18 = arith.constant 0 : i32
    %dma_start3A_19 = arith.constant 0 : i32
    %dma_start3A_20 = tpu.memref_slice %arg11[%dma_start3A_1, %dma_start3A_18, %dma_start3A_19] : memref<4x4x128xi32, #tpu.memory_space<vmem>> -> memref<1x4x128xi32, #tpu.memory_space<vmem>>
    %dma_start3A_21 = tpu.memref_squeeze %dma_start3A_20 : memref<1x4x128xi32, #tpu.memory_space<vmem>> -> memref<4x128xi32, #tpu.memory_space<vmem>>
    %dma_start3A_22 = arith.constant 0 : i32
    %dma_start3A_23 = arith.constant 0 : i32
    %dma_start3A_24 = arith.constant 0 : i32
    %dma_start3A_25 = tpu.memref_slice %arg5[%arg1, %dma_start3A_22, %dma_start3A_23, %dma_start3A_24] : memref<16x40x4x128xi32, #tpu.memory_space<hbm>> -> memref<1x40x4x128xi32, #tpu.memory_space<hbm>>
    %dma_start3A_26 = tpu.memref_squeeze %dma_start3A_25 : memref<1x40x4x128xi32, #tpu.memory_space<hbm>> -> memref<40x4x128xi32, #tpu.memory_space<hbm>>
    %dma_start3A_27 = arith.constant 0 : i32
    %dma_start3A_28 = arith.constant 0 : i32
    %dma_start3A_29 = tpu.memref_slice %dma_start3A_26[%dma_start3A, %dma_start3A_27, %dma_start3A_28] : memref<40x4x128xi32, #tpu.memory_space<hbm>> -> memref<1x4x128xi32, #tpu.memory_space<hbm>>
    %dma_start3A_30 = tpu.memref_squeeze %dma_start3A_29 : memref<1x4x128xi32, #tpu.memory_space<hbm>> -> memref<4x128xi32, #tpu.memory_space<hbm>>
    tpu.enqueue_dma source(%dma_start3A_30 : memref<4x128xi32, #tpu.memory_space<hbm>>) target(%dma_start3A_21 : memref<4x128xi32, #tpu.memory_space<vmem>>) target_semaphore(%dma_start3A_17 : memref<!tpu.dma_semaphore, #tpu.memory_space<semaphore_mem>>)
    %dma_start3A_31 = arith.constant 0 : i32
    %dma_start3A_32 = arith.constant 0 : i32
    %dma_start3A_33 = arith.constant 0 : i32
    %dma_start3A_34 = arith.constant 0 : i32
    %dma_start3A_35 = arith.constant 0 : i32
    %dma_start3A_36 = tpu.memref_slice %arg12[%dma_start3A_32, %dma_start3A_34, %dma_start3A_35] : memref<4x4x128xi32, #tpu.memory_space<vmem>> -> memref<1x4x128xi32, #tpu.memory_space<vmem>>
    %dma_start3A_37 = tpu.memref_squeeze %dma_start3A_36 : memref<1x4x128xi32, #tpu.memory_space<vmem>> -> memref<4x128xi32, #tpu.memory_space<vmem>>
    %dma_start3A_38 = arith.constant 0 : i32
    %dma_start3A_39 = arith.constant 0 : i32
    %dma_start3A_40 = arith.constant 0 : i32
    %dma_start3A_41 = tpu.memref_slice %arg6[%arg1, %dma_start3A_38, %dma_start3A_39, %dma_start3A_40] : memref<16x40x4x128xi32, #tpu.memory_space<hbm>> -> memref<1x40x4x128xi32, #tpu.memory_space<hbm>>
    %dma_start3A_42 = tpu.memref_squeeze %dma_start3A_41 : memref<1x40x4x128xi32, #tpu.memory_space<hbm>> -> memref<40x4x128xi32, #tpu.memory_space<hbm>>
    %dma_start3A_43 = arith.constant 0 : i32
    %dma_start3A_44 = arith.constant 0 : i32
    %dma_start3A_45 = tpu.memref_slice %dma_start3A_42[%dma_start3A_31, %dma_start3A_43, %dma_start3A_44] : memref<40x4x128xi32, #tpu.memory_space<hbm>> -> memref<1x4x128xi32, #tpu.memory_space<hbm>>
    %dma_start3A_46 = tpu.memref_squeeze %dma_start3A_45 : memref<1x4x128xi32, #tpu.memory_space<hbm>> -> memref<4x128xi32, #tpu.memory_space<hbm>>
    %dma_start3A_47 = tpu.memref_slice %arg19[%dma_start3A_33] : memref<4x!tpu.dma_semaphore, #tpu.memory_space<semaphore_mem>> -> memref<1x!tpu.dma_semaphore, #tpu.memory_space<semaphore_mem>>
    %dma_start3A_48 = tpu.memref_squeeze %dma_start3A_47 : memref<1x!tpu.dma_semaphore, #tpu.memory_space<semaphore_mem>> -> memref<!tpu.dma_semaphore, #tpu.memory_space<semaphore_mem>>
    %dma_start3A_49 = arith.constant 0 : i32
    %dma_start3A_50 = arith.constant 0 : i32
    %dma_start3A_51 = tpu.memref_slice %arg12[%dma_start3A_32, %dma_start3A_49, %dma_start3A_50] : memref<4x4x128xi32, #tpu.memory_space<vmem>> -> memref<1x4x128xi32, #tpu.memory_space<vmem>>
    %dma_start3A_52 = tpu.memref_squeeze %dma_start3A_51 : memref<1x4x128xi32, #tpu.memory_space<vmem>> -> memref<4x128xi32, #tpu.memory_space<vmem>>
    %dma_start3A_53 = arith.constant 0 : i32
    %dma_start3A_54 = arith.constant 0 : i32
    %dma_start3A_55 = arith.constant 0 : i32
    %dma_start3A_56 = tpu.memref_slice %arg6[%arg1, %dma_start3A_53, %dma_start3A_54, %dma_start3A_55] : memref<16x40x4x128xi32, #tpu.memory_space<hbm>> -> memref<1x40x4x128xi32, #tpu.memory_space<hbm>>
    %dma_start3A_57 = tpu.memref_squeeze %dma_start3A_56 : memref<1x40x4x128xi32, #tpu.memory_space<hbm>> -> memref<40x4x128xi32, #tpu.memory_space<hbm>>
    %dma_start3A_58 = arith.constant 0 : i32
    %dma_start3A_59 = arith.constant 0 : i32
    %dma_start3A_60 = tpu.memref_slice %dma_start3A_57[%dma_start3A_31, %dma_start3A_58, %dma_start3A_59] : memref<40x4x128xi32, #tpu.memory_space<hbm>> -> memref<1x4x128xi32, #tpu.memory_space<hbm>>
    %dma_start3A_61 = tpu.memref_squeeze %dma_start3A_60 : memref<1x4x128xi32, #tpu.memory_space<hbm>> -> memref<4x128xi32, #tpu.memory_space<hbm>>
    tpu.enqueue_dma source(%dma_start3A_61 : memref<4x128xi32, #tpu.memory_space<hbm>>) target(%dma_start3A_52 : memref<4x128xi32, #tpu.memory_space<vmem>>) target_semaphore(%dma_start3A_48 : memref<!tpu.dma_semaphore, #tpu.memory_space<semaphore_mem>>)
    %barrier3A = arith.constant 0 : index
    tpu.barrier barrier_id(%barrier3A)
    %scan3A = arith.constant 0 : i32
    %scan3A_62 = arith.constant 10 : i32
    %scan3A_63 = arith.addi %scan3A, %scan3A_62 : i32
    %scan3A_64 = arith.constant 1 : i32
    scf.for %scan3A_93 = %scan3A to %scan3A_63 step %scan3A_64  : i32 {
      %mul3A_94 = arith.constant 1 : i32
      %mul3A_95 = arith.muli %scan3A_93, %mul3A_94 : i32
      %add3A_96 = arith.constant 0 : i32
      %add3A_97 = arith.addi %add3A_96, %mul3A_95 : i32
      %scan3A_98 = arith.constant 0 : i32
      %scan3A_99 = arith.constant 40 : i32
      %scan3A_100 = arith.addi %scan3A_98, %scan3A_99 : i32
      %scan3A_101 = arith.constant 1 : i32
      scf.for %scan3A_240 = %scan3A_98 to %scan3A_100 step %scan3A_101  : i32 {
        %mul3A_241 = arith.constant 1 : i32
        %mul3A_242 = arith.muli %scan3A_240, %mul3A_241 : i32
        %add3A_243 = arith.constant 0 : i32
        %add3A_244 = arith.addi %add3A_243, %mul3A_242 : i32
        %jit3A = arith.constant 4 : i32
        %eq3A = arith.constant 0 : i32
        %eq3A_245 = arith.cmpi eq, %jit3A, %eq3A : i32
        %jit3A_246 = arith.constant 1 : i32
        %select_n3A = arith.select %eq3A_245, %jit3A_246, %jit3A : i32
        %rem3A = arith.remsi %add3A_244, %select_n3A : i32
        %ne3A = arith.constant 0 : i32
        %ne3A_247 = arith.cmpi ne, %rem3A, %ne3A : i32
        %lt3A_248 = arith.constant 0 : i32
        %lt3A_249 = arith.cmpi slt, %rem3A, %lt3A_248 : i32
        %lt3A_250 = arith.constant 0 : i32
        %lt3A_251 = arith.cmpi slt, %select_n3A, %lt3A_250 : i32
        %ne3A_252 = arith.xori %lt3A_249, %lt3A_251 : i1
        %and3A = arith.andi %ne3A_252, %ne3A_247 : i1
        %add3A_253 = arith.addi %rem3A, %select_n3A : i32
        %select_n3A_254 = arith.select %and3A, %add3A_253, %rem3A : i32
        %add3A_255 = arith.constant 1 : i32
        %add3A_256 = arith.addi %add3A_244, %add3A_255 : i32
        %lt3A_257 = arith.constant 40 : i32
        %lt3A_258 = arith.cmpi slt, %add3A_256, %lt3A_257 : i32
        %convert_element_type3A_259 = arith.extui %lt3A_258 : i1 to i32
        %cond3A_260 = arith.constant 0 : i32
        %cond3A_261 = arith.cmpi ne, %convert_element_type3A_259, %cond3A_260 : i32
        scf.if %cond3A_261 {
          %add3A_593 = arith.constant 1 : i32
          %add3A_594 = arith.addi %add3A_244, %add3A_593 : i32
          %jit3A_595 = arith.constant 4 : i32
          %eq3A_596 = arith.constant 0 : i32
          %eq3A_597 = arith.cmpi eq, %jit3A_595, %eq3A_596 : i32
          %jit3A_598 = arith.constant 1 : i32
          %select_n3A_599 = arith.select %eq3A_597, %jit3A_598, %jit3A_595 : i32
          %rem3A_600 = arith.remsi %add3A_594, %select_n3A_599 : i32
          %ne3A_601 = arith.constant 0 : i32
          %ne3A_602 = arith.cmpi ne, %rem3A_600, %ne3A_601 : i32
          %lt3A_603 = arith.constant 0 : i32
          %lt3A_604 = arith.cmpi slt, %rem3A_600, %lt3A_603 : i32
          %lt3A_605 = arith.constant 0 : i32
          %lt3A_606 = arith.cmpi slt, %select_n3A_599, %lt3A_605 : i32
          %ne3A_607 = arith.xori %lt3A_604, %lt3A_606 : i1
          %and3A_608 = arith.andi %ne3A_607, %ne3A_602 : i1
          %add3A_609 = arith.addi %rem3A_600, %select_n3A_599 : i32
          %select_n3A_610 = arith.select %and3A_608, %add3A_609, %rem3A_600 : i32
          %add3A_611 = arith.constant 1 : i32
          %add3A_612 = arith.addi %add3A_244, %add3A_611 : i32
          %dma_start3A_613 = arith.constant 0 : i32
          %dma_start3A_614 = arith.constant 0 : i32
          %dma_start3A_615 = tpu.memref_slice %arg11[%select_n3A_610, %dma_start3A_613, %dma_start3A_614] : memref<4x4x128xi32, #tpu.memory_space<vmem>> -> memref<1x4x128xi32, #tpu.memory_space<vmem>>
          %dma_start3A_616 = tpu.memref_squeeze %dma_start3A_615 : memref<1x4x128xi32, #tpu.memory_space<vmem>> -> memref<4x128xi32, #tpu.memory_space<vmem>>
          %dma_start3A_617 = arith.constant 0 : i32
          %dma_start3A_618 = arith.constant 0 : i32
          %dma_start3A_619 = arith.constant 0 : i32
          %dma_start3A_620 = tpu.memref_slice %arg5[%arg1, %dma_start3A_617, %dma_start3A_618, %dma_start3A_619] : memref<16x40x4x128xi32, #tpu.memory_space<hbm>> -> memref<1x40x4x128xi32, #tpu.memory_space<hbm>>
          %dma_start3A_621 = tpu.memref_squeeze %dma_start3A_620 : memref<1x40x4x128xi32, #tpu.memory_space<hbm>> -> memref<40x4x128xi32, #tpu.memory_space<hbm>>
          %dma_start3A_622 = arith.constant 0 : i32
          %dma_start3A_623 = arith.constant 0 : i32
          %dma_start3A_624 = tpu.memref_slice %dma_start3A_621[%add3A_612, %dma_start3A_622, %dma_start3A_623] : memref<40x4x128xi32, #tpu.memory_space<hbm>> -> memref<1x4x128xi32, #tpu.memory_space<hbm>>
          %dma_start3A_625 = tpu.memref_squeeze %dma_start3A_624 : memref<1x4x128xi32, #tpu.memory_space<hbm>> -> memref<4x128xi32, #tpu.memory_space<hbm>>
          %dma_start3A_626 = tpu.memref_slice %arg19[%select_n3A_610] : memref<4x!tpu.dma_semaphore, #tpu.memory_space<semaphore_mem>> -> memref<1x!tpu.dma_semaphore, #tpu.memory_space<semaphore_mem>>
          %dma_start3A_627 = tpu.memref_squeeze %dma_start3A_626 : memref<1x!tpu.dma_semaphore, #tpu.memory_space<semaphore_mem>> -> memref<!tpu.dma_semaphore, #tpu.memory_space<semaphore_mem>>
          %dma_start3A_628 = arith.constant 0 : i32
          %dma_start3A_629 = arith.constant 0 : i32
          %dma_start3A_630 = tpu.memref_slice %arg11[%select_n3A_610, %dma_start3A_628, %dma_start3A_629] : memref<4x4x128xi32, #tpu.memory_space<vmem>> -> memref<1x4x128xi32, #tpu.memory_space<vmem>>
          %dma_start3A_631 = tpu.memref_squeeze %dma_start3A_630 : memref<1x4x128xi32, #tpu.memory_space<vmem>> -> memref<4x128xi32, #tpu.memory_space<vmem>>
          %dma_start3A_632 = arith.constant 0 : i32
          %dma_start3A_633 = arith.constant 0 : i32
          %dma_start3A_634 = arith.constant 0 : i32
          %dma_start3A_635 = tpu.memref_slice %arg5[%arg1, %dma_start3A_632, %dma_start3A_633, %dma_start3A_634] : memref<16x40x4x128xi32, #tpu.memory_space<hbm>> -> memref<1x40x4x128xi32, #tpu.memory_space<hbm>>
          %dma_start3A_636 = tpu.memref_squeeze %dma_start3A_635 : memref<1x40x4x128xi32, #tpu.memory_space<hbm>> -> memref<40x4x128xi32, #tpu.memory_space<hbm>>
          %dma_start3A_637 = arith.constant 0 : i32
          %dma_start3A_638 = arith.constant 0 : i32
          %dma_start3A_639 = tpu.memref_slice %dma_start3A_636[%add3A_612, %dma_start3A_637, %dma_start3A_638] : memref<40x4x128xi32, #tpu.memory_space<hbm>> -> memref<1x4x128xi32, #tpu.memory_space<hbm>>
          %dma_start3A_640 = tpu.memref_squeeze %dma_start3A_639 : memref<1x4x128xi32, #tpu.memory_space<hbm>> -> memref<4x128xi32, #tpu.memory_space<hbm>>
          tpu.enqueue_dma source(%dma_start3A_640 : memref<4x128xi32, #tpu.memory_space<hbm>>) target(%dma_start3A_631 : memref<4x128xi32, #tpu.memory_space<vmem>>) target_semaphore(%dma_start3A_627 : memref<!tpu.dma_semaphore, #tpu.memory_space<semaphore_mem>>)
          %add3A_641 = arith.constant 1 : i32
          %add3A_642 = arith.addi %add3A_244, %add3A_641 : i32
          %dma_start3A_643 = arith.constant 0 : i32
          %dma_start3A_644 = arith.constant 0 : i32
          %dma_start3A_645 = tpu.memref_slice %arg12[%select_n3A_610, %dma_start3A_643, %dma_start3A_644] : memref<4x4x128xi32, #tpu.memory_space<vmem>> -> memref<1x4x128xi32, #tpu.memory_space<vmem>>
          %dma_start3A_646 = tpu.memref_squeeze %dma_start3A_645 : memref<1x4x128xi32, #tpu.memory_space<vmem>> -> memref<4x128xi32, #tpu.memory_space<vmem>>
          %dma_start3A_647 = arith.constant 0 : i32
          %dma_start3A_648 = arith.constant 0 : i32
          %dma_start3A_649 = arith.constant 0 : i32
          %dma_start3A_650 = tpu.memref_slice %arg6[%arg1, %dma_start3A_647, %dma_start3A_648, %dma_start3A_649] : memref<16x40x4x128xi32, #tpu.memory_space<hbm>> -> memref<1x40x4x128xi32, #tpu.memory_space<hbm>>
          %dma_start3A_651 = tpu.memref_squeeze %dma_start3A_650 : memref<1x40x4x128xi32, #tpu.memory_space<hbm>> -> memref<40x4x128xi32, #tpu.memory_space<hbm>>
          %dma_start3A_652 = arith.constant 0 : i32
          %dma_start3A_653 = arith.constant 0 : i32
          %dma_start3A_654 = tpu.memref_slice %dma_start3A_651[%add3A_642, %dma_start3A_652, %dma_start3A_653] : memref<40x4x128xi32, #tpu.memory_space<hbm>> -> memref<1x4x128xi32, #tpu.memory_space<hbm>>
          %dma_start3A_655 = tpu.memref_squeeze %dma_start3A_654 : memref<1x4x128xi32, #tpu.memory_space<hbm>> -> memref<4x128xi32, #tpu.memory_space<hbm>>
          %dma_start3A_656 = tpu.memref_slice %arg19[%select_n3A_610] : memref<4x!tpu.dma_semaphore, #tpu.memory_space<semaphore_mem>> -> memref<1x!tpu.dma_semaphore, #tpu.memory_space<semaphore_mem>>
          %dma_start3A_657 = tpu.memref_squeeze %dma_start3A_656 : memref<1x!tpu.dma_semaphore, #tpu.memory_space<semaphore_mem>> -> memref<!tpu.dma_semaphore, #tpu.memory_space<semaphore_mem>>
          %dma_start3A_658 = arith.constant 0 : i32
          %dma_start3A_659 = arith.constant 0 : i32
          %dma_start3A_660 = tpu.memref_slice %arg12[%select_n3A_610, %dma_start3A_658, %dma_start3A_659] : memref<4x4x128xi32, #tpu.memory_space<vmem>> -> memref<1x4x128xi32, #tpu.memory_space<vmem>>
          %dma_start3A_661 = tpu.memref_squeeze %dma_start3A_660 : memref<1x4x128xi32, #tpu.memory_space<vmem>> -> memref<4x128xi32, #tpu.memory_space<vmem>>
          %dma_start3A_662 = arith.constant 0 : i32
          %dma_start3A_663 = arith.constant 0 : i32
          %dma_start3A_664 = arith.constant 0 : i32
          %dma_start3A_665 = tpu.memref_slice %arg6[%arg1, %dma_start3A_662, %dma_start3A_663, %dma_start3A_664] : memref<16x40x4x128xi32, #tpu.memory_space<hbm>> -> memref<1x40x4x128xi32, #tpu.memory_space<hbm>>
          %dma_start3A_666 = tpu.memref_squeeze %dma_start3A_665 : memref<1x40x4x128xi32, #tpu.memory_space<hbm>> -> memref<40x4x128xi32, #tpu.memory_space<hbm>>
          %dma_start3A_667 = arith.constant 0 : i32
          %dma_start3A_668 = arith.constant 0 : i32
          %dma_start3A_669 = tpu.memref_slice %dma_start3A_666[%add3A_642, %dma_start3A_667, %dma_start3A_668] : memref<40x4x128xi32, #tpu.memory_space<hbm>> -> memref<1x4x128xi32, #tpu.memory_space<hbm>>
          %dma_start3A_670 = tpu.memref_squeeze %dma_start3A_669 : memref<1x4x128xi32, #tpu.memory_space<hbm>> -> memref<4x128xi32, #tpu.memory_space<hbm>>
          tpu.enqueue_dma source(%dma_start3A_670 : memref<4x128xi32, #tpu.memory_space<hbm>>) target(%dma_start3A_661 : memref<4x128xi32, #tpu.memory_space<vmem>>) target_semaphore(%dma_start3A_657 : memref<!tpu.dma_semaphore, #tpu.memory_space<semaphore_mem>>)
        } else {
        }
        %dma_wait3A_262 = arith.constant 0 : i32
        %dma_wait3A_263 = arith.constant 0 : i32
        %dma_wait3A_264 = tpu.memref_slice %arg11[%select_n3A_254, %dma_wait3A_262, %dma_wait3A_263] : memref<4x4x128xi32, #tpu.memory_space<vmem>> -> memref<1x4x128xi32, #tpu.memory_space<vmem>>
        %dma_wait3A_265 = tpu.memref_squeeze %dma_wait3A_264 : memref<1x4x128xi32, #tpu.memory_space<vmem>> -> memref<4x128xi32, #tpu.memory_space<vmem>>
        %dma_wait3A_266 = arith.constant 0 : i32
        %dma_wait3A_267 = arith.constant 0 : i32
        %dma_wait3A_268 = arith.constant 0 : i32
        %dma_wait3A_269 = tpu.memref_slice %arg5[%arg1, %dma_wait3A_266, %dma_wait3A_267, %dma_wait3A_268] : memref<16x40x4x128xi32, #tpu.memory_space<hbm>> -> memref<1x40x4x128xi32, #tpu.memory_space<hbm>>
        %dma_wait3A_270 = tpu.memref_squeeze %dma_wait3A_269 : memref<1x40x4x128xi32, #tpu.memory_space<hbm>> -> memref<40x4x128xi32, #tpu.memory_space<hbm>>
        %dma_wait3A_271 = arith.constant 0 : i32
        %dma_wait3A_272 = arith.constant 0 : i32
        %dma_wait3A_273 = tpu.memref_slice %dma_wait3A_270[%add3A_244, %dma_wait3A_271, %dma_wait3A_272] : memref<40x4x128xi32, #tpu.memory_space<hbm>> -> memref<1x4x128xi32, #tpu.memory_space<hbm>>
        %dma_wait3A_274 = tpu.memref_squeeze %dma_wait3A_273 : memref<1x4x128xi32, #tpu.memory_space<hbm>> -> memref<4x128xi32, #tpu.memory_space<hbm>>
        %dma_wait3A_275 = tpu.memref_slice %arg19[%select_n3A_254] : memref<4x!tpu.dma_semaphore, #tpu.memory_space<semaphore_mem>> -> memref<1x!tpu.dma_semaphore, #tpu.memory_space<semaphore_mem>>
        %dma_wait3A_276 = tpu.memref_squeeze %dma_wait3A_275 : memref<1x!tpu.dma_semaphore, #tpu.memory_space<semaphore_mem>> -> memref<!tpu.dma_semaphore, #tpu.memory_space<semaphore_mem>>
        %dma_wait3A_277 = arith.constant 0 : i32
        %dma_wait3A_278 = arith.constant 0 : i32
        %dma_wait3A_279 = tpu.memref_slice %arg11[%select_n3A_254, %dma_wait3A_277, %dma_wait3A_278] : memref<4x4x128xi32, #tpu.memory_space<vmem>> -> memref<1x4x128xi32, #tpu.memory_space<vmem>>
        %dma_wait3A_280 = tpu.memref_squeeze %dma_wait3A_279 : memref<1x4x128xi32, #tpu.memory_space<vmem>> -> memref<4x128xi32, #tpu.memory_space<vmem>>
        %dma_wait3A_281 = arith.constant 0 : i32
        %dma_wait3A_282 = arith.constant 0 : i32
        %dma_wait3A_283 = arith.constant 0 : i32
        %dma_wait3A_284 = tpu.memref_slice %arg5[%arg1, %dma_wait3A_281, %dma_wait3A_282, %dma_wait3A_283] : memref<16x40x4x128xi32, #tpu.memory_space<hbm>> -> memref<1x40x4x128xi32, #tpu.memory_space<hbm>>
        %dma_wait3A_285 = tpu.memref_squeeze %dma_wait3A_284 : memref<1x40x4x128xi32, #tpu.memory_space<hbm>> -> memref<40x4x128xi32, #tpu.memory_space<hbm>>
        %dma_wait3A_286 = arith.constant 0 : i32
        %dma_wait3A_287 = arith.constant 0 : i32
        %dma_wait3A_288 = tpu.memref_slice %dma_wait3A_285[%add3A_244, %dma_wait3A_286, %dma_wait3A_287] : memref<40x4x128xi32, #tpu.memory_space<hbm>> -> memref<1x4x128xi32, #tpu.memory_space<hbm>>
        %dma_wait3A_289 = tpu.memref_squeeze %dma_wait3A_288 : memref<1x4x128xi32, #tpu.memory_space<hbm>> -> memref<4x128xi32, #tpu.memory_space<hbm>>
        tpu.wait_dma2 semaphore(%dma_wait3A_276 : memref<!tpu.dma_semaphore, #tpu.memory_space<semaphore_mem>>) src(%dma_wait3A_289 : memref<4x128xi32, #tpu.memory_space<hbm>>) dst(%dma_wait3A_280 : memref<4x128xi32, #tpu.memory_space<vmem>>)
        %dma_wait3A_290 = arith.constant 0 : i32
        %dma_wait3A_291 = arith.constant 0 : i32
        %dma_wait3A_292 = tpu.memref_slice %arg12[%select_n3A_254, %dma_wait3A_290, %dma_wait3A_291] : memref<4x4x128xi32, #tpu.memory_space<vmem>> -> memref<1x4x128xi32, #tpu.memory_space<vmem>>
        %dma_wait3A_293 = tpu.memref_squeeze %dma_wait3A_292 : memref<1x4x128xi32, #tpu.memory_space<vmem>> -> memref<4x128xi32, #tpu.memory_space<vmem>>
        %dma_wait3A_294 = arith.constant 0 : i32
        %dma_wait3A_295 = arith.constant 0 : i32
        %dma_wait3A_296 = arith.constant 0 : i32
        %dma_wait3A_297 = tpu.memref_slice %arg6[%arg1, %dma_wait3A_294, %dma_wait3A_295, %dma_wait3A_296] : memref<16x40x4x128xi32, #tpu.memory_space<hbm>> -> memref<1x40x4x128xi32, #tpu.memory_space<hbm>>
        %dma_wait3A_298 = tpu.memref_squeeze %dma_wait3A_297 : memref<1x40x4x128xi32, #tpu.memory_space<hbm>> -> memref<40x4x128xi32, #tpu.memory_space<hbm>>
        %dma_wait3A_299 = arith.constant 0 : i32
        %dma_wait3A_300 = arith.constant 0 : i32
        %dma_wait3A_301 = tpu.memref_slice %dma_wait3A_298[%add3A_244, %dma_wait3A_299, %dma_wait3A_300] : memref<40x4x128xi32, #tpu.memory_space<hbm>> -> memref<1x4x128xi32, #tpu.memory_space<hbm>>
        %dma_wait3A_302 = tpu.memref_squeeze %dma_wait3A_301 : memref<1x4x128xi32, #tpu.memory_space<hbm>> -> memref<4x128xi32, #tpu.memory_space<hbm>>
        %dma_wait3A_303 = tpu.memref_slice %arg19[%select_n3A_254] : memref<4x!tpu.dma_semaphore, #tpu.memory_space<semaphore_mem>> -> memref<1x!tpu.dma_semaphore, #tpu.memory_space<semaphore_mem>>
        %dma_wait3A_304 = tpu.memref_squeeze %dma_wait3A_303 : memref<1x!tpu.dma_semaphore, #tpu.memory_space<semaphore_mem>> -> memref<!tpu.dma_semaphore, #tpu.memory_space<semaphore_mem>>
        %dma_wait3A_305 = arith.constant 0 : i32
        %dma_wait3A_306 = arith.constant 0 : i32
        %dma_wait3A_307 = tpu.memref_slice %arg12[%select_n3A_254, %dma_wait3A_305, %dma_wait3A_306] : memref<4x4x128xi32, #tpu.memory_space<vmem>> -> memref<1x4x128xi32, #tpu.memory_space<vmem>>
        %dma_wait3A_308 = tpu.memref_squeeze %dma_wait3A_307 : memref<1x4x128xi32, #tpu.memory_space<vmem>> -> memref<4x128xi32, #tpu.memory_space<vmem>>
        %dma_wait3A_309 = arith.constant 0 : i32
        %dma_wait3A_310 = arith.constant 0 : i32
        %dma_wait3A_311 = arith.constant 0 : i32
        %dma_wait3A_312 = tpu.memref_slice %arg6[%arg1, %dma_wait3A_309, %dma_wait3A_310, %dma_wait3A_311] : memref<16x40x4x128xi32, #tpu.memory_space<hbm>> -> memref<1x40x4x128xi32, #tpu.memory_space<hbm>>
        %dma_wait3A_313 = tpu.memref_squeeze %dma_wait3A_312 : memref<1x40x4x128xi32, #tpu.memory_space<hbm>> -> memref<40x4x128xi32, #tpu.memory_space<hbm>>
        %dma_wait3A_314 = arith.constant 0 : i32
        %dma_wait3A_315 = arith.constant 0 : i32
        %dma_wait3A_316 = tpu.memref_slice %dma_wait3A_313[%add3A_244, %dma_wait3A_314, %dma_wait3A_315] : memref<40x4x128xi32, #tpu.memory_space<hbm>> -> memref<1x4x128xi32, #tpu.memory_space<hbm>>
        %dma_wait3A_317 = tpu.memref_squeeze %dma_wait3A_316 : memref<1x4x128xi32, #tpu.memory_space<hbm>> -> memref<4x128xi32, #tpu.memory_space<hbm>>
        tpu.wait_dma2 semaphore(%dma_wait3A_304 : memref<!tpu.dma_semaphore, #tpu.memory_space<semaphore_mem>>) src(%dma_wait3A_317 : memref<4x128xi32, #tpu.memory_space<hbm>>) dst(%dma_wait3A_308 : memref<4x128xi32, #tpu.memory_space<vmem>>)
        %gt3A = arith.constant 0 : i32
        %gt3A_318 = arith.cmpi sgt, %add3A_244, %gt3A : i32
        %convert_element_type3A_319 = arith.extui %gt3A_318 : i1 to i32
        %cond3A_320 = arith.constant 0 : i32
        %cond3A_321 = arith.cmpi ne, %convert_element_type3A_319, %cond3A_320 : i32
        scf.if %cond3A_321 {
          %dma_wait3A_593 = arith.constant 0 : i32
          %dma_wait3A_594 = arith.constant 0 : i32
          %dma_wait3A_595 = arith.constant 0 : i32
          %dma_wait3A_596 = arith.constant 0 : i32
          %dma_wait3A_597 = tpu.memref_slice %arg13[%dma_wait3A_593, %dma_wait3A_595, %dma_wait3A_596] : memref<4x128x32xf32, #tpu.memory_space<vmem>> -> memref<1x128x32xf32, #tpu.memory_space<vmem>>
          %dma_wait3A_598 = tpu.memref_squeeze %dma_wait3A_597 : memref<1x128x32xf32, #tpu.memory_space<vmem>> -> memref<128x32xf32, #tpu.memory_space<vmem>>
          %dma_wait3A_599 = arith.constant 0 : i32
          %dma_wait3A_600 = arith.constant 0 : i32
          %dma_wait3A_601 = tpu.memref_slice %arg2[%arg0, %dma_wait3A_599, %dma_wait3A_600] : memref<2x10112x32xf32, #tpu.memory_space<hbm>> -> memref<1x10112x32xf32, #tpu.memory_space<hbm>>
          %dma_wait3A_602 = tpu.memref_squeeze %dma_wait3A_601 : memref<1x10112x32xf32, #tpu.memory_space<hbm>> -> memref<10112x32xf32, #tpu.memory_space<hbm>>
          %dma_wait3A_603 = arith.constant 0 : i32
          %dma_wait3A_604 = arith.constant 0 : i32
          %dma_wait3A_605 = tpu.memref_slice %dma_wait3A_602[%dma_wait3A_603, %dma_wait3A_604] : memref<10112x32xf32, #tpu.memory_space<hbm>> -> memref<128x32xf32, #tpu.memory_space<hbm>>
          %dma_wait3A_606 = tpu.memref_slice %arg21[%dma_wait3A_594] : memref<4x!tpu.dma_semaphore, #tpu.memory_space<semaphore_mem>> -> memref<1x!tpu.dma_semaphore, #tpu.memory_space<semaphore_mem>>
          %dma_wait3A_607 = tpu.memref_squeeze %dma_wait3A_606 : memref<1x!tpu.dma_semaphore, #tpu.memory_space<semaphore_mem>> -> memref<!tpu.dma_semaphore, #tpu.memory_space<semaphore_mem>>
          %dma_wait3A_608 = arith.constant 0 : i32
          %dma_wait3A_609 = arith.constant 0 : i32
          %dma_wait3A_610 = tpu.memref_slice %arg13[%dma_wait3A_593, %dma_wait3A_608, %dma_wait3A_609] : memref<4x128x32xf32, #tpu.memory_space<vmem>> -> memref<1x128x32xf32, #tpu.memory_space<vmem>>
          %dma_wait3A_611 = tpu.memref_squeeze %dma_wait3A_610 : memref<1x128x32xf32, #tpu.memory_space<vmem>> -> memref<128x32xf32, #tpu.memory_space<vmem>>
          %dma_wait3A_612 = arith.constant 0 : i32
          %dma_wait3A_613 = arith.constant 0 : i32
          %dma_wait3A_614 = tpu.memref_slice %arg2[%arg0, %dma_wait3A_612, %dma_wait3A_613] : memref<2x10112x32xf32, #tpu.memory_space<hbm>> -> memref<1x10112x32xf32, #tpu.memory_space<hbm>>
          %dma_wait3A_615 = tpu.memref_squeeze %dma_wait3A_614 : memref<1x10112x32xf32, #tpu.memory_space<hbm>> -> memref<10112x32xf32, #tpu.memory_space<hbm>>
          %dma_wait3A_616 = arith.constant 0 : i32
          %dma_wait3A_617 = arith.constant 0 : i32
          %dma_wait3A_618 = tpu.memref_slice %dma_wait3A_615[%dma_wait3A_616, %dma_wait3A_617] : memref<10112x32xf32, #tpu.memory_space<hbm>> -> memref<128x32xf32, #tpu.memory_space<hbm>>
          tpu.wait_dma2 semaphore(%dma_wait3A_607 : memref<!tpu.dma_semaphore, #tpu.memory_space<semaphore_mem>>) src(%dma_wait3A_618 : memref<128x32xf32, #tpu.memory_space<hbm>>) dst(%dma_wait3A_611 : memref<128x32xf32, #tpu.memory_space<vmem>>)
        } else {
        }
        %dma_start3A_322 = arith.constant 0 : i32
        %dma_start3A_323 = arith.constant 0 : i32
        %dma_start3A_324 = arith.constant 0 : i32
        %dma_start3A_325 = arith.constant 0 : i32
        %dma_start3A_326 = arith.constant 0 : i32
        %dma_start3A_327 = tpu.memref_slice %arg13[%dma_start3A_323, %dma_start3A_325, %dma_start3A_326] : memref<4x128x32xf32, #tpu.memory_space<vmem>> -> memref<1x128x32xf32, #tpu.memory_space<vmem>>
        %dma_start3A_328 = tpu.memref_squeeze %dma_start3A_327 : memref<1x128x32xf32, #tpu.memory_space<vmem>> -> memref<128x32xf32, #tpu.memory_space<vmem>>
        %dma_start3A_329 = arith.constant 0 : i32
        %dma_start3A_330 = arith.constant 0 : i32
        %dma_start3A_331 = tpu.memref_slice %arg11[%select_n3A_254, %dma_start3A_329, %dma_start3A_330] : memref<4x4x128xi32, #tpu.memory_space<vmem>> -> memref<1x4x128xi32, #tpu.memory_space<vmem>>
        %dma_start3A_332 = tpu.memref_squeeze %dma_start3A_331 : memref<1x4x128xi32, #tpu.memory_space<vmem>> -> memref<4x128xi32, #tpu.memory_space<vmem>>
        %dma_start3A_333 = arith.constant 0 : i32
        %dma_start3A_334 = tpu.memref_slice %dma_start3A_332[%dma_start3A_322, %dma_start3A_333] : memref<4x128xi32, #tpu.memory_space<vmem>> -> memref<1x128xi32, #tpu.memory_space<vmem>>
        %dma_start3A_335 = tpu.memref_squeeze %dma_start3A_334 : memref<1x128xi32, #tpu.memory_space<vmem>> -> memref<128xi32, #tpu.memory_space<vmem>>
        %dma_start3A_336 = arith.constant 0 : i32
        %dma_start3A_337 = arith.constant 0 : i32
        %dma_start3A_338 = tpu.memref_slice %arg9[%dma_start3A_336, %dma_start3A_337] : memref<10112x32xf32, #tpu.memory_space<vmem_shared>> -> memref<10112x32xf32, #tpu.memory_space<vmem_shared>>
        %dma_start3A_339 = tpu.memref_slice %arg20[%dma_start3A_324] : memref<4x!tpu.dma_semaphore, #tpu.memory_space<semaphore_mem>> -> memref<1x!tpu.dma_semaphore, #tpu.memory_space<semaphore_mem>>
        %dma_start3A_340 = tpu.memref_squeeze %dma_start3A_339 : memref<1x!tpu.dma_semaphore, #tpu.memory_space<semaphore_mem>> -> memref<!tpu.dma_semaphore, #tpu.memory_space<semaphore_mem>>
        tpu.enqueue_indirect_dma source(%dma_start3A_338 : memref<10112x32xf32, #tpu.memory_space<vmem_shared>>) target(%dma_start3A_328 : memref<128x32xf32, #tpu.memory_space<vmem>>) offsets(%dma_start3A_335 : memref<128xi32, #tpu.memory_space<vmem>>) semaphore(%dma_start3A_340 : memref<!tpu.dma_semaphore, #tpu.memory_space<semaphore_mem>>)
        %gt3A_341 = arith.constant 0 : i32
        %gt3A_342 = arith.cmpi sgt, %add3A_244, %gt3A_341 : i32
        %convert_element_type3A_343 = arith.extui %gt3A_342 : i1 to i32
        %cond3A_344 = arith.constant 0 : i32
        %cond3A_345 = arith.cmpi ne, %convert_element_type3A_343, %cond3A_344 : i32
        scf.if %cond3A_345 {
          %dma_wait3A_593 = arith.constant 1 : i32
          %dma_wait3A_594 = arith.constant 1 : i32
          %dma_wait3A_595 = arith.constant 0 : i32
          %dma_wait3A_596 = arith.constant 0 : i32
          %dma_wait3A_597 = tpu.memref_slice %arg13[%dma_wait3A_593, %dma_wait3A_595, %dma_wait3A_596] : memref<4x128x32xf32, #tpu.memory_space<vmem>> -> memref<1x128x32xf32, #tpu.memory_space<vmem>>
          %dma_wait3A_598 = tpu.memref_squeeze %dma_wait3A_597 : memref<1x128x32xf32, #tpu.memory_space<vmem>> -> memref<128x32xf32, #tpu.memory_space<vmem>>
          %dma_wait3A_599 = arith.constant 0 : i32
          %dma_wait3A_600 = arith.constant 0 : i32
          %dma_wait3A_601 = tpu.memref_slice %arg2[%arg0, %dma_wait3A_599, %dma_wait3A_600] : memref<2x10112x32xf32, #tpu.memory_space<hbm>> -> memref<1x10112x32xf32, #tpu.memory_space<hbm>>
          %dma_wait3A_602 = tpu.memref_squeeze %dma_wait3A_601 : memref<1x10112x32xf32, #tpu.memory_space<hbm>> -> memref<10112x32xf32, #tpu.memory_space<hbm>>
          %dma_wait3A_603 = arith.constant 0 : i32
          %dma_wait3A_604 = arith.constant 0 : i32
          %dma_wait3A_605 = tpu.memref_slice %dma_wait3A_602[%dma_wait3A_603, %dma_wait3A_604] : memref<10112x32xf32, #tpu.memory_space<hbm>> -> memref<128x32xf32, #tpu.memory_space<hbm>>
          %dma_wait3A_606 = tpu.memref_slice %arg21[%dma_wait3A_594] : memref<4x!tpu.dma_semaphore, #tpu.memory_space<semaphore_mem>> -> memref<1x!tpu.dma_semaphore, #tpu.memory_space<semaphore_mem>>
          %dma_wait3A_607 = tpu.memref_squeeze %dma_wait3A_606 : memref<1x!tpu.dma_semaphore, #tpu.memory_space<semaphore_mem>> -> memref<!tpu.dma_semaphore, #tpu.memory_space<semaphore_mem>>
          %dma_wait3A_608 = arith.constant 0 : i32
          %dma_wait3A_609 = arith.constant 0 : i32
          %dma_wait3A_610 = tpu.memref_slice %arg13[%dma_wait3A_593, %dma_wait3A_608, %dma_wait3A_609] : memref<4x128x32xf32, #tpu.memory_space<vmem>> -> memref<1x128x32xf32, #tpu.memory_space<vmem>>
          %dma_wait3A_611 = tpu.memref_squeeze %dma_wait3A_610 : memref<1x128x32xf32, #tpu.memory_space<vmem>> -> memref<128x32xf32, #tpu.memory_space<vmem>>
          %dma_wait3A_612 = arith.constant 0 : i32
          %dma_wait3A_613 = arith.constant 0 : i32
          %dma_wait3A_614 = tpu.memref_slice %arg2[%arg0, %dma_wait3A_612, %dma_wait3A_613] : memref<2x10112x32xf32, #tpu.memory_space<hbm>> -> memref<1x10112x32xf32, #tpu.memory_space<hbm>>
          %dma_wait3A_615 = tpu.memref_squeeze %dma_wait3A_614 : memref<1x10112x32xf32, #tpu.memory_space<hbm>> -> memref<10112x32xf32, #tpu.memory_space<hbm>>
          %dma_wait3A_616 = arith.constant 0 : i32
          %dma_wait3A_617 = arith.constant 0 : i32
          %dma_wait3A_618 = tpu.memref_slice %dma_wait3A_615[%dma_wait3A_616, %dma_wait3A_617] : memref<10112x32xf32, #tpu.memory_space<hbm>> -> memref<128x32xf32, #tpu.memory_space<hbm>>
          tpu.wait_dma2 semaphore(%dma_wait3A_607 : memref<!tpu.dma_semaphore, #tpu.memory_space<semaphore_mem>>) src(%dma_wait3A_618 : memref<128x32xf32, #tpu.memory_space<hbm>>) dst(%dma_wait3A_611 : memref<128x32xf32, #tpu.memory_space<vmem>>)
        } else {
        }
        %dma_start3A_346 = arith.constant 1 : i32
        %dma_start3A_347 = arith.constant 1 : i32
        %dma_start3A_348 = arith.constant 1 : i32
        %dma_start3A_349 = arith.constant 0 : i32
        %dma_start3A_350 = arith.constant 0 : i32
        %dma_start3A_351 = tpu.memref_slice %arg13[%dma_start3A_347, %dma_start3A_349, %dma_start3A_350] : memref<4x128x32xf32, #tpu.memory_space<vmem>> -> memref<1x128x32xf32, #tpu.memory_space<vmem>>
        %dma_start3A_352 = tpu.memref_squeeze %dma_start3A_351 : memref<1x128x32xf32, #tpu.memory_space<vmem>> -> memref<128x32xf32, #tpu.memory_space<vmem>>
        %dma_start3A_353 = arith.constant 0 : i32
        %dma_start3A_354 = arith.constant 0 : i32
        %dma_start3A_355 = tpu.memref_slice %arg11[%select_n3A_254, %dma_start3A_353, %dma_start3A_354] : memref<4x4x128xi32, #tpu.memory_space<vmem>> -> memref<1x4x128xi32, #tpu.memory_space<vmem>>
        %dma_start3A_356 = tpu.memref_squeeze %dma_start3A_355 : memref<1x4x128xi32, #tpu.memory_space<vmem>> -> memref<4x128xi32, #tpu.memory_space<vmem>>
        %dma_start3A_357 = arith.constant 0 : i32
        %dma_start3A_358 = tpu.memref_slice %dma_start3A_356[%dma_start3A_346, %dma_start3A_357] : memref<4x128xi32, #tpu.memory_space<vmem>> -> memref<1x128xi32, #tpu.memory_space<vmem>>
        %dma_start3A_359 = tpu.memref_squeeze %dma_start3A_358 : memref<1x128xi32, #tpu.memory_space<vmem>> -> memref<128xi32, #tpu.memory_space<vmem>>
        %dma_start3A_360 = arith.constant 0 : i32
        %dma_start3A_361 = arith.constant 0 : i32
        %dma_start3A_362 = tpu.memref_slice %arg9[%dma_start3A_360, %dma_start3A_361] : memref<10112x32xf32, #tpu.memory_space<vmem_shared>> -> memref<10112x32xf32, #tpu.memory_space<vmem_shared>>
        %dma_start3A_363 = tpu.memref_slice %arg20[%dma_start3A_348] : memref<4x!tpu.dma_semaphore, #tpu.memory_space<semaphore_mem>> -> memref<1x!tpu.dma_semaphore, #tpu.memory_space<semaphore_mem>>
        %dma_start3A_364 = tpu.memref_squeeze %dma_start3A_363 : memref<1x!tpu.dma_semaphore, #tpu.memory_space<semaphore_mem>> -> memref<!tpu.dma_semaphore, #tpu.memory_space<semaphore_mem>>
        tpu.enqueue_indirect_dma source(%dma_start3A_362 : memref<10112x32xf32, #tpu.memory_space<vmem_shared>>) target(%dma_start3A_352 : memref<128x32xf32, #tpu.memory_space<vmem>>) offsets(%dma_start3A_359 : memref<128xi32, #tpu.memory_space<vmem>>) semaphore(%dma_start3A_364 : memref<!tpu.dma_semaphore, #tpu.memory_space<semaphore_mem>>)
        %gt3A_365 = arith.constant 0 : i32
        %gt3A_366 = arith.cmpi sgt, %add3A_244, %gt3A_365 : i32
        %convert_element_type3A_367 = arith.extui %gt3A_366 : i1 to i32
        %cond3A_368 = arith.constant 0 : i32
        %cond3A_369 = arith.cmpi ne, %convert_element_type3A_367, %cond3A_368 : i32
        scf.if %cond3A_369 {
          %dma_wait3A_593 = arith.constant 2 : i32
          %dma_wait3A_594 = arith.constant 2 : i32
          %dma_wait3A_595 = arith.constant 0 : i32
          %dma_wait3A_596 = arith.constant 0 : i32
          %dma_wait3A_597 = tpu.memref_slice %arg13[%dma_wait3A_593, %dma_wait3A_595, %dma_wait3A_596] : memref<4x128x32xf32, #tpu.memory_space<vmem>> -> memref<1x128x32xf32, #tpu.memory_space<vmem>>
          %dma_wait3A_598 = tpu.memref_squeeze %dma_wait3A_597 : memref<1x128x32xf32, #tpu.memory_space<vmem>> -> memref<128x32xf32, #tpu.memory_space<vmem>>
          %dma_wait3A_599 = arith.constant 0 : i32
          %dma_wait3A_600 = arith.constant 0 : i32
          %dma_wait3A_601 = tpu.memref_slice %arg2[%arg0, %dma_wait3A_599, %dma_wait3A_600] : memref<2x10112x32xf32, #tpu.memory_space<hbm>> -> memref<1x10112x32xf32, #tpu.memory_space<hbm>>
          %dma_wait3A_602 = tpu.memref_squeeze %dma_wait3A_601 : memref<1x10112x32xf32, #tpu.memory_space<hbm>> -> memref<10112x32xf32, #tpu.memory_space<hbm>>
          %dma_wait3A_603 = arith.constant 0 : i32
          %dma_wait3A_604 = arith.constant 0 : i32
          %dma_wait3A_605 = tpu.memref_slice %dma_wait3A_602[%dma_wait3A_603, %dma_wait3A_604] : memref<10112x32xf32, #tpu.memory_space<hbm>> -> memref<128x32xf32, #tpu.memory_space<hbm>>
          %dma_wait3A_606 = tpu.memref_slice %arg21[%dma_wait3A_594] : memref<4x!tpu.dma_semaphore, #tpu.memory_space<semaphore_mem>> -> memref<1x!tpu.dma_semaphore, #tpu.memory_space<semaphore_mem>>
          %dma_wait3A_607 = tpu.memref_squeeze %dma_wait3A_606 : memref<1x!tpu.dma_semaphore, #tpu.memory_space<semaphore_mem>> -> memref<!tpu.dma_semaphore, #tpu.memory_space<semaphore_mem>>
          %dma_wait3A_608 = arith.constant 0 : i32
          %dma_wait3A_609 = arith.constant 0 : i32
          %dma_wait3A_610 = tpu.memref_slice %arg13[%dma_wait3A_593, %dma_wait3A_608, %dma_wait3A_609] : memref<4x128x32xf32, #tpu.memory_space<vmem>> -> memref<1x128x32xf32, #tpu.memory_space<vmem>>
          %dma_wait3A_611 = tpu.memref_squeeze %dma_wait3A_610 : memref<1x128x32xf32, #tpu.memory_space<vmem>> -> memref<128x32xf32, #tpu.memory_space<vmem>>
          %dma_wait3A_612 = arith.constant 0 : i32
          %dma_wait3A_613 = arith.constant 0 : i32
          %dma_wait3A_614 = tpu.memref_slice %arg2[%arg0, %dma_wait3A_612, %dma_wait3A_613] : memref<2x10112x32xf32, #tpu.memory_space<hbm>> -> memref<1x10112x32xf32, #tpu.memory_space<hbm>>
          %dma_wait3A_615 = tpu.memref_squeeze %dma_wait3A_614 : memref<1x10112x32xf32, #tpu.memory_space<hbm>> -> memref<10112x32xf32, #tpu.memory_space<hbm>>
          %dma_wait3A_616 = arith.constant 0 : i32
          %dma_wait3A_617 = arith.constant 0 : i32
          %dma_wait3A_618 = tpu.memref_slice %dma_wait3A_615[%dma_wait3A_616, %dma_wait3A_617] : memref<10112x32xf32, #tpu.memory_space<hbm>> -> memref<128x32xf32, #tpu.memory_space<hbm>>
          tpu.wait_dma2 semaphore(%dma_wait3A_607 : memref<!tpu.dma_semaphore, #tpu.memory_space<semaphore_mem>>) src(%dma_wait3A_618 : memref<128x32xf32, #tpu.memory_space<hbm>>) dst(%dma_wait3A_611 : memref<128x32xf32, #tpu.memory_space<vmem>>)
        } else {
        }
        %dma_start3A_370 = arith.constant 2 : i32
        %dma_start3A_371 = arith.constant 2 : i32
        %dma_start3A_372 = arith.constant 2 : i32
        %dma_start3A_373 = arith.constant 0 : i32
        %dma_start3A_374 = arith.constant 0 : i32
        %dma_start3A_375 = tpu.memref_slice %arg13[%dma_start3A_371, %dma_start3A_373, %dma_start3A_374] : memref<4x128x32xf32, #tpu.memory_space<vmem>> -> memref<1x128x32xf32, #tpu.memory_space<vmem>>
        %dma_start3A_376 = tpu.memref_squeeze %dma_start3A_375 : memref<1x128x32xf32, #tpu.memory_space<vmem>> -> memref<128x32xf32, #tpu.memory_space<vmem>>
        %dma_start3A_377 = arith.constant 0 : i32
        %dma_start3A_378 = arith.constant 0 : i32
        %dma_start3A_379 = tpu.memref_slice %arg11[%select_n3A_254, %dma_start3A_377, %dma_start3A_378] : memref<4x4x128xi32, #tpu.memory_space<vmem>> -> memref<1x4x128xi32, #tpu.memory_space<vmem>>
        %dma_start3A_380 = tpu.memref_squeeze %dma_start3A_379 : memref<1x4x128xi32, #tpu.memory_space<vmem>> -> memref<4x128xi32, #tpu.memory_space<vmem>>
        %dma_start3A_381 = arith.constant 0 : i32
        %dma_start3A_382 = tpu.memref_slice %dma_start3A_380[%dma_start3A_370, %dma_start3A_381] : memref<4x128xi32, #tpu.memory_space<vmem>> -> memref<1x128xi32, #tpu.memory_space<vmem>>
        %dma_start3A_383 = tpu.memref_squeeze %dma_start3A_382 : memref<1x128xi32, #tpu.memory_space<vmem>> -> memref<128xi32, #tpu.memory_space<vmem>>
        %dma_start3A_384 = arith.constant 0 : i32
        %dma_start3A_385 = arith.constant 0 : i32
        %dma_start3A_386 = tpu.memref_slice %arg9[%dma_start3A_384, %dma_start3A_385] : memref<10112x32xf32, #tpu.memory_space<vmem_shared>> -> memref<10112x32xf32, #tpu.memory_space<vmem_shared>>
        %dma_start3A_387 = tpu.memref_slice %arg20[%dma_start3A_372] : memref<4x!tpu.dma_semaphore, #tpu.memory_space<semaphore_mem>> -> memref<1x!tpu.dma_semaphore, #tpu.memory_space<semaphore_mem>>
        %dma_start3A_388 = tpu.memref_squeeze %dma_start3A_387 : memref<1x!tpu.dma_semaphore, #tpu.memory_space<semaphore_mem>> -> memref<!tpu.dma_semaphore, #tpu.memory_space<semaphore_mem>>
        tpu.enqueue_indirect_dma source(%dma_start3A_386 : memref<10112x32xf32, #tpu.memory_space<vmem_shared>>) target(%dma_start3A_376 : memref<128x32xf32, #tpu.memory_space<vmem>>) offsets(%dma_start3A_383 : memref<128xi32, #tpu.memory_space<vmem>>) semaphore(%dma_start3A_388 : memref<!tpu.dma_semaphore, #tpu.memory_space<semaphore_mem>>)
        %gt3A_389 = arith.constant 0 : i32
        %gt3A_390 = arith.cmpi sgt, %add3A_244, %gt3A_389 : i32
        %convert_element_type3A_391 = arith.extui %gt3A_390 : i1 to i32
        %cond3A_392 = arith.constant 0 : i32
        %cond3A_393 = arith.cmpi ne, %convert_element_type3A_391, %cond3A_392 : i32
        scf.if %cond3A_393 {
          %dma_wait3A_593 = arith.constant 3 : i32
          %dma_wait3A_594 = arith.constant 3 : i32
          %dma_wait3A_595 = arith.constant 0 : i32
          %dma_wait3A_596 = arith.constant 0 : i32
          %dma_wait3A_597 = tpu.memref_slice %arg13[%dma_wait3A_593, %dma_wait3A_595, %dma_wait3A_596] : memref<4x128x32xf32, #tpu.memory_space<vmem>> -> memref<1x128x32xf32, #tpu.memory_space<vmem>>
          %dma_wait3A_598 = tpu.memref_squeeze %dma_wait3A_597 : memref<1x128x32xf32, #tpu.memory_space<vmem>> -> memref<128x32xf32, #tpu.memory_space<vmem>>
          %dma_wait3A_599 = arith.constant 0 : i32
          %dma_wait3A_600 = arith.constant 0 : i32
          %dma_wait3A_601 = tpu.memref_slice %arg2[%arg0, %dma_wait3A_599, %dma_wait3A_600] : memref<2x10112x32xf32, #tpu.memory_space<hbm>> -> memref<1x10112x32xf32, #tpu.memory_space<hbm>>
          %dma_wait3A_602 = tpu.memref_squeeze %dma_wait3A_601 : memref<1x10112x32xf32, #tpu.memory_space<hbm>> -> memref<10112x32xf32, #tpu.memory_space<hbm>>
          %dma_wait3A_603 = arith.constant 0 : i32
          %dma_wait3A_604 = arith.constant 0 : i32
          %dma_wait3A_605 = tpu.memref_slice %dma_wait3A_602[%dma_wait3A_603, %dma_wait3A_604] : memref<10112x32xf32, #tpu.memory_space<hbm>> -> memref<128x32xf32, #tpu.memory_space<hbm>>
          %dma_wait3A_606 = tpu.memref_slice %arg21[%dma_wait3A_594] : memref<4x!tpu.dma_semaphore, #tpu.memory_space<semaphore_mem>> -> memref<1x!tpu.dma_semaphore, #tpu.memory_space<semaphore_mem>>
          %dma_wait3A_607 = tpu.memref_squeeze %dma_wait3A_606 : memref<1x!tpu.dma_semaphore, #tpu.memory_space<semaphore_mem>> -> memref<!tpu.dma_semaphore, #tpu.memory_space<semaphore_mem>>
          %dma_wait3A_608 = arith.constant 0 : i32
          %dma_wait3A_609 = arith.constant 0 : i32
          %dma_wait3A_610 = tpu.memref_slice %arg13[%dma_wait3A_593, %dma_wait3A_608, %dma_wait3A_609] : memref<4x128x32xf32, #tpu.memory_space<vmem>> -> memref<1x128x32xf32, #tpu.memory_space<vmem>>
          %dma_wait3A_611 = tpu.memref_squeeze %dma_wait3A_610 : memref<1x128x32xf32, #tpu.memory_space<vmem>> -> memref<128x32xf32, #tpu.memory_space<vmem>>
          %dma_wait3A_612 = arith.constant 0 : i32
          %dma_wait3A_613 = arith.constant 0 : i32
          %dma_wait3A_614 = tpu.memref_slice %arg2[%arg0, %dma_wait3A_612, %dma_wait3A_613] : memref<2x10112x32xf32, #tpu.memory_space<hbm>> -> memref<1x10112x32xf32, #tpu.memory_space<hbm>>
          %dma_wait3A_615 = tpu.memref_squeeze %dma_wait3A_614 : memref<1x10112x32xf32, #tpu.memory_space<hbm>> -> memref<10112x32xf32, #tpu.memory_space<hbm>>
          %dma_wait3A_616 = arith.constant 0 : i32
          %dma_wait3A_617 = arith.constant 0 : i32
          %dma_wait3A_618 = tpu.memref_slice %dma_wait3A_615[%dma_wait3A_616, %dma_wait3A_617] : memref<10112x32xf32, #tpu.memory_space<hbm>> -> memref<128x32xf32, #tpu.memory_space<hbm>>
          tpu.wait_dma2 semaphore(%dma_wait3A_607 : memref<!tpu.dma_semaphore, #tpu.memory_space<semaphore_mem>>) src(%dma_wait3A_618 : memref<128x32xf32, #tpu.memory_space<hbm>>) dst(%dma_wait3A_611 : memref<128x32xf32, #tpu.memory_space<vmem>>)
        } else {
        }
        %dma_start3A_394 = arith.constant 3 : i32
        %dma_start3A_395 = arith.constant 3 : i32
        %dma_start3A_396 = arith.constant 3 : i32
        %dma_start3A_397 = arith.constant 0 : i32
        %dma_start3A_398 = arith.constant 0 : i32
        %dma_start3A_399 = tpu.memref_slice %arg13[%dma_start3A_395, %dma_start3A_397, %dma_start3A_398] : memref<4x128x32xf32, #tpu.memory_space<vmem>> -> memref<1x128x32xf32, #tpu.memory_space<vmem>>
        %dma_start3A_400 = tpu.memref_squeeze %dma_start3A_399 : memref<1x128x32xf32, #tpu.memory_space<vmem>> -> memref<128x32xf32, #tpu.memory_space<vmem>>
        %dma_start3A_401 = arith.constant 0 : i32
        %dma_start3A_402 = arith.constant 0 : i32
        %dma_start3A_403 = tpu.memref_slice %arg11[%select_n3A_254, %dma_start3A_401, %dma_start3A_402] : memref<4x4x128xi32, #tpu.memory_space<vmem>> -> memref<1x4x128xi32, #tpu.memory_space<vmem>>
        %dma_start3A_404 = tpu.memref_squeeze %dma_start3A_403 : memref<1x4x128xi32, #tpu.memory_space<vmem>> -> memref<4x128xi32, #tpu.memory_space<vmem>>
        %dma_start3A_405 = arith.constant 0 : i32
        %dma_start3A_406 = tpu.memref_slice %dma_start3A_404[%dma_start3A_394, %dma_start3A_405] : memref<4x128xi32, #tpu.memory_space<vmem>> -> memref<1x128xi32, #tpu.memory_space<vmem>>
        %dma_start3A_407 = tpu.memref_squeeze %dma_start3A_406 : memref<1x128xi32, #tpu.memory_space<vmem>> -> memref<128xi32, #tpu.memory_space<vmem>>
        %dma_start3A_408 = arith.constant 0 : i32
        %dma_start3A_409 = arith.constant 0 : i32
        %dma_start3A_410 = tpu.memref_slice %arg9[%dma_start3A_408, %dma_start3A_409] : memref<10112x32xf32, #tpu.memory_space<vmem_shared>> -> memref<10112x32xf32, #tpu.memory_space<vmem_shared>>
        %dma_start3A_411 = tpu.memref_slice %arg20[%dma_start3A_396] : memref<4x!tpu.dma_semaphore, #tpu.memory_space<semaphore_mem>> -> memref<1x!tpu.dma_semaphore, #tpu.memory_space<semaphore_mem>>
        %dma_start3A_412 = tpu.memref_squeeze %dma_start3A_411 : memref<1x!tpu.dma_semaphore, #tpu.memory_space<semaphore_mem>> -> memref<!tpu.dma_semaphore, #tpu.memory_space<semaphore_mem>>
        tpu.enqueue_indirect_dma source(%dma_start3A_410 : memref<10112x32xf32, #tpu.memory_space<vmem_shared>>) target(%dma_start3A_400 : memref<128x32xf32, #tpu.memory_space<vmem>>) offsets(%dma_start3A_407 : memref<128xi32, #tpu.memory_space<vmem>>) semaphore(%dma_start3A_412 : memref<!tpu.dma_semaphore, #tpu.memory_space<semaphore_mem>>)
        %dma_wait3A_413 = arith.constant 0 : i32
        %dma_wait3A_414 = arith.constant 0 : i32
        %dma_wait3A_415 = arith.constant 0 : i32
        %dma_wait3A_416 = arith.constant 0 : i32
        %dma_wait3A_417 = tpu.memref_slice %arg13[%dma_wait3A_413, %dma_wait3A_415, %dma_wait3A_416] : memref<4x128x32xf32, #tpu.memory_space<vmem>> -> memref<1x128x32xf32, #tpu.memory_space<vmem>>
        %dma_wait3A_418 = tpu.memref_squeeze %dma_wait3A_417 : memref<1x128x32xf32, #tpu.memory_space<vmem>> -> memref<128x32xf32, #tpu.memory_space<vmem>>
        %dma_wait3A_419 = arith.constant 0 : i32
        %dma_wait3A_420 = arith.constant 0 : i32
        %dma_wait3A_421 = tpu.memref_slice %arg2[%arg0, %dma_wait3A_419, %dma_wait3A_420] : memref<2x10112x32xf32, #tpu.memory_space<hbm>> -> memref<1x10112x32xf32, #tpu.memory_space<hbm>>
        %dma_wait3A_422 = tpu.memref_squeeze %dma_wait3A_421 : memref<1x10112x32xf32, #tpu.memory_space<hbm>> -> memref<10112x32xf32, #tpu.memory_space<hbm>>
        %dma_wait3A_423 = arith.constant 0 : i32
        %dma_wait3A_424 = arith.constant 0 : i32
        %dma_wait3A_425 = tpu.memref_slice %dma_wait3A_422[%dma_wait3A_423, %dma_wait3A_424] : memref<10112x32xf32, #tpu.memory_space<hbm>> -> memref<128x32xf32, #tpu.memory_space<hbm>>
        %dma_wait3A_426 = tpu.memref_slice %arg20[%dma_wait3A_414] : memref<4x!tpu.dma_semaphore, #tpu.memory_space<semaphore_mem>> -> memref<1x!tpu.dma_semaphore, #tpu.memory_space<semaphore_mem>>
        %dma_wait3A_427 = tpu.memref_squeeze %dma_wait3A_426 : memref<1x!tpu.dma_semaphore, #tpu.memory_space<semaphore_mem>> -> memref<!tpu.dma_semaphore, #tpu.memory_space<semaphore_mem>>
        %dma_wait3A_428 = arith.constant 0 : i32
        %dma_wait3A_429 = arith.constant 0 : i32
        %dma_wait3A_430 = tpu.memref_slice %arg13[%dma_wait3A_413, %dma_wait3A_428, %dma_wait3A_429] : memref<4x128x32xf32, #tpu.memory_space<vmem>> -> memref<1x128x32xf32, #tpu.memory_space<vmem>>
        %dma_wait3A_431 = tpu.memref_squeeze %dma_wait3A_430 : memref<1x128x32xf32, #tpu.memory_space<vmem>> -> memref<128x32xf32, #tpu.memory_space<vmem>>
        %dma_wait3A_432 = arith.constant 0 : i32
        %dma_wait3A_433 = arith.constant 0 : i32
        %dma_wait3A_434 = tpu.memref_slice %arg2[%arg0, %dma_wait3A_432, %dma_wait3A_433] : memref<2x10112x32xf32, #tpu.memory_space<hbm>> -> memref<1x10112x32xf32, #tpu.memory_space<hbm>>
        %dma_wait3A_435 = tpu.memref_squeeze %dma_wait3A_434 : memref<1x10112x32xf32, #tpu.memory_space<hbm>> -> memref<10112x32xf32, #tpu.memory_space<hbm>>
        %dma_wait3A_436 = arith.constant 0 : i32
        %dma_wait3A_437 = arith.constant 0 : i32
        %dma_wait3A_438 = tpu.memref_slice %dma_wait3A_435[%dma_wait3A_436, %dma_wait3A_437] : memref<10112x32xf32, #tpu.memory_space<hbm>> -> memref<128x32xf32, #tpu.memory_space<hbm>>
        tpu.wait_dma2 semaphore(%dma_wait3A_427 : memref<!tpu.dma_semaphore, #tpu.memory_space<semaphore_mem>>) src(%dma_wait3A_438 : memref<128x32xf32, #tpu.memory_space<hbm>>) dst(%dma_wait3A_431 : memref<128x32xf32, #tpu.memory_space<vmem>>)
        %dma_start3A_439 = arith.constant 0 : i32
        %dma_start3A_440 = arith.constant 0 : i32
        %dma_start3A_441 = arith.constant 0 : i32
        %dma_start3A_442 = arith.constant 0 : i32
        %dma_start3A_443 = arith.constant 0 : i32
        %dma_start3A_444 = tpu.memref_slice %arg13[%dma_start3A_439, %dma_start3A_442, %dma_start3A_443] : memref<4x128x32xf32, #tpu.memory_space<vmem>> -> memref<1x128x32xf32, #tpu.memory_space<vmem>>
        %dma_start3A_445 = tpu.memref_squeeze %dma_start3A_444 : memref<1x128x32xf32, #tpu.memory_space<vmem>> -> memref<128x32xf32, #tpu.memory_space<vmem>>
        %dma_start3A_446 = arith.constant 0 : i32
        %dma_start3A_447 = arith.constant 0 : i32
        %dma_start3A_448 = tpu.memref_slice %arg12[%select_n3A_254, %dma_start3A_446, %dma_start3A_447] : memref<4x4x128xi32, #tpu.memory_space<vmem>> -> memref<1x4x128xi32, #tpu.memory_space<vmem>>
        %dma_start3A_449 = tpu.memref_squeeze %dma_start3A_448 : memref<1x4x128xi32, #tpu.memory_space<vmem>> -> memref<4x128xi32, #tpu.memory_space<vmem>>
        %dma_start3A_450 = arith.constant 0 : i32
        %dma_start3A_451 = tpu.memref_slice %dma_start3A_449[%dma_start3A_440, %dma_start3A_450] : memref<4x128xi32, #tpu.memory_space<vmem>> -> memref<1x128xi32, #tpu.memory_space<vmem>>
        %dma_start3A_452 = tpu.memref_squeeze %dma_start3A_451 : memref<1x128xi32, #tpu.memory_space<vmem>> -> memref<128xi32, #tpu.memory_space<vmem>>
        %dma_start3A_453 = arith.constant 0 : i32
        %dma_start3A_454 = arith.constant 0 : i32
        %dma_start3A_455 = tpu.memref_slice %arg10[%dma_start3A_453, %dma_start3A_454] : memref<10112x32xf32, #tpu.memory_space<vmem_shared>> -> memref<10112x32xf32, #tpu.memory_space<vmem_shared>>
        %dma_start3A_456 = tpu.memref_slice %arg21[%dma_start3A_441] : memref<4x!tpu.dma_semaphore, #tpu.memory_space<semaphore_mem>> -> memref<1x!tpu.dma_semaphore, #tpu.memory_space<semaphore_mem>>
        %dma_start3A_457 = tpu.memref_squeeze %dma_start3A_456 : memref<1x!tpu.dma_semaphore, #tpu.memory_space<semaphore_mem>> -> memref<!tpu.dma_semaphore, #tpu.memory_space<semaphore_mem>>
        tpu.enqueue_indirect_dma source(%dma_start3A_445 : memref<128x32xf32, #tpu.memory_space<vmem>>) target(%dma_start3A_455 : memref<10112x32xf32, #tpu.memory_space<vmem_shared>>) offsets(%dma_start3A_452 : memref<128xi32, #tpu.memory_space<vmem>>) semaphore(%dma_start3A_457 : memref<!tpu.dma_semaphore, #tpu.memory_space<semaphore_mem>>) {add = true}
        %dma_wait3A_458 = arith.constant 1 : i32
        %dma_wait3A_459 = arith.constant 1 : i32
        %dma_wait3A_460 = arith.constant 0 : i32
        %dma_wait3A_461 = arith.constant 0 : i32
        %dma_wait3A_462 = tpu.memref_slice %arg13[%dma_wait3A_458, %dma_wait3A_460, %dma_wait3A_461] : memref<4x128x32xf32, #tpu.memory_space<vmem>> -> memref<1x128x32xf32, #tpu.memory_space<vmem>>
        %dma_wait3A_463 = tpu.memref_squeeze %dma_wait3A_462 : memref<1x128x32xf32, #tpu.memory_space<vmem>> -> memref<128x32xf32, #tpu.memory_space<vmem>>
        %dma_wait3A_464 = arith.constant 0 : i32
        %dma_wait3A_465 = arith.constant 0 : i32
        %dma_wait3A_466 = tpu.memref_slice %arg2[%arg0, %dma_wait3A_464, %dma_wait3A_465] : memref<2x10112x32xf32, #tpu.memory_space<hbm>> -> memref<1x10112x32xf32, #tpu.memory_space<hbm>>
        %dma_wait3A_467 = tpu.memref_squeeze %dma_wait3A_466 : memref<1x10112x32xf32, #tpu.memory_space<hbm>> -> memref<10112x32xf32, #tpu.memory_space<hbm>>
        %dma_wait3A_468 = arith.constant 0 : i32
        %dma_wait3A_469 = arith.constant 0 : i32
        %dma_wait3A_470 = tpu.memref_slice %dma_wait3A_467[%dma_wait3A_468, %dma_wait3A_469] : memref<10112x32xf32, #tpu.memory_space<hbm>> -> memref<128x32xf32, #tpu.memory_space<hbm>>
        %dma_wait3A_471 = tpu.memref_slice %arg20[%dma_wait3A_459] : memref<4x!tpu.dma_semaphore, #tpu.memory_space<semaphore_mem>> -> memref<1x!tpu.dma_semaphore, #tpu.memory_space<semaphore_mem>>
        %dma_wait3A_472 = tpu.memref_squeeze %dma_wait3A_471 : memref<1x!tpu.dma_semaphore, #tpu.memory_space<semaphore_mem>> -> memref<!tpu.dma_semaphore, #tpu.memory_space<semaphore_mem>>
        %dma_wait3A_473 = arith.constant 0 : i32
        %dma_wait3A_474 = arith.constant 0 : i32
        %dma_wait3A_475 = tpu.memref_slice %arg13[%dma_wait3A_458, %dma_wait3A_473, %dma_wait3A_474] : memref<4x128x32xf32, #tpu.memory_space<vmem>> -> memref<1x128x32xf32, #tpu.memory_space<vmem>>
        %dma_wait3A_476 = tpu.memref_squeeze %dma_wait3A_475 : memref<1x128x32xf32, #tpu.memory_space<vmem>> -> memref<128x32xf32, #tpu.memory_space<vmem>>
        %dma_wait3A_477 = arith.constant 0 : i32
        %dma_wait3A_478 = arith.constant 0 : i32
        %dma_wait3A_479 = tpu.memref_slice %arg2[%arg0, %dma_wait3A_477, %dma_wait3A_478] : memref<2x10112x32xf32, #tpu.memory_space<hbm>> -> memref<1x10112x32xf32, #tpu.memory_space<hbm>>
        %dma_wait3A_480 = tpu.memref_squeeze %dma_wait3A_479 : memref<1x10112x32xf32, #tpu.memory_space<hbm>> -> memref<10112x32xf32, #tpu.memory_space<hbm>>
        %dma_wait3A_481 = arith.constant 0 : i32
        %dma_wait3A_482 = arith.constant 0 : i32
        %dma_wait3A_483 = tpu.memref_slice %dma_wait3A_480[%dma_wait3A_481, %dma_wait3A_482] : memref<10112x32xf32, #tpu.memory_space<hbm>> -> memref<128x32xf32, #tpu.memory_space<hbm>>
        tpu.wait_dma2 semaphore(%dma_wait3A_472 : memref<!tpu.dma_semaphore, #tpu.memory_space<semaphore_mem>>) src(%dma_wait3A_483 : memref<128x32xf32, #tpu.memory_space<hbm>>) dst(%dma_wait3A_476 : memref<128x32xf32, #tpu.memory_space<vmem>>)
        %dma_start3A_484 = arith.constant 1 : i32
        %dma_start3A_485 = arith.constant 1 : i32
        %dma_start3A_486 = arith.constant 1 : i32
        %dma_start3A_487 = arith.constant 0 : i32
        %dma_start3A_488 = arith.constant 0 : i32
        %dma_start3A_489 = tpu.memref_slice %arg13[%dma_start3A_484, %dma_start3A_487, %dma_start3A_488] : memref<4x128x32xf32, #tpu.memory_space<vmem>> -> memref<1x128x32xf32, #tpu.memory_space<vmem>>
        %dma_start3A_490 = tpu.memref_squeeze %dma_start3A_489 : memref<1x128x32xf32, #tpu.memory_space<vmem>> -> memref<128x32xf32, #tpu.memory_space<vmem>>
        %dma_start3A_491 = arith.constant 0 : i32
        %dma_start3A_492 = arith.constant 0 : i32
        %dma_start3A_493 = tpu.memref_slice %arg12[%select_n3A_254, %dma_start3A_491, %dma_start3A_492] : memref<4x4x128xi32, #tpu.memory_space<vmem>> -> memref<1x4x128xi32, #tpu.memory_space<vmem>>
        %dma_start3A_494 = tpu.memref_squeeze %dma_start3A_493 : memref<1x4x128xi32, #tpu.memory_space<vmem>> -> memref<4x128xi32, #tpu.memory_space<vmem>>
        %dma_start3A_495 = arith.constant 0 : i32
        %dma_start3A_496 = tpu.memref_slice %dma_start3A_494[%dma_start3A_485, %dma_start3A_495] : memref<4x128xi32, #tpu.memory_space<vmem>> -> memref<1x128xi32, #tpu.memory_space<vmem>>
        %dma_start3A_497 = tpu.memref_squeeze %dma_start3A_496 : memref<1x128xi32, #tpu.memory_space<vmem>> -> memref<128xi32, #tpu.memory_space<vmem>>
        %dma_start3A_498 = arith.constant 0 : i32
        %dma_start3A_499 = arith.constant 0 : i32
        %dma_start3A_500 = tpu.memref_slice %arg10[%dma_start3A_498, %dma_start3A_499] : memref<10112x32xf32, #tpu.memory_space<vmem_shared>> -> memref<10112x32xf32, #tpu.memory_space<vmem_shared>>
        %dma_start3A_501 = tpu.memref_slice %arg21[%dma_start3A_486] : memref<4x!tpu.dma_semaphore, #tpu.memory_space<semaphore_mem>> -> memref<1x!tpu.dma_semaphore, #tpu.memory_space<semaphore_mem>>
        %dma_start3A_502 = tpu.memref_squeeze %dma_start3A_501 : memref<1x!tpu.dma_semaphore, #tpu.memory_space<semaphore_mem>> -> memref<!tpu.dma_semaphore, #tpu.memory_space<semaphore_mem>>
        tpu.enqueue_indirect_dma source(%dma_start3A_490 : memref<128x32xf32, #tpu.memory_space<vmem>>) target(%dma_start3A_500 : memref<10112x32xf32, #tpu.memory_space<vmem_shared>>) offsets(%dma_start3A_497 : memref<128xi32, #tpu.memory_space<vmem>>) semaphore(%dma_start3A_502 : memref<!tpu.dma_semaphore, #tpu.memory_space<semaphore_mem>>) {add = true}
        %dma_wait3A_503 = arith.constant 2 : i32
        %dma_wait3A_504 = arith.constant 2 : i32
        %dma_wait3A_505 = arith.constant 0 : i32
        %dma_wait3A_506 = arith.constant 0 : i32
        %dma_wait3A_507 = tpu.memref_slice %arg13[%dma_wait3A_503, %dma_wait3A_505, %dma_wait3A_506] : memref<4x128x32xf32, #tpu.memory_space<vmem>> -> memref<1x128x32xf32, #tpu.memory_space<vmem>>
        %dma_wait3A_508 = tpu.memref_squeeze %dma_wait3A_507 : memref<1x128x32xf32, #tpu.memory_space<vmem>> -> memref<128x32xf32, #tpu.memory_space<vmem>>
        %dma_wait3A_509 = arith.constant 0 : i32
        %dma_wait3A_510 = arith.constant 0 : i32
        %dma_wait3A_511 = tpu.memref_slice %arg2[%arg0, %dma_wait3A_509, %dma_wait3A_510] : memref<2x10112x32xf32, #tpu.memory_space<hbm>> -> memref<1x10112x32xf32, #tpu.memory_space<hbm>>
        %dma_wait3A_512 = tpu.memref_squeeze %dma_wait3A_511 : memref<1x10112x32xf32, #tpu.memory_space<hbm>> -> memref<10112x32xf32, #tpu.memory_space<hbm>>
        %dma_wait3A_513 = arith.constant 0 : i32
        %dma_wait3A_514 = arith.constant 0 : i32
        %dma_wait3A_515 = tpu.memref_slice %dma_wait3A_512[%dma_wait3A_513, %dma_wait3A_514] : memref<10112x32xf32, #tpu.memory_space<hbm>> -> memref<128x32xf32, #tpu.memory_space<hbm>>
        %dma_wait3A_516 = tpu.memref_slice %arg20[%dma_wait3A_504] : memref<4x!tpu.dma_semaphore, #tpu.memory_space<semaphore_mem>> -> memref<1x!tpu.dma_semaphore, #tpu.memory_space<semaphore_mem>>
        %dma_wait3A_517 = tpu.memref_squeeze %dma_wait3A_516 : memref<1x!tpu.dma_semaphore, #tpu.memory_space<semaphore_mem>> -> memref<!tpu.dma_semaphore, #tpu.memory_space<semaphore_mem>>
        %dma_wait3A_518 = arith.constant 0 : i32
        %dma_wait3A_519 = arith.constant 0 : i32
        %dma_wait3A_520 = tpu.memref_slice %arg13[%dma_wait3A_503, %dma_wait3A_518, %dma_wait3A_519] : memref<4x128x32xf32, #tpu.memory_space<vmem>> -> memref<1x128x32xf32, #tpu.memory_space<vmem>>
        %dma_wait3A_521 = tpu.memref_squeeze %dma_wait3A_520 : memref<1x128x32xf32, #tpu.memory_space<vmem>> -> memref<128x32xf32, #tpu.memory_space<vmem>>
        %dma_wait3A_522 = arith.constant 0 : i32
        %dma_wait3A_523 = arith.constant 0 : i32
        %dma_wait3A_524 = tpu.memref_slice %arg2[%arg0, %dma_wait3A_522, %dma_wait3A_523] : memref<2x10112x32xf32, #tpu.memory_space<hbm>> -> memref<1x10112x32xf32, #tpu.memory_space<hbm>>
        %dma_wait3A_525 = tpu.memref_squeeze %dma_wait3A_524 : memref<1x10112x32xf32, #tpu.memory_space<hbm>> -> memref<10112x32xf32, #tpu.memory_space<hbm>>
        %dma_wait3A_526 = arith.constant 0 : i32
        %dma_wait3A_527 = arith.constant 0 : i32
        %dma_wait3A_528 = tpu.memref_slice %dma_wait3A_525[%dma_wait3A_526, %dma_wait3A_527] : memref<10112x32xf32, #tpu.memory_space<hbm>> -> memref<128x32xf32, #tpu.memory_space<hbm>>
        tpu.wait_dma2 semaphore(%dma_wait3A_517 : memref<!tpu.dma_semaphore, #tpu.memory_space<semaphore_mem>>) src(%dma_wait3A_528 : memref<128x32xf32, #tpu.memory_space<hbm>>) dst(%dma_wait3A_521 : memref<128x32xf32, #tpu.memory_space<vmem>>)
        %dma_start3A_529 = arith.constant 2 : i32
        %dma_start3A_530 = arith.constant 2 : i32
        %dma_start3A_531 = arith.constant 2 : i32
        %dma_start3A_532 = arith.constant 0 : i32
        %dma_start3A_533 = arith.constant 0 : i32
        %dma_start3A_534 = tpu.memref_slice %arg13[%dma_start3A_529, %dma_start3A_532, %dma_start3A_533] : memref<4x128x32xf32, #tpu.memory_space<vmem>> -> memref<1x128x32xf32, #tpu.memory_space<vmem>>
        %dma_start3A_535 = tpu.memref_squeeze %dma_start3A_534 : memref<1x128x32xf32, #tpu.memory_space<vmem>> -> memref<128x32xf32, #tpu.memory_space<vmem>>
        %dma_start3A_536 = arith.constant 0 : i32
        %dma_start3A_537 = arith.constant 0 : i32
        %dma_start3A_538 = tpu.memref_slice %arg12[%select_n3A_254, %dma_start3A_536, %dma_start3A_537] : memref<4x4x128xi32, #tpu.memory_space<vmem>> -> memref<1x4x128xi32, #tpu.memory_space<vmem>>
        %dma_start3A_539 = tpu.memref_squeeze %dma_start3A_538 : memref<1x4x128xi32, #tpu.memory_space<vmem>> -> memref<4x128xi32, #tpu.memory_space<vmem>>
        %dma_start3A_540 = arith.constant 0 : i32
        %dma_start3A_541 = tpu.memref_slice %dma_start3A_539[%dma_start3A_530, %dma_start3A_540] : memref<4x128xi32, #tpu.memory_space<vmem>> -> memref<1x128xi32, #tpu.memory_space<vmem>>
        %dma_start3A_542 = tpu.memref_squeeze %dma_start3A_541 : memref<1x128xi32, #tpu.memory_space<vmem>> -> memref<128xi32, #tpu.memory_space<vmem>>
        %dma_start3A_543 = arith.constant 0 : i32
        %dma_start3A_544 = arith.constant 0 : i32
        %dma_start3A_545 = tpu.memref_slice %arg10[%dma_start3A_543, %dma_start3A_544] : memref<10112x32xf32, #tpu.memory_space<vmem_shared>> -> memref<10112x32xf32, #tpu.memory_space<vmem_shared>>
        %dma_start3A_546 = tpu.memref_slice %arg21[%dma_start3A_531] : memref<4x!tpu.dma_semaphore, #tpu.memory_space<semaphore_mem>> -> memref<1x!tpu.dma_semaphore, #tpu.memory_space<semaphore_mem>>
        %dma_start3A_547 = tpu.memref_squeeze %dma_start3A_546 : memref<1x!tpu.dma_semaphore, #tpu.memory_space<semaphore_mem>> -> memref<!tpu.dma_semaphore, #tpu.memory_space<semaphore_mem>>
        tpu.enqueue_indirect_dma source(%dma_start3A_535 : memref<128x32xf32, #tpu.memory_space<vmem>>) target(%dma_start3A_545 : memref<10112x32xf32, #tpu.memory_space<vmem_shared>>) offsets(%dma_start3A_542 : memref<128xi32, #tpu.memory_space<vmem>>) semaphore(%dma_start3A_547 : memref<!tpu.dma_semaphore, #tpu.memory_space<semaphore_mem>>) {add = true}
        %dma_wait3A_548 = arith.constant 3 : i32
        %dma_wait3A_549 = arith.constant 3 : i32
        %dma_wait3A_550 = arith.constant 0 : i32
        %dma_wait3A_551 = arith.constant 0 : i32
        %dma_wait3A_552 = tpu.memref_slice %arg13[%dma_wait3A_548, %dma_wait3A_550, %dma_wait3A_551] : memref<4x128x32xf32, #tpu.memory_space<vmem>> -> memref<1x128x32xf32, #tpu.memory_space<vmem>>
        %dma_wait3A_553 = tpu.memref_squeeze %dma_wait3A_552 : memref<1x128x32xf32, #tpu.memory_space<vmem>> -> memref<128x32xf32, #tpu.memory_space<vmem>>
        %dma_wait3A_554 = arith.constant 0 : i32
        %dma_wait3A_555 = arith.constant 0 : i32
        %dma_wait3A_556 = tpu.memref_slice %arg2[%arg0, %dma_wait3A_554, %dma_wait3A_555] : memref<2x10112x32xf32, #tpu.memory_space<hbm>> -> memref<1x10112x32xf32, #tpu.memory_space<hbm>>
        %dma_wait3A_557 = tpu.memref_squeeze %dma_wait3A_556 : memref<1x10112x32xf32, #tpu.memory_space<hbm>> -> memref<10112x32xf32, #tpu.memory_space<hbm>>
        %dma_wait3A_558 = arith.constant 0 : i32
        %dma_wait3A_559 = arith.constant 0 : i32
        %dma_wait3A_560 = tpu.memref_slice %dma_wait3A_557[%dma_wait3A_558, %dma_wait3A_559] : memref<10112x32xf32, #tpu.memory_space<hbm>> -> memref<128x32xf32, #tpu.memory_space<hbm>>
        %dma_wait3A_561 = tpu.memref_slice %arg20[%dma_wait3A_549] : memref<4x!tpu.dma_semaphore, #tpu.memory_space<semaphore_mem>> -> memref<1x!tpu.dma_semaphore, #tpu.memory_space<semaphore_mem>>
        %dma_wait3A_562 = tpu.memref_squeeze %dma_wait3A_561 : memref<1x!tpu.dma_semaphore, #tpu.memory_space<semaphore_mem>> -> memref<!tpu.dma_semaphore, #tpu.memory_space<semaphore_mem>>
        %dma_wait3A_563 = arith.constant 0 : i32
        %dma_wait3A_564 = arith.constant 0 : i32
        %dma_wait3A_565 = tpu.memref_slice %arg13[%dma_wait3A_548, %dma_wait3A_563, %dma_wait3A_564] : memref<4x128x32xf32, #tpu.memory_space<vmem>> -> memref<1x128x32xf32, #tpu.memory_space<vmem>>
        %dma_wait3A_566 = tpu.memref_squeeze %dma_wait3A_565 : memref<1x128x32xf32, #tpu.memory_space<vmem>> -> memref<128x32xf32, #tpu.memory_space<vmem>>
        %dma_wait3A_567 = arith.constant 0 : i32
        %dma_wait3A_568 = arith.constant 0 : i32
        %dma_wait3A_569 = tpu.memref_slice %arg2[%arg0, %dma_wait3A_567, %dma_wait3A_568] : memref<2x10112x32xf32, #tpu.memory_space<hbm>> -> memref<1x10112x32xf32, #tpu.memory_space<hbm>>
        %dma_wait3A_570 = tpu.memref_squeeze %dma_wait3A_569 : memref<1x10112x32xf32, #tpu.memory_space<hbm>> -> memref<10112x32xf32, #tpu.memory_space<hbm>>
        %dma_wait3A_571 = arith.constant 0 : i32
        %dma_wait3A_572 = arith.constant 0 : i32
        %dma_wait3A_573 = tpu.memref_slice %dma_wait3A_570[%dma_wait3A_571, %dma_wait3A_572] : memref<10112x32xf32, #tpu.memory_space<hbm>> -> memref<128x32xf32, #tpu.memory_space<hbm>>
        tpu.wait_dma2 semaphore(%dma_wait3A_562 : memref<!tpu.dma_semaphore, #tpu.memory_space<semaphore_mem>>) src(%dma_wait3A_573 : memref<128x32xf32, #tpu.memory_space<hbm>>) dst(%dma_wait3A_566 : memref<128x32xf32, #tpu.memory_space<vmem>>)
        %dma_start3A_574 = arith.constant 3 : i32
        %dma_start3A_575 = arith.constant 3 : i32
        %dma_start3A_576 = arith.constant 3 : i32
        %dma_start3A_577 = arith.constant 0 : i32
        %dma_start3A_578 = arith.constant 0 : i32
        %dma_start3A_579 = tpu.memref_slice %arg13[%dma_start3A_574, %dma_start3A_577, %dma_start3A_578] : memref<4x128x32xf32, #tpu.memory_space<vmem>> -> memref<1x128x32xf32, #tpu.memory_space<vmem>>
        %dma_start3A_580 = tpu.memref_squeeze %dma_start3A_579 : memref<1x128x32xf32, #tpu.memory_space<vmem>> -> memref<128x32xf32, #tpu.memory_space<vmem>>
        %dma_start3A_581 = arith.constant 0 : i32
        %dma_start3A_582 = arith.constant 0 : i32
        %dma_start3A_583 = tpu.memref_slice %arg12[%select_n3A_254, %dma_start3A_581, %dma_start3A_582] : memref<4x4x128xi32, #tpu.memory_space<vmem>> -> memref<1x4x128xi32, #tpu.memory_space<vmem>>
        %dma_start3A_584 = tpu.memref_squeeze %dma_start3A_583 : memref<1x4x128xi32, #tpu.memory_space<vmem>> -> memref<4x128xi32, #tpu.memory_space<vmem>>
        %dma_start3A_585 = arith.constant 0 : i32
        %dma_start3A_586 = tpu.memref_slice %dma_start3A_584[%dma_start3A_575, %dma_start3A_585] : memref<4x128xi32, #tpu.memory_space<vmem>> -> memref<1x128xi32, #tpu.memory_space<vmem>>
        %dma_start3A_587 = tpu.memref_squeeze %dma_start3A_586 : memref<1x128xi32, #tpu.memory_space<vmem>> -> memref<128xi32, #tpu.memory_space<vmem>>
        %dma_start3A_588 = arith.constant 0 : i32
        %dma_start3A_589 = arith.constant 0 : i32
        %dma_start3A_590 = tpu.memref_slice %arg10[%dma_start3A_588, %dma_start3A_589] : memref<10112x32xf32, #tpu.memory_space<vmem_shared>> -> memref<10112x32xf32, #tpu.memory_space<vmem_shared>>
        %dma_start3A_591 = tpu.memref_slice %arg21[%dma_start3A_576] : memref<4x!tpu.dma_semaphore, #tpu.memory_space<semaphore_mem>> -> memref<1x!tpu.dma_semaphore, #tpu.memory_space<semaphore_mem>>
        %dma_start3A_592 = tpu.memref_squeeze %dma_start3A_591 : memref<1x!tpu.dma_semaphore, #tpu.memory_space<semaphore_mem>> -> memref<!tpu.dma_semaphore, #tpu.memory_space<semaphore_mem>>
        tpu.enqueue_indirect_dma source(%dma_start3A_580 : memref<128x32xf32, #tpu.memory_space<vmem>>) target(%dma_start3A_590 : memref<10112x32xf32, #tpu.memory_space<vmem_shared>>) offsets(%dma_start3A_587 : memref<128xi32, #tpu.memory_space<vmem>>) semaphore(%dma_start3A_592 : memref<!tpu.dma_semaphore, #tpu.memory_space<semaphore_mem>>) {add = true}
      }
      %scan3A_102 = arith.constant 40 : i32
      %dma_wait3A = arith.constant 0 : i32
      %dma_wait3A_103 = arith.constant 0 : i32
      %dma_wait3A_104 = arith.constant 0 : i32
      %dma_wait3A_105 = arith.constant 0 : i32
      %dma_wait3A_106 = tpu.memref_slice %arg13[%dma_wait3A, %dma_wait3A_104, %dma_wait3A_105] : memref<4x128x32xf32, #tpu.memory_space<vmem>> -> memref<1x128x32xf32, #tpu.memory_space<vmem>>
      %dma_wait3A_107 = tpu.memref_squeeze %dma_wait3A_106 : memref<1x128x32xf32, #tpu.memory_space<vmem>> -> memref<128x32xf32, #tpu.memory_space<vmem>>
      %dma_wait3A_108 = arith.constant 0 : i32
      %dma_wait3A_109 = arith.constant 0 : i32
      %dma_wait3A_110 = tpu.memref_slice %arg2[%arg0, %dma_wait3A_108, %dma_wait3A_109] : memref<2x10112x32xf32, #tpu.memory_space<hbm>> -> memref<1x10112x32xf32, #tpu.memory_space<hbm>>
      %dma_wait3A_111 = tpu.memref_squeeze %dma_wait3A_110 : memref<1x10112x32xf32, #tpu.memory_space<hbm>> -> memref<10112x32xf32, #tpu.memory_space<hbm>>
      %dma_wait3A_112 = arith.constant 0 : i32
      %dma_wait3A_113 = arith.constant 0 : i32
      %dma_wait3A_114 = tpu.memref_slice %dma_wait3A_111[%dma_wait3A_112, %dma_wait3A_113] : memref<10112x32xf32, #tpu.memory_space<hbm>> -> memref<128x32xf32, #tpu.memory_space<hbm>>
      %dma_wait3A_115 = tpu.memref_slice %arg21[%dma_wait3A_103] : memref<4x!tpu.dma_semaphore, #tpu.memory_space<semaphore_mem>> -> memref<1x!tpu.dma_semaphore, #tpu.memory_space<semaphore_mem>>
      %dma_wait3A_116 = tpu.memref_squeeze %dma_wait3A_115 : memref<1x!tpu.dma_semaphore, #tpu.memory_space<semaphore_mem>> -> memref<!tpu.dma_semaphore, #tpu.memory_space<semaphore_mem>>
      %dma_wait3A_117 = arith.constant 0 : i32
      %dma_wait3A_118 = arith.constant 0 : i32
      %dma_wait3A_119 = tpu.memref_slice %arg13[%dma_wait3A, %dma_wait3A_117, %dma_wait3A_118] : memref<4x128x32xf32, #tpu.memory_space<vmem>> -> memref<1x128x32xf32, #tpu.memory_space<vmem>>
      %dma_wait3A_120 = tpu.memref_squeeze %dma_wait3A_119 : memref<1x128x32xf32, #tpu.memory_space<vmem>> -> memref<128x32xf32, #tpu.memory_space<vmem>>
      %dma_wait3A_121 = arith.constant 0 : i32
      %dma_wait3A_122 = arith.constant 0 : i32
      %dma_wait3A_123 = tpu.memref_slice %arg2[%arg0, %dma_wait3A_121, %dma_wait3A_122] : memref<2x10112x32xf32, #tpu.memory_space<hbm>> -> memref<1x10112x32xf32, #tpu.memory_space<hbm>>
      %dma_wait3A_124 = tpu.memref_squeeze %dma_wait3A_123 : memref<1x10112x32xf32, #tpu.memory_space<hbm>> -> memref<10112x32xf32, #tpu.memory_space<hbm>>
      %dma_wait3A_125 = arith.constant 0 : i32
      %dma_wait3A_126 = arith.constant 0 : i32
      %dma_wait3A_127 = tpu.memref_slice %dma_wait3A_124[%dma_wait3A_125, %dma_wait3A_126] : memref<10112x32xf32, #tpu.memory_space<hbm>> -> memref<128x32xf32, #tpu.memory_space<hbm>>
      tpu.wait_dma2 semaphore(%dma_wait3A_116 : memref<!tpu.dma_semaphore, #tpu.memory_space<semaphore_mem>>) src(%dma_wait3A_127 : memref<128x32xf32, #tpu.memory_space<hbm>>) dst(%dma_wait3A_120 : memref<128x32xf32, #tpu.memory_space<vmem>>)
      %dma_wait3A_128 = arith.constant 1 : i32
      %dma_wait3A_129 = arith.constant 1 : i32
      %dma_wait3A_130 = arith.constant 0 : i32
      %dma_wait3A_131 = arith.constant 0 : i32
      %dma_wait3A_132 = tpu.memref_slice %arg13[%dma_wait3A_128, %dma_wait3A_130, %dma_wait3A_131] : memref<4x128x32xf32, #tpu.memory_space<vmem>> -> memref<1x128x32xf32, #tpu.memory_space<vmem>>
      %dma_wait3A_133 = tpu.memref_squeeze %dma_wait3A_132 : memref<1x128x32xf32, #tpu.memory_space<vmem>> -> memref<128x32xf32, #tpu.memory_space<vmem>>
      %dma_wait3A_134 = arith.constant 0 : i32
      %dma_wait3A_135 = arith.constant 0 : i32
      %dma_wait3A_136 = tpu.memref_slice %arg2[%arg0, %dma_wait3A_134, %dma_wait3A_135] : memref<2x10112x32xf32, #tpu.memory_space<hbm>> -> memref<1x10112x32xf32, #tpu.memory_space<hbm>>
      %dma_wait3A_137 = tpu.memref_squeeze %dma_wait3A_136 : memref<1x10112x32xf32, #tpu.memory_space<hbm>> -> memref<10112x32xf32, #tpu.memory_space<hbm>>
      %dma_wait3A_138 = arith.constant 0 : i32
      %dma_wait3A_139 = arith.constant 0 : i32
      %dma_wait3A_140 = tpu.memref_slice %dma_wait3A_137[%dma_wait3A_138, %dma_wait3A_139] : memref<10112x32xf32, #tpu.memory_space<hbm>> -> memref<128x32xf32, #tpu.memory_space<hbm>>
      %dma_wait3A_141 = tpu.memref_slice %arg21[%dma_wait3A_129] : memref<4x!tpu.dma_semaphore, #tpu.memory_space<semaphore_mem>> -> memref<1x!tpu.dma_semaphore, #tpu.memory_space<semaphore_mem>>
      %dma_wait3A_142 = tpu.memref_squeeze %dma_wait3A_141 : memref<1x!tpu.dma_semaphore, #tpu.memory_space<semaphore_mem>> -> memref<!tpu.dma_semaphore, #tpu.memory_space<semaphore_mem>>
      %dma_wait3A_143 = arith.constant 0 : i32
      %dma_wait3A_144 = arith.constant 0 : i32
      %dma_wait3A_145 = tpu.memref_slice %arg13[%dma_wait3A_128, %dma_wait3A_143, %dma_wait3A_144] : memref<4x128x32xf32, #tpu.memory_space<vmem>> -> memref<1x128x32xf32, #tpu.memory_space<vmem>>
      %dma_wait3A_146 = tpu.memref_squeeze %dma_wait3A_145 : memref<1x128x32xf32, #tpu.memory_space<vmem>> -> memref<128x32xf32, #tpu.memory_space<vmem>>
      %dma_wait3A_147 = arith.constant 0 : i32
      %dma_wait3A_148 = arith.constant 0 : i32
      %dma_wait3A_149 = tpu.memref_slice %arg2[%arg0, %dma_wait3A_147, %dma_wait3A_148] : memref<2x10112x32xf32, #tpu.memory_space<hbm>> -> memref<1x10112x32xf32, #tpu.memory_space<hbm>>
      %dma_wait3A_150 = tpu.memref_squeeze %dma_wait3A_149 : memref<1x10112x32xf32, #tpu.memory_space<hbm>> -> memref<10112x32xf32, #tpu.memory_space<hbm>>
      %dma_wait3A_151 = arith.constant 0 : i32
      %dma_wait3A_152 = arith.constant 0 : i32
      %dma_wait3A_153 = tpu.memref_slice %dma_wait3A_150[%dma_wait3A_151, %dma_wait3A_152] : memref<10112x32xf32, #tpu.memory_space<hbm>> -> memref<128x32xf32, #tpu.memory_space<hbm>>
      tpu.wait_dma2 semaphore(%dma_wait3A_142 : memref<!tpu.dma_semaphore, #tpu.memory_space<semaphore_mem>>) src(%dma_wait3A_153 : memref<128x32xf32, #tpu.memory_space<hbm>>) dst(%dma_wait3A_146 : memref<128x32xf32, #tpu.memory_space<vmem>>)
      %dma_wait3A_154 = arith.constant 2 : i32
      %dma_wait3A_155 = arith.constant 2 : i32
      %dma_wait3A_156 = arith.constant 0 : i32
      %dma_wait3A_157 = arith.constant 0 : i32
      %dma_wait3A_158 = tpu.memref_slice %arg13[%dma_wait3A_154, %dma_wait3A_156, %dma_wait3A_157] : memref<4x128x32xf32, #tpu.memory_space<vmem>> -> memref<1x128x32xf32, #tpu.memory_space<vmem>>
      %dma_wait3A_159 = tpu.memref_squeeze %dma_wait3A_158 : memref<1x128x32xf32, #tpu.memory_space<vmem>> -> memref<128x32xf32, #tpu.memory_space<vmem>>
      %dma_wait3A_160 = arith.constant 0 : i32
      %dma_wait3A_161 = arith.constant 0 : i32
      %dma_wait3A_162 = tpu.memref_slice %arg2[%arg0, %dma_wait3A_160, %dma_wait3A_161] : memref<2x10112x32xf32, #tpu.memory_space<hbm>> -> memref<1x10112x32xf32, #tpu.memory_space<hbm>>
      %dma_wait3A_163 = tpu.memref_squeeze %dma_wait3A_162 : memref<1x10112x32xf32, #tpu.memory_space<hbm>> -> memref<10112x32xf32, #tpu.memory_space<hbm>>
      %dma_wait3A_164 = arith.constant 0 : i32
      %dma_wait3A_165 = arith.constant 0 : i32
      %dma_wait3A_166 = tpu.memref_slice %dma_wait3A_163[%dma_wait3A_164, %dma_wait3A_165] : memref<10112x32xf32, #tpu.memory_space<hbm>> -> memref<128x32xf32, #tpu.memory_space<hbm>>
      %dma_wait3A_167 = tpu.memref_slice %arg21[%dma_wait3A_155] : memref<4x!tpu.dma_semaphore, #tpu.memory_space<semaphore_mem>> -> memref<1x!tpu.dma_semaphore, #tpu.memory_space<semaphore_mem>>
      %dma_wait3A_168 = tpu.memref_squeeze %dma_wait3A_167 : memref<1x!tpu.dma_semaphore, #tpu.memory_space<semaphore_mem>> -> memref<!tpu.dma_semaphore, #tpu.memory_space<semaphore_mem>>
      %dma_wait3A_169 = arith.constant 0 : i32
      %dma_wait3A_170 = arith.constant 0 : i32
      %dma_wait3A_171 = tpu.memref_slice %arg13[%dma_wait3A_154, %dma_wait3A_169, %dma_wait3A_170] : memref<4x128x32xf32, #tpu.memory_space<vmem>> -> memref<1x128x32xf32, #tpu.memory_space<vmem>>
      %dma_wait3A_172 = tpu.memref_squeeze %dma_wait3A_171 : memref<1x128x32xf32, #tpu.memory_space<vmem>> -> memref<128x32xf32, #tpu.memory_space<vmem>>
      %dma_wait3A_173 = arith.constant 0 : i32
      %dma_wait3A_174 = arith.constant 0 : i32
      %dma_wait3A_175 = tpu.memref_slice %arg2[%arg0, %dma_wait3A_173, %dma_wait3A_174] : memref<2x10112x32xf32, #tpu.memory_space<hbm>> -> memref<1x10112x32xf32, #tpu.memory_space<hbm>>
      %dma_wait3A_176 = tpu.memref_squeeze %dma_wait3A_175 : memref<1x10112x32xf32, #tpu.memory_space<hbm>> -> memref<10112x32xf32, #tpu.memory_space<hbm>>
      %dma_wait3A_177 = arith.constant 0 : i32
      %dma_wait3A_178 = arith.constant 0 : i32
      %dma_wait3A_179 = tpu.memref_slice %dma_wait3A_176[%dma_wait3A_177, %dma_wait3A_178] : memref<10112x32xf32, #tpu.memory_space<hbm>> -> memref<128x32xf32, #tpu.memory_space<hbm>>
      tpu.wait_dma2 semaphore(%dma_wait3A_168 : memref<!tpu.dma_semaphore, #tpu.memory_space<semaphore_mem>>) src(%dma_wait3A_179 : memref<128x32xf32, #tpu.memory_space<hbm>>) dst(%dma_wait3A_172 : memref<128x32xf32, #tpu.memory_space<vmem>>)
      %dma_wait3A_180 = arith.constant 3 : i32
      %dma_wait3A_181 = arith.constant 3 : i32
      %dma_wait3A_182 = arith.constant 0 : i32
      %dma_wait3A_183 = arith.constant 0 : i32
      %dma_wait3A_184 = tpu.memref_slice %arg13[%dma_wait3A_180, %dma_wait3A_182, %dma_wait3A_183] : memref<4x128x32xf32, #tpu.memory_space<vmem>> -> memref<1x128x32xf32, #tpu.memory_space<vmem>>
      %dma_wait3A_185 = tpu.memref_squeeze %dma_wait3A_184 : memref<1x128x32xf32, #tpu.memory_space<vmem>> -> memref<128x32xf32, #tpu.memory_space<vmem>>
      %dma_wait3A_186 = arith.constant 0 : i32
      %dma_wait3A_187 = arith.constant 0 : i32
      %dma_wait3A_188 = tpu.memref_slice %arg2[%arg0, %dma_wait3A_186, %dma_wait3A_187] : memref<2x10112x32xf32, #tpu.memory_space<hbm>> -> memref<1x10112x32xf32, #tpu.memory_space<hbm>>
      %dma_wait3A_189 = tpu.memref_squeeze %dma_wait3A_188 : memref<1x10112x32xf32, #tpu.memory_space<hbm>> -> memref<10112x32xf32, #tpu.memory_space<hbm>>
      %dma_wait3A_190 = arith.constant 0 : i32
      %dma_wait3A_191 = arith.constant 0 : i32
      %dma_wait3A_192 = tpu.memref_slice %dma_wait3A_189[%dma_wait3A_190, %dma_wait3A_191] : memref<10112x32xf32, #tpu.memory_space<hbm>> -> memref<128x32xf32, #tpu.memory_space<hbm>>
      %dma_wait3A_193 = tpu.memref_slice %arg21[%dma_wait3A_181] : memref<4x!tpu.dma_semaphore, #tpu.memory_space<semaphore_mem>> -> memref<1x!tpu.dma_semaphore, #tpu.memory_space<semaphore_mem>>
      %dma_wait3A_194 = tpu.memref_squeeze %dma_wait3A_193 : memref<1x!tpu.dma_semaphore, #tpu.memory_space<semaphore_mem>> -> memref<!tpu.dma_semaphore, #tpu.memory_space<semaphore_mem>>
      %dma_wait3A_195 = arith.constant 0 : i32
      %dma_wait3A_196 = arith.constant 0 : i32
      %dma_wait3A_197 = tpu.memref_slice %arg13[%dma_wait3A_180, %dma_wait3A_195, %dma_wait3A_196] : memref<4x128x32xf32, #tpu.memory_space<vmem>> -> memref<1x128x32xf32, #tpu.memory_space<vmem>>
      %dma_wait3A_198 = tpu.memref_squeeze %dma_wait3A_197 : memref<1x128x32xf32, #tpu.memory_space<vmem>> -> memref<128x32xf32, #tpu.memory_space<vmem>>
      %dma_wait3A_199 = arith.constant 0 : i32
      %dma_wait3A_200 = arith.constant 0 : i32
      %dma_wait3A_201 = tpu.memref_slice %arg2[%arg0, %dma_wait3A_199, %dma_wait3A_200] : memref<2x10112x32xf32, #tpu.memory_space<hbm>> -> memref<1x10112x32xf32, #tpu.memory_space<hbm>>
      %dma_wait3A_202 = tpu.memref_squeeze %dma_wait3A_201 : memref<1x10112x32xf32, #tpu.memory_space<hbm>> -> memref<10112x32xf32, #tpu.memory_space<hbm>>
      %dma_wait3A_203 = arith.constant 0 : i32
      %dma_wait3A_204 = arith.constant 0 : i32
      %dma_wait3A_205 = tpu.memref_slice %dma_wait3A_202[%dma_wait3A_203, %dma_wait3A_204] : memref<10112x32xf32, #tpu.memory_space<hbm>> -> memref<128x32xf32, #tpu.memory_space<hbm>>
      tpu.wait_dma2 semaphore(%dma_wait3A_194 : memref<!tpu.dma_semaphore, #tpu.memory_space<semaphore_mem>>) src(%dma_wait3A_205 : memref<128x32xf32, #tpu.memory_space<hbm>>) dst(%dma_wait3A_198 : memref<128x32xf32, #tpu.memory_space<vmem>>)
      %add3A_206 = arith.constant 1 : i32
      %add3A_207 = arith.addi %add3A_97, %add3A_206 : i32
      %lt3A = arith.constant 10 : i32
      %lt3A_208 = arith.cmpi slt, %add3A_207, %lt3A : i32
      %convert_element_type3A = arith.extui %lt3A_208 : i1 to i32
      %cond3A = arith.constant 0 : i32
      %cond3A_209 = arith.cmpi ne, %convert_element_type3A, %cond3A : i32
      scf.if %cond3A_209 {
        %dma_start3A_240 = arith.constant 0 : i32
        %dma_start3A_241 = arith.constant 0 : i32
        %dma_start3A_242 = arith.constant 0 : i32
        %dma_start3A_243 = arith.constant 0 : i32
        %dma_start3A_244 = arith.constant 0 : i32
        %dma_start3A_245 = tpu.memref_slice %arg11[%dma_start3A_241, %dma_start3A_243, %dma_start3A_244] : memref<4x4x128xi32, #tpu.memory_space<vmem>> -> memref<1x4x128xi32, #tpu.memory_space<vmem>>
        %dma_start3A_246 = tpu.memref_squeeze %dma_start3A_245 : memref<1x4x128xi32, #tpu.memory_space<vmem>> -> memref<4x128xi32, #tpu.memory_space<vmem>>
        %dma_start3A_247 = arith.constant 0 : i32
        %dma_start3A_248 = arith.constant 0 : i32
        %dma_start3A_249 = arith.constant 0 : i32
        %dma_start3A_250 = tpu.memref_slice %arg5[%arg1, %dma_start3A_247, %dma_start3A_248, %dma_start3A_249] : memref<16x40x4x128xi32, #tpu.memory_space<hbm>> -> memref<1x40x4x128xi32, #tpu.memory_space<hbm>>
        %dma_start3A_251 = tpu.memref_squeeze %dma_start3A_250 : memref<1x40x4x128xi32, #tpu.memory_space<hbm>> -> memref<40x4x128xi32, #tpu.memory_space<hbm>>
        %dma_start3A_252 = arith.constant 0 : i32
        %dma_start3A_253 = arith.constant 0 : i32
        %dma_start3A_254 = tpu.memref_slice %dma_start3A_251[%dma_start3A_240, %dma_start3A_252, %dma_start3A_253] : memref<40x4x128xi32, #tpu.memory_space<hbm>> -> memref<1x4x128xi32, #tpu.memory_space<hbm>>
        %dma_start3A_255 = tpu.memref_squeeze %dma_start3A_254 : memref<1x4x128xi32, #tpu.memory_space<hbm>> -> memref<4x128xi32, #tpu.memory_space<hbm>>
        %dma_start3A_256 = tpu.memref_slice %arg19[%dma_start3A_242] : memref<4x!tpu.dma_semaphore, #tpu.memory_space<semaphore_mem>> -> memref<1x!tpu.dma_semaphore, #tpu.memory_space<semaphore_mem>>
        %dma_start3A_257 = tpu.memref_squeeze %dma_start3A_256 : memref<1x!tpu.dma_semaphore, #tpu.memory_space<semaphore_mem>> -> memref<!tpu.dma_semaphore, #tpu.memory_space<semaphore_mem>>
        %dma_start3A_258 = arith.constant 0 : i32
        %dma_start3A_259 = arith.constant 0 : i32
        %dma_start3A_260 = tpu.memref_slice %arg11[%dma_start3A_241, %dma_start3A_258, %dma_start3A_259] : memref<4x4x128xi32, #tpu.memory_space<vmem>> -> memref<1x4x128xi32, #tpu.memory_space<vmem>>
        %dma_start3A_261 = tpu.memref_squeeze %dma_start3A_260 : memref<1x4x128xi32, #tpu.memory_space<vmem>> -> memref<4x128xi32, #tpu.memory_space<vmem>>
        %dma_start3A_262 = arith.constant 0 : i32
        %dma_start3A_263 = arith.constant 0 : i32
        %dma_start3A_264 = arith.constant 0 : i32
        %dma_start3A_265 = tpu.memref_slice %arg5[%arg1, %dma_start3A_262, %dma_start3A_263, %dma_start3A_264] : memref<16x40x4x128xi32, #tpu.memory_space<hbm>> -> memref<1x40x4x128xi32, #tpu.memory_space<hbm>>
        %dma_start3A_266 = tpu.memref_squeeze %dma_start3A_265 : memref<1x40x4x128xi32, #tpu.memory_space<hbm>> -> memref<40x4x128xi32, #tpu.memory_space<hbm>>
        %dma_start3A_267 = arith.constant 0 : i32
        %dma_start3A_268 = arith.constant 0 : i32
        %dma_start3A_269 = tpu.memref_slice %dma_start3A_266[%dma_start3A_240, %dma_start3A_267, %dma_start3A_268] : memref<40x4x128xi32, #tpu.memory_space<hbm>> -> memref<1x4x128xi32, #tpu.memory_space<hbm>>
        %dma_start3A_270 = tpu.memref_squeeze %dma_start3A_269 : memref<1x4x128xi32, #tpu.memory_space<hbm>> -> memref<4x128xi32, #tpu.memory_space<hbm>>
        tpu.enqueue_dma source(%dma_start3A_270 : memref<4x128xi32, #tpu.memory_space<hbm>>) target(%dma_start3A_261 : memref<4x128xi32, #tpu.memory_space<vmem>>) target_semaphore(%dma_start3A_257 : memref<!tpu.dma_semaphore, #tpu.memory_space<semaphore_mem>>)
        %dma_start3A_271 = arith.constant 0 : i32
        %dma_start3A_272 = arith.constant 0 : i32
        %dma_start3A_273 = arith.constant 0 : i32
        %dma_start3A_274 = arith.constant 0 : i32
        %dma_start3A_275 = arith.constant 0 : i32
        %dma_start3A_276 = tpu.memref_slice %arg12[%dma_start3A_272, %dma_start3A_274, %dma_start3A_275] : memref<4x4x128xi32, #tpu.memory_space<vmem>> -> memref<1x4x128xi32, #tpu.memory_space<vmem>>
        %dma_start3A_277 = tpu.memref_squeeze %dma_start3A_276 : memref<1x4x128xi32, #tpu.memory_space<vmem>> -> memref<4x128xi32, #tpu.memory_space<vmem>>
        %dma_start3A_278 = arith.constant 0 : i32
        %dma_start3A_279 = arith.constant 0 : i32
        %dma_start3A_280 = arith.constant 0 : i32
        %dma_start3A_281 = tpu.memref_slice %arg6[%arg1, %dma_start3A_278, %dma_start3A_279, %dma_start3A_280] : memref<16x40x4x128xi32, #tpu.memory_space<hbm>> -> memref<1x40x4x128xi32, #tpu.memory_space<hbm>>
        %dma_start3A_282 = tpu.memref_squeeze %dma_start3A_281 : memref<1x40x4x128xi32, #tpu.memory_space<hbm>> -> memref<40x4x128xi32, #tpu.memory_space<hbm>>
        %dma_start3A_283 = arith.constant 0 : i32
        %dma_start3A_284 = arith.constant 0 : i32
        %dma_start3A_285 = tpu.memref_slice %dma_start3A_282[%dma_start3A_271, %dma_start3A_283, %dma_start3A_284] : memref<40x4x128xi32, #tpu.memory_space<hbm>> -> memref<1x4x128xi32, #tpu.memory_space<hbm>>
        %dma_start3A_286 = tpu.memref_squeeze %dma_start3A_285 : memref<1x4x128xi32, #tpu.memory_space<hbm>> -> memref<4x128xi32, #tpu.memory_space<hbm>>
        %dma_start3A_287 = tpu.memref_slice %arg19[%dma_start3A_273] : memref<4x!tpu.dma_semaphore, #tpu.memory_space<semaphore_mem>> -> memref<1x!tpu.dma_semaphore, #tpu.memory_space<semaphore_mem>>
        %dma_start3A_288 = tpu.memref_squeeze %dma_start3A_287 : memref<1x!tpu.dma_semaphore, #tpu.memory_space<semaphore_mem>> -> memref<!tpu.dma_semaphore, #tpu.memory_space<semaphore_mem>>
        %dma_start3A_289 = arith.constant 0 : i32
        %dma_start3A_290 = arith.constant 0 : i32
        %dma_start3A_291 = tpu.memref_slice %arg12[%dma_start3A_272, %dma_start3A_289, %dma_start3A_290] : memref<4x4x128xi32, #tpu.memory_space<vmem>> -> memref<1x4x128xi32, #tpu.memory_space<vmem>>
        %dma_start3A_292 = tpu.memref_squeeze %dma_start3A_291 : memref<1x4x128xi32, #tpu.memory_space<vmem>> -> memref<4x128xi32, #tpu.memory_space<vmem>>
        %dma_start3A_293 = arith.constant 0 : i32
        %dma_start3A_294 = arith.constant 0 : i32
        %dma_start3A_295 = arith.constant 0 : i32
        %dma_start3A_296 = tpu.memref_slice %arg6[%arg1, %dma_start3A_293, %dma_start3A_294, %dma_start3A_295] : memref<16x40x4x128xi32, #tpu.memory_space<hbm>> -> memref<1x40x4x128xi32, #tpu.memory_space<hbm>>
        %dma_start3A_297 = tpu.memref_squeeze %dma_start3A_296 : memref<1x40x4x128xi32, #tpu.memory_space<hbm>> -> memref<40x4x128xi32, #tpu.memory_space<hbm>>
        %dma_start3A_298 = arith.constant 0 : i32
        %dma_start3A_299 = arith.constant 0 : i32
        %dma_start3A_300 = tpu.memref_slice %dma_start3A_297[%dma_start3A_271, %dma_start3A_298, %dma_start3A_299] : memref<40x4x128xi32, #tpu.memory_space<hbm>> -> memref<1x4x128xi32, #tpu.memory_space<hbm>>
        %dma_start3A_301 = tpu.memref_squeeze %dma_start3A_300 : memref<1x4x128xi32, #tpu.memory_space<hbm>> -> memref<4x128xi32, #tpu.memory_space<hbm>>
        tpu.enqueue_dma source(%dma_start3A_301 : memref<4x128xi32, #tpu.memory_space<hbm>>) target(%dma_start3A_292 : memref<4x128xi32, #tpu.memory_space<vmem>>) target_semaphore(%dma_start3A_288 : memref<!tpu.dma_semaphore, #tpu.memory_space<semaphore_mem>>)
      } else {
      }
      %barrier3A_210 = arith.constant 0 : index
      tpu.barrier barrier_id(%barrier3A_210)
      %add3A_211 = arith.constant 0 : i32
      %add3A_212 = arith.addi %mul3A_0, %add3A_211 : i32
      "tpu.region"() ({
        %run_scoped3A = tpu.sem_alloc : memref<!tpu.dma_semaphore, #tpu.memory_space<semaphore_mem>>
        %dma_start3A_240 = arith.constant 0 : i32
        %dma_start3A_241 = tpu.memref_slice %arg10[%add3A_212, %dma_start3A_240] : memref<10112x32xf32, #tpu.memory_space<vmem_shared>> -> memref<158x32xf32, #tpu.memory_space<vmem_shared>>
        %dma_start3A_242 = arith.constant 0 : i32
        %dma_start3A_243 = tpu.memref_slice %arg10[%add3A_212, %dma_start3A_242] : memref<10112x32xf32, #tpu.memory_space<vmem_shared>> -> memref<158x32xf32, #tpu.memory_space<vmem_shared>>
        tpu.enqueue_dma source(%dma_start3A_243 : memref<158x32xf32, #tpu.memory_space<vmem_shared>>) target(%arg17 : memref<158x32xf32, #tpu.memory_space<vmem>>) target_semaphore(%run_scoped3A : memref<!tpu.dma_semaphore, #tpu.memory_space<semaphore_mem>>)
        %dma_wait3A_244 = arith.constant 0 : i32
        %dma_wait3A_245 = tpu.memref_slice %arg10[%add3A_212, %dma_wait3A_244] : memref<10112x32xf32, #tpu.memory_space<vmem_shared>> -> memref<158x32xf32, #tpu.memory_space<vmem_shared>>
        %dma_wait3A_246 = arith.constant 0 : i32
        %dma_wait3A_247 = tpu.memref_slice %arg10[%add3A_212, %dma_wait3A_246] : memref<10112x32xf32, #tpu.memory_space<vmem_shared>> -> memref<158x32xf32, #tpu.memory_space<vmem_shared>>
        tpu.wait_dma2 semaphore(%run_scoped3A : memref<!tpu.dma_semaphore, #tpu.memory_space<semaphore_mem>>) src(%dma_wait3A_247 : memref<158x32xf32, #tpu.memory_space<vmem_shared>>) dst(%arg17 : memref<158x32xf32, #tpu.memory_space<vmem>>)
        tpu.yield
      }) : () -> ()
      "tpu.region"() ({
        %run_scoped3A = tpu.sem_alloc : memref<!tpu.dma_semaphore, #tpu.memory_space<semaphore_mem>>
        %dma_start3A_240 = arith.constant 0 : i32
        %dma_start3A_241 = tpu.memref_slice %arg9[%add3A_212, %dma_start3A_240] : memref<10112x32xf32, #tpu.memory_space<vmem_shared>> -> memref<158x32xf32, #tpu.memory_space<vmem_shared>>
        %dma_start3A_242 = arith.constant 0 : i32
        %dma_start3A_243 = tpu.memref_slice %arg9[%add3A_212, %dma_start3A_242] : memref<10112x32xf32, #tpu.memory_space<vmem_shared>> -> memref<158x32xf32, #tpu.memory_space<vmem_shared>>
        tpu.enqueue_dma source(%dma_start3A_243 : memref<158x32xf32, #tpu.memory_space<vmem_shared>>) target(%arg18 : memref<158x32xf32, #tpu.memory_space<vmem>>) target_semaphore(%run_scoped3A : memref<!tpu.dma_semaphore, #tpu.memory_space<semaphore_mem>>)
        %dma_wait3A_244 = arith.constant 0 : i32
        %dma_wait3A_245 = tpu.memref_slice %arg9[%add3A_212, %dma_wait3A_244] : memref<10112x32xf32, #tpu.memory_space<vmem_shared>> -> memref<158x32xf32, #tpu.memory_space<vmem_shared>>
        %dma_wait3A_246 = arith.constant 0 : i32
        %dma_wait3A_247 = tpu.memref_slice %arg9[%add3A_212, %dma_wait3A_246] : memref<10112x32xf32, #tpu.memory_space<vmem_shared>> -> memref<158x32xf32, #tpu.memory_space<vmem_shared>>
        tpu.wait_dma2 semaphore(%run_scoped3A : memref<!tpu.dma_semaphore, #tpu.memory_space<semaphore_mem>>) src(%dma_wait3A_247 : memref<158x32xf32, #tpu.memory_space<vmem_shared>>) dst(%arg18 : memref<158x32xf32, #tpu.memory_space<vmem>>)
        tpu.yield
      }) : () -> ()
      %scan3A_213 = arith.constant 0 : i32
      %scan3A_214 = arith.constant 158 : i32
      %scan3A_215 = arith.addi %scan3A_213, %scan3A_214 : i32
      %scan3A_216 = arith.constant 1 : i32
      scf.for %scan3A_240 = %scan3A_213 to %scan3A_215 step %scan3A_216  : i32 {
        %mul3A_241 = arith.constant 1 : i32
        %mul3A_242 = arith.muli %scan3A_240, %mul3A_241 : i32
        %add3A_243 = arith.constant 0 : i32
        %add3A_244 = arith.addi %add3A_243, %mul3A_242 : i32
        %add3A_245 = arith.constant 0 : i32
        %add3A_246 = arith.addi %add3A_245, %add3A_244 : i32
        %get3A = arith.index_cast %add3A_246 : i32 to index
        %get3A_247 = arith.constant 0 : index
        %get3A_248 = tpu.vector_load %arg15[%get3A, %get3A_247] {strides = array<i32>} : memref<632x16xf32, #tpu.memory_space<vmem>>, vector<1x16xf32>,
        %get3A_249 = vector.shape_cast %get3A_248 : vector<1x16xf32> to vector<16xf32>
        %slice3A = vector.extract_strided_slice %get3A_249 {offsets = [0], sizes = [1], strides = [1]} : vector<16xf32> to vector<1xf32>
        %squeeze3A = vector.extract %slice3A[0] : f32 from vector<1xf32>
        %get3A_250 = arith.index_cast %add3A_244 : i32 to index
        %get3A_251 = arith.constant 0 : index
        %get3A_252 = tpu.vector_load %arg17[%get3A_250, %get3A_251] {strides = array<i32>} : memref<158x32xf32, #tpu.memory_space<vmem>>, vector<1x16xf32>,
        %get3A_253 = vector.shape_cast %get3A_252 : vector<1x16xf32> to vector<16xf32>
        %get3A_254 = arith.index_cast %add3A_244 : i32 to index
        %get3A_255 = arith.constant 0 : index
        %get3A_256 = tpu.vector_load %arg18[%get3A_254, %get3A_255] {strides = array<i32>} : memref<158x32xf32, #tpu.memory_space<vmem>>, vector<1x16xf32>,
        %get3A_257 = vector.shape_cast %get3A_256 : vector<1x16xf32> to vector<16xf32>
        %add3A_258 = arith.addf %get3A_253, %get3A_257 : vector<16xf32>
        %mul3A_259 = vector.broadcast %squeeze3A : f32 to vector<16xf32>
        %mul3A_260 = arith.mulf %mul3A_259, %add3A_258 : vector<16xf32>
        %add3A_261 = arith.constant 0 : i32
        %add3A_262 = arith.addi %add3A_261, %add3A_244 : i32
        %get3A_263 = arith.index_cast %add3A_262 : i32 to index
        %get3A_264 = arith.constant 0 : index
        %get3A_265 = tpu.vector_load %arg14[%get3A_263, %get3A_264] {strides = array<i32>} : memref<632x32xf32, #tpu.memory_space<vmem>>, vector<1x16xf32>,
        %get3A_266 = vector.shape_cast %get3A_265 : vector<1x16xf32> to vector<16xf32>
        %add3A_267 = arith.addf %mul3A_260, %get3A_266 : vector<16xf32>
        %swap3A = arith.index_cast %add3A_244 : i32 to index
        %swap3A_268 = arith.constant 0 : index
        %swap3A_269 = tpu.vector_load %arg18[%swap3A, %swap3A_268] {strides = array<i32>} : memref<158x32xf32, #tpu.memory_space<vmem>>, vector<1x16xf32>,
        %swap3A_270 = vector.shape_cast %swap3A_269 : vector<1x16xf32> to vector<16xf32>
        %swap3A_271 = vector.shape_cast %add3A_267 : vector<16xf32> to vector<1x16xf32>
        tpu.vector_store %arg18[%swap3A, %swap3A_268], %swap3A_271 {strides = array<i32>} : memref<158x32xf32, #tpu.memory_space<vmem>>, vector<1x16xf32>,
        %get3A_272 = arith.index_cast %add3A_244 : i32 to index
        %get3A_273 = arith.constant 16 : index
        %get3A_274 = tpu.vector_load %arg17[%get3A_272, %get3A_273] {strides = array<i32>} : memref<158x32xf32, #tpu.memory_space<vmem>>, vector<1x16xf32>,
        %get3A_275 = vector.shape_cast %get3A_274 : vector<1x16xf32> to vector<16xf32>
        %get3A_276 = arith.index_cast %add3A_244 : i32 to index
        %get3A_277 = arith.constant 16 : index
        %get3A_278 = tpu.vector_load %arg18[%get3A_276, %get3A_277] {strides = array<i32>} : memref<158x32xf32, #tpu.memory_space<vmem>>, vector<1x16xf32>,
        %get3A_279 = vector.shape_cast %get3A_278 : vector<1x16xf32> to vector<16xf32>
        %add3A_280 = arith.addf %get3A_275, %get3A_279 : vector<16xf32>
        %mul3A_281 = vector.broadcast %squeeze3A : f32 to vector<16xf32>
        %mul3A_282 = arith.mulf %mul3A_281, %add3A_280 : vector<16xf32>
        %add3A_283 = arith.constant 0 : i32
        %add3A_284 = arith.addi %add3A_283, %add3A_244 : i32
        %get3A_285 = arith.index_cast %add3A_284 : i32 to index
        %get3A_286 = arith.constant 16 : index
        %get3A_287 = tpu.vector_load %arg14[%get3A_285, %get3A_286] {strides = array<i32>} : memref<632x32xf32, #tpu.memory_space<vmem>>, vector<1x16xf32>,
        %get3A_288 = vector.shape_cast %get3A_287 : vector<1x16xf32> to vector<16xf32>
        %add3A_289 = arith.addf %mul3A_282, %get3A_288 : vector<16xf32>
        %swap3A_290 = arith.index_cast %add3A_244 : i32 to index
        %swap3A_291 = arith.constant 16 : index
        %swap3A_292 = tpu.vector_load %arg18[%swap3A_290, %swap3A_291] {strides = array<i32>} : memref<158x32xf32, #tpu.memory_space<vmem>>, vector<1x16xf32>,
        %swap3A_293 = vector.shape_cast %swap3A_292 : vector<1x16xf32> to vector<16xf32>
        %swap3A_294 = vector.shape_cast %add3A_289 : vector<16xf32> to vector<1x16xf32>
        tpu.vector_store %arg18[%swap3A_290, %swap3A_291], %swap3A_294 {strides = array<i32>} : memref<158x32xf32, #tpu.memory_space<vmem>>, vector<1x16xf32>,
      }
      %scan3A_217 = arith.constant 158 : i32
      "tpu.region"() ({
        %run_scoped3A = tpu.sem_alloc : memref<!tpu.dma_semaphore, #tpu.memory_space<semaphore_mem>>
        %dma_start3A_240 = arith.constant 0 : i32
        %dma_start3A_241 = tpu.memref_slice %arg9[%add3A_212, %dma_start3A_240] : memref<10112x32xf32, #tpu.memory_space<vmem_shared>> -> memref<158x32xf32, #tpu.memory_space<vmem_shared>>
        %dma_start3A_242 = arith.constant 0 : i32
        %dma_start3A_243 = tpu.memref_slice %arg9[%add3A_212, %dma_start3A_242] : memref<10112x32xf32, #tpu.memory_space<vmem_shared>> -> memref<158x32xf32, #tpu.memory_space<vmem_shared>>
        tpu.enqueue_dma source(%arg18 : memref<158x32xf32, #tpu.memory_space<vmem>>) target(%dma_start3A_243 : memref<158x32xf32, #tpu.memory_space<vmem_shared>>) target_semaphore(%run_scoped3A : memref<!tpu.dma_semaphore, #tpu.memory_space<semaphore_mem>>)
        %dma_wait3A_244 = arith.constant 0 : i32
        %dma_wait3A_245 = tpu.memref_slice %arg9[%add3A_212, %dma_wait3A_244] : memref<10112x32xf32, #tpu.memory_space<vmem_shared>> -> memref<158x32xf32, #tpu.memory_space<vmem_shared>>
        %dma_wait3A_246 = arith.constant 0 : i32
        %dma_wait3A_247 = tpu.memref_slice %arg9[%add3A_212, %dma_wait3A_246] : memref<10112x32xf32, #tpu.memory_space<vmem_shared>> -> memref<158x32xf32, #tpu.memory_space<vmem_shared>>
        tpu.wait_dma2 semaphore(%run_scoped3A : memref<!tpu.dma_semaphore, #tpu.memory_space<semaphore_mem>>) src(%arg18 : memref<158x32xf32, #tpu.memory_space<vmem>>) dst(%dma_wait3A_247 : memref<158x32xf32, #tpu.memory_space<vmem_shared>>)
        tpu.yield
      }) : () -> ()
      "tpu.region"() ({
        %run_scoped3A = tpu.sem_alloc : memref<!tpu.dma_semaphore, #tpu.memory_space<semaphore_mem>>
        %dma_start3A_240 = arith.constant 0 : i32
        %dma_start3A_241 = arith.constant 0 : i32
        %dma_start3A_242 = tpu.memref_slice %arg16[%dma_start3A_240, %dma_start3A_241] : memref<632x32xf32, #tpu.memory_space<vmem>> -> memref<158x32xf32, #tpu.memory_space<vmem>>
        %dma_start3A_243 = arith.constant 0 : i32
        %dma_start3A_244 = tpu.memref_slice %arg10[%add3A_212, %dma_start3A_243] : memref<10112x32xf32, #tpu.memory_space<vmem_shared>> -> memref<158x32xf32, #tpu.memory_space<vmem_shared>>
        %dma_start3A_245 = arith.constant 0 : i32
        %dma_start3A_246 = tpu.memref_slice %arg10[%add3A_212, %dma_start3A_245] : memref<10112x32xf32, #tpu.memory_space<vmem_shared>> -> memref<158x32xf32, #tpu.memory_space<vmem_shared>>
        %dma_start3A_247 = arith.constant 0 : i32
        %dma_start3A_248 = arith.constant 0 : i32
        %dma_start3A_249 = tpu.memref_slice %arg16[%dma_start3A_247, %dma_start3A_248] : memref<632x32xf32, #tpu.memory_space<vmem>> -> memref<158x32xf32, #tpu.memory_space<vmem>>
        tpu.enqueue_dma source(%dma_start3A_249 : memref<158x32xf32, #tpu.memory_space<vmem>>) target(%dma_start3A_246 : memref<158x32xf32, #tpu.memory_space<vmem_shared>>) target_semaphore(%run_scoped3A : memref<!tpu.dma_semaphore, #tpu.memory_space<semaphore_mem>>)
        %dma_wait3A_250 = arith.constant 0 : i32
        %dma_wait3A_251 = arith.constant 0 : i32
        %dma_wait3A_252 = tpu.memref_slice %arg16[%dma_wait3A_250, %dma_wait3A_251] : memref<632x32xf32, #tpu.memory_space<vmem>> -> memref<158x32xf32, #tpu.memory_space<vmem>>
        %dma_wait3A_253 = arith.constant 0 : i32
        %dma_wait3A_254 = tpu.memref_slice %arg10[%add3A_212, %dma_wait3A_253] : memref<10112x32xf32, #tpu.memory_space<vmem_shared>> -> memref<158x32xf32, #tpu.memory_space<vmem_shared>>
        %dma_wait3A_255 = arith.constant 0 : i32
        %dma_wait3A_256 = tpu.memref_slice %arg10[%add3A_212, %dma_wait3A_255] : memref<10112x32xf32, #tpu.memory_space<vmem_shared>> -> memref<158x32xf32, #tpu.memory_space<vmem_shared>>
        %dma_wait3A_257 = arith.constant 0 : i32
        %dma_wait3A_258 = arith.constant 0 : i32
        %dma_wait3A_259 = tpu.memref_slice %arg16[%dma_wait3A_257, %dma_wait3A_258] : memref<632x32xf32, #tpu.memory_space<vmem>> -> memref<158x32xf32, #tpu.memory_space<vmem>>
        tpu.wait_dma2 semaphore(%run_scoped3A : memref<!tpu.dma_semaphore, #tpu.memory_space<semaphore_mem>>) src(%dma_wait3A_259 : memref<158x32xf32, #tpu.memory_space<vmem>>) dst(%dma_wait3A_256 : memref<158x32xf32, #tpu.memory_space<vmem_shared>>)
        tpu.yield
      }) : () -> ()
      %add3A_218 = arith.constant 158 : i32
      %add3A_219 = arith.addi %mul3A_0, %add3A_218 : i32
      "tpu.region"() ({
        %run_scoped3A = tpu.sem_alloc : memref<!tpu.dma_semaphore, #tpu.memory_space<semaphore_mem>>
        %dma_start3A_240 = arith.constant 0 : i32
        %dma_start3A_241 = tpu.memref_slice %arg10[%add3A_219, %dma_start3A_240] : memref<10112x32xf32, #tpu.memory_space<vmem_shared>> -> memref<158x32xf32, #tpu.memory_space<vmem_shared>>
        %dma_start3A_242 = arith.constant 0 : i32
        %dma_start3A_243 = tpu.memref_slice %arg10[%add3A_219, %dma_start3A_242] : memref<10112x32xf32, #tpu.memory_space<vmem_shared>> -> memref<158x32xf32, #tpu.memory_space<vmem_shared>>
        tpu.enqueue_dma source(%dma_start3A_243 : memref<158x32xf32, #tpu.memory_space<vmem_shared>>) target(%arg17 : memref<158x32xf32, #tpu.memory_space<vmem>>) target_semaphore(%run_scoped3A : memref<!tpu.dma_semaphore, #tpu.memory_space<semaphore_mem>>)
        %dma_wait3A_244 = arith.constant 0 : i32
        %dma_wait3A_245 = tpu.memref_slice %arg10[%add3A_219, %dma_wait3A_244] : memref<10112x32xf32, #tpu.memory_space<vmem_shared>> -> memref<158x32xf32, #tpu.memory_space<vmem_shared>>
        %dma_wait3A_246 = arith.constant 0 : i32
        %dma_wait3A_247 = tpu.memref_slice %arg10[%add3A_219, %dma_wait3A_246] : memref<10112x32xf32, #tpu.memory_space<vmem_shared>> -> memref<158x32xf32, #tpu.memory_space<vmem_shared>>
        tpu.wait_dma2 semaphore(%run_scoped3A : memref<!tpu.dma_semaphore, #tpu.memory_space<semaphore_mem>>) src(%dma_wait3A_247 : memref<158x32xf32, #tpu.memory_space<vmem_shared>>) dst(%arg17 : memref<158x32xf32, #tpu.memory_space<vmem>>)
        tpu.yield
      }) : () -> ()
      "tpu.region"() ({
        %run_scoped3A = tpu.sem_alloc : memref<!tpu.dma_semaphore, #tpu.memory_space<semaphore_mem>>
        %dma_start3A_240 = arith.constant 0 : i32
        %dma_start3A_241 = tpu.memref_slice %arg9[%add3A_219, %dma_start3A_240] : memref<10112x32xf32, #tpu.memory_space<vmem_shared>> -> memref<158x32xf32, #tpu.memory_space<vmem_shared>>
        %dma_start3A_242 = arith.constant 0 : i32
        %dma_start3A_243 = tpu.memref_slice %arg9[%add3A_219, %dma_start3A_242] : memref<10112x32xf32, #tpu.memory_space<vmem_shared>> -> memref<158x32xf32, #tpu.memory_space<vmem_shared>>
        tpu.enqueue_dma source(%dma_start3A_243 : memref<158x32xf32, #tpu.memory_space<vmem_shared>>) target(%arg18 : memref<158x32xf32, #tpu.memory_space<vmem>>) target_semaphore(%run_scoped3A : memref<!tpu.dma_semaphore, #tpu.memory_space<semaphore_mem>>)
        %dma_wait3A_244 = arith.constant 0 : i32
        %dma_wait3A_245 = tpu.memref_slice %arg9[%add3A_219, %dma_wait3A_244] : memref<10112x32xf32, #tpu.memory_space<vmem_shared>> -> memref<158x32xf32, #tpu.memory_space<vmem_shared>>
        %dma_wait3A_246 = arith.constant 0 : i32
        %dma_wait3A_247 = tpu.memref_slice %arg9[%add3A_219, %dma_wait3A_246] : memref<10112x32xf32, #tpu.memory_space<vmem_shared>> -> memref<158x32xf32, #tpu.memory_space<vmem_shared>>
        tpu.wait_dma2 semaphore(%run_scoped3A : memref<!tpu.dma_semaphore, #tpu.memory_space<semaphore_mem>>) src(%dma_wait3A_247 : memref<158x32xf32, #tpu.memory_space<vmem_shared>>) dst(%arg18 : memref<158x32xf32, #tpu.memory_space<vmem>>)
        tpu.yield
      }) : () -> ()
      %scan3A_220 = arith.constant 0 : i32
      %scan3A_221 = arith.constant 158 : i32
      %scan3A_222 = arith.addi %scan3A_220, %scan3A_221 : i32
      %scan3A_223 = arith.constant 1 : i32
      scf.for %scan3A_240 = %scan3A_220 to %scan3A_222 step %scan3A_223  : i32 {
        %mul3A_241 = arith.constant 1 : i32
        %mul3A_242 = arith.muli %scan3A_240, %mul3A_241 : i32
        %add3A_243 = arith.constant 0 : i32
        %add3A_244 = arith.addi %add3A_243, %mul3A_242 : i32
        %add3A_245 = arith.constant 158 : i32
        %add3A_246 = arith.addi %add3A_245, %add3A_244 : i32
        %get3A = arith.index_cast %add3A_246 : i32 to index
        %get3A_247 = arith.constant 0 : index
        %get3A_248 = tpu.vector_load %arg15[%get3A, %get3A_247] {strides = array<i32>} : memref<632x16xf32, #tpu.memory_space<vmem>>, vector<1x16xf32>,
        %get3A_249 = vector.shape_cast %get3A_248 : vector<1x16xf32> to vector<16xf32>
        %slice3A = vector.extract_strided_slice %get3A_249 {offsets = [0], sizes = [1], strides = [1]} : vector<16xf32> to vector<1xf32>
        %squeeze3A = vector.extract %slice3A[0] : f32 from vector<1xf32>
        %get3A_250 = arith.index_cast %add3A_244 : i32 to index
        %get3A_251 = arith.constant 0 : index
        %get3A_252 = tpu.vector_load %arg17[%get3A_250, %get3A_251] {strides = array<i32>} : memref<158x32xf32, #tpu.memory_space<vmem>>, vector<1x16xf32>,
        %get3A_253 = vector.shape_cast %get3A_252 : vector<1x16xf32> to vector<16xf32>
        %get3A_254 = arith.index_cast %add3A_244 : i32 to index
        %get3A_255 = arith.constant 0 : index
        %get3A_256 = tpu.vector_load %arg18[%get3A_254, %get3A_255] {strides = array<i32>} : memref<158x32xf32, #tpu.memory_space<vmem>>, vector<1x16xf32>,
        %get3A_257 = vector.shape_cast %get3A_256 : vector<1x16xf32> to vector<16xf32>
        %add3A_258 = arith.addf %get3A_253, %get3A_257 : vector<16xf32>
        %mul3A_259 = vector.broadcast %squeeze3A : f32 to vector<16xf32>
        %mul3A_260 = arith.mulf %mul3A_259, %add3A_258 : vector<16xf32>
        %add3A_261 = arith.constant 158 : i32
        %add3A_262 = arith.addi %add3A_261, %add3A_244 : i32
        %get3A_263 = arith.index_cast %add3A_262 : i32 to index
        %get3A_264 = arith.constant 0 : index
        %get3A_265 = tpu.vector_load %arg14[%get3A_263, %get3A_264] {strides = array<i32>} : memref<632x32xf32, #tpu.memory_space<vmem>>, vector<1x16xf32>,
        %get3A_266 = vector.shape_cast %get3A_265 : vector<1x16xf32> to vector<16xf32>
        %add3A_267 = arith.addf %mul3A_260, %get3A_266 : vector<16xf32>
        %swap3A = arith.index_cast %add3A_244 : i32 to index
        %swap3A_268 = arith.constant 0 : index
        %swap3A_269 = tpu.vector_load %arg18[%swap3A, %swap3A_268] {strides = array<i32>} : memref<158x32xf32, #tpu.memory_space<vmem>>, vector<1x16xf32>,
        %swap3A_270 = vector.shape_cast %swap3A_269 : vector<1x16xf32> to vector<16xf32>
        %swap3A_271 = vector.shape_cast %add3A_267 : vector<16xf32> to vector<1x16xf32>
        tpu.vector_store %arg18[%swap3A, %swap3A_268], %swap3A_271 {strides = array<i32>} : memref<158x32xf32, #tpu.memory_space<vmem>>, vector<1x16xf32>,
        %get3A_272 = arith.index_cast %add3A_244 : i32 to index
        %get3A_273 = arith.constant 16 : index
        %get3A_274 = tpu.vector_load %arg17[%get3A_272, %get3A_273] {strides = array<i32>} : memref<158x32xf32, #tpu.memory_space<vmem>>, vector<1x16xf32>,
        %get3A_275 = vector.shape_cast %get3A_274 : vector<1x16xf32> to vector<16xf32>
        %get3A_276 = arith.index_cast %add3A_244 : i32 to index
        %get3A_277 = arith.constant 16 : index
        %get3A_278 = tpu.vector_load %arg18[%get3A_276, %get3A_277] {strides = array<i32>} : memref<158x32xf32, #tpu.memory_space<vmem>>, vector<1x16xf32>,
        %get3A_279 = vector.shape_cast %get3A_278 : vector<1x16xf32> to vector<16xf32>
        %add3A_280 = arith.addf %get3A_275, %get3A_279 : vector<16xf32>
        %mul3A_281 = vector.broadcast %squeeze3A : f32 to vector<16xf32>
        %mul3A_282 = arith.mulf %mul3A_281, %add3A_280 : vector<16xf32>
        %add3A_283 = arith.constant 158 : i32
        %add3A_284 = arith.addi %add3A_283, %add3A_244 : i32
        %get3A_285 = arith.index_cast %add3A_284 : i32 to index
        %get3A_286 = arith.constant 16 : index
        %get3A_287 = tpu.vector_load %arg14[%get3A_285, %get3A_286] {strides = array<i32>} : memref<632x32xf32, #tpu.memory_space<vmem>>, vector<1x16xf32>,
        %get3A_288 = vector.shape_cast %get3A_287 : vector<1x16xf32> to vector<16xf32>
        %add3A_289 = arith.addf %mul3A_282, %get3A_288 : vector<16xf32>
        %swap3A_290 = arith.index_cast %add3A_244 : i32 to index
        %swap3A_291 = arith.constant 16 : index
        %swap3A_292 = tpu.vector_load %arg18[%swap3A_290, %swap3A_291] {strides = array<i32>} : memref<158x32xf32, #tpu.memory_space<vmem>>, vector<1x16xf32>,
        %swap3A_293 = vector.shape_cast %swap3A_292 : vector<1x16xf32> to vector<16xf32>
        %swap3A_294 = vector.shape_cast %add3A_289 : vector<16xf32> to vector<1x16xf32>
        tpu.vector_store %arg18[%swap3A_290, %swap3A_291], %swap3A_294 {strides = array<i32>} : memref<158x32xf32, #tpu.memory_space<vmem>>, vector<1x16xf32>,
      }
      %scan3A_224 = arith.constant 158 : i32
      "tpu.region"() ({
        %run_scoped3A = tpu.sem_alloc : memref<!tpu.dma_semaphore, #tpu.memory_space<semaphore_mem>>
        %dma_start3A_240 = arith.constant 0 : i32
        %dma_start3A_241 = tpu.memref_slice %arg9[%add3A_219, %dma_start3A_240] : memref<10112x32xf32, #tpu.memory_space<vmem_shared>> -> memref<158x32xf32, #tpu.memory_space<vmem_shared>>
        %dma_start3A_242 = arith.constant 0 : i32
        %dma_start3A_243 = tpu.memref_slice %arg9[%add3A_219, %dma_start3A_242] : memref<10112x32xf32, #tpu.memory_space<vmem_shared>> -> memref<158x32xf32, #tpu.memory_space<vmem_shared>>
        tpu.enqueue_dma source(%arg18 : memref<158x32xf32, #tpu.memory_space<vmem>>) target(%dma_start3A_243 : memref<158x32xf32, #tpu.memory_space<vmem_shared>>) target_semaphore(%run_scoped3A : memref<!tpu.dma_semaphore, #tpu.memory_space<semaphore_mem>>)
        %dma_wait3A_244 = arith.constant 0 : i32
        %dma_wait3A_245 = tpu.memref_slice %arg9[%add3A_219, %dma_wait3A_244] : memref<10112x32xf32, #tpu.memory_space<vmem_shared>> -> memref<158x32xf32, #tpu.memory_space<vmem_shared>>
        %dma_wait3A_246 = arith.constant 0 : i32
        %dma_wait3A_247 = tpu.memref_slice %arg9[%add3A_219, %dma_wait3A_246] : memref<10112x32xf32, #tpu.memory_space<vmem_shared>> -> memref<158x32xf32, #tpu.memory_space<vmem_shared>>
        tpu.wait_dma2 semaphore(%run_scoped3A : memref<!tpu.dma_semaphore, #tpu.memory_space<semaphore_mem>>) src(%arg18 : memref<158x32xf32, #tpu.memory_space<vmem>>) dst(%dma_wait3A_247 : memref<158x32xf32, #tpu.memory_space<vmem_shared>>)
        tpu.yield
      }) : () -> ()
      "tpu.region"() ({
        %run_scoped3A = tpu.sem_alloc : memref<!tpu.dma_semaphore, #tpu.memory_space<semaphore_mem>>
        %dma_start3A_240 = arith.constant 0 : i32
        %dma_start3A_241 = arith.constant 0 : i32
        %dma_start3A_242 = tpu.memref_slice %arg16[%dma_start3A_240, %dma_start3A_241] : memref<632x32xf32, #tpu.memory_space<vmem>> -> memref<158x32xf32, #tpu.memory_space<vmem>>
        %dma_start3A_243 = arith.constant 0 : i32
        %dma_start3A_244 = tpu.memref_slice %arg10[%add3A_219, %dma_start3A_243] : memref<10112x32xf32, #tpu.memory_space<vmem_shared>> -> memref<158x32xf32, #tpu.memory_space<vmem_shared>>
        %dma_start3A_245 = arith.constant 0 : i32
        %dma_start3A_246 = tpu.memref_slice %arg10[%add3A_219, %dma_start3A_245] : memref<10112x32xf32, #tpu.memory_space<vmem_shared>> -> memref<158x32xf32, #tpu.memory_space<vmem_shared>>
        %dma_start3A_247 = arith.constant 0 : i32
        %dma_start3A_248 = arith.constant 0 : i32
        %dma_start3A_249 = tpu.memref_slice %arg16[%dma_start3A_247, %dma_start3A_248] : memref<632x32xf32, #tpu.memory_space<vmem>> -> memref<158x32xf32, #tpu.memory_space<vmem>>
        tpu.enqueue_dma source(%dma_start3A_249 : memref<158x32xf32, #tpu.memory_space<vmem>>) target(%dma_start3A_246 : memref<158x32xf32, #tpu.memory_space<vmem_shared>>) target_semaphore(%run_scoped3A : memref<!tpu.dma_semaphore, #tpu.memory_space<semaphore_mem>>)
        %dma_wait3A_250 = arith.constant 0 : i32
        %dma_wait3A_251 = arith.constant 0 : i32
        %dma_wait3A_252 = tpu.memref_slice %arg16[%dma_wait3A_250, %dma_wait3A_251] : memref<632x32xf32, #tpu.memory_space<vmem>> -> memref<158x32xf32, #tpu.memory_space<vmem>>
        %dma_wait3A_253 = arith.constant 0 : i32
        %dma_wait3A_254 = tpu.memref_slice %arg10[%add3A_219, %dma_wait3A_253] : memref<10112x32xf32, #tpu.memory_space<vmem_shared>> -> memref<158x32xf32, #tpu.memory_space<vmem_shared>>
        %dma_wait3A_255 = arith.constant 0 : i32
        %dma_wait3A_256 = tpu.memref_slice %arg10[%add3A_219, %dma_wait3A_255] : memref<10112x32xf32, #tpu.memory_space<vmem_shared>> -> memref<158x32xf32, #tpu.memory_space<vmem_shared>>
        %dma_wait3A_257 = arith.constant 0 : i32
        %dma_wait3A_258 = arith.constant 0 : i32
        %dma_wait3A_259 = tpu.memref_slice %arg16[%dma_wait3A_257, %dma_wait3A_258] : memref<632x32xf32, #tpu.memory_space<vmem>> -> memref<158x32xf32, #tpu.memory_space<vmem>>
        tpu.wait_dma2 semaphore(%run_scoped3A : memref<!tpu.dma_semaphore, #tpu.memory_space<semaphore_mem>>) src(%dma_wait3A_259 : memref<158x32xf32, #tpu.memory_space<vmem>>) dst(%dma_wait3A_256 : memref<158x32xf32, #tpu.memory_space<vmem_shared>>)
        tpu.yield
      }) : () -> ()
      %add3A_225 = arith.constant 316 : i32
      %add3A_226 = arith.addi %mul3A_0, %add3A_225 : i32
      "tpu.region"() ({
        %run_scoped3A = tpu.sem_alloc : memref<!tpu.dma_semaphore, #tpu.memory_space<semaphore_mem>>
        %dma_start3A_240 = arith.constant 0 : i32
        %dma_start3A_241 = tpu.memref_slice %arg10[%add3A_226, %dma_start3A_240] : memref<10112x32xf32, #tpu.memory_space<vmem_shared>> -> memref<158x32xf32, #tpu.memory_space<vmem_shared>>
        %dma_start3A_242 = arith.constant 0 : i32
        %dma_start3A_243 = tpu.memref_slice %arg10[%add3A_226, %dma_start3A_242] : memref<10112x32xf32, #tpu.memory_space<vmem_shared>> -> memref<158x32xf32, #tpu.memory_space<vmem_shared>>
        tpu.enqueue_dma source(%dma_start3A_243 : memref<158x32xf32, #tpu.memory_space<vmem_shared>>) target(%arg17 : memref<158x32xf32, #tpu.memory_space<vmem>>) target_semaphore(%run_scoped3A : memref<!tpu.dma_semaphore, #tpu.memory_space<semaphore_mem>>)
        %dma_wait3A_244 = arith.constant 0 : i32
        %dma_wait3A_245 = tpu.memref_slice %arg10[%add3A_226, %dma_wait3A_244] : memref<10112x32xf32, #tpu.memory_space<vmem_shared>> -> memref<158x32xf32, #tpu.memory_space<vmem_shared>>
        %dma_wait3A_246 = arith.constant 0 : i32
        %dma_wait3A_247 = tpu.memref_slice %arg10[%add3A_226, %dma_wait3A_246] : memref<10112x32xf32, #tpu.memory_space<vmem_shared>> -> memref<158x32xf32, #tpu.memory_space<vmem_shared>>
        tpu.wait_dma2 semaphore(%run_scoped3A : memref<!tpu.dma_semaphore, #tpu.memory_space<semaphore_mem>>) src(%dma_wait3A_247 : memref<158x32xf32, #tpu.memory_space<vmem_shared>>) dst(%arg17 : memref<158x32xf32, #tpu.memory_space<vmem>>)
        tpu.yield
      }) : () -> ()
      "tpu.region"() ({
        %run_scoped3A = tpu.sem_alloc : memref<!tpu.dma_semaphore, #tpu.memory_space<semaphore_mem>>
        %dma_start3A_240 = arith.constant 0 : i32
        %dma_start3A_241 = tpu.memref_slice %arg9[%add3A_226, %dma_start3A_240] : memref<10112x32xf32, #tpu.memory_space<vmem_shared>> -> memref<158x32xf32, #tpu.memory_space<vmem_shared>>
        %dma_start3A_242 = arith.constant 0 : i32
        %dma_start3A_243 = tpu.memref_slice %arg9[%add3A_226, %dma_start3A_242] : memref<10112x32xf32, #tpu.memory_space<vmem_shared>> -> memref<158x32xf32, #tpu.memory_space<vmem_shared>>
        tpu.enqueue_dma source(%dma_start3A_243 : memref<158x32xf32, #tpu.memory_space<vmem_shared>>) target(%arg18 : memref<158x32xf32, #tpu.memory_space<vmem>>) target_semaphore(%run_scoped3A : memref<!tpu.dma_semaphore, #tpu.memory_space<semaphore_mem>>)
        %dma_wait3A_244 = arith.constant 0 : i32
        %dma_wait3A_245 = tpu.memref_slice %arg9[%add3A_226, %dma_wait3A_244] : memref<10112x32xf32, #tpu.memory_space<vmem_shared>> -> memref<158x32xf32, #tpu.memory_space<vmem_shared>>
        %dma_wait3A_246 = arith.constant 0 : i32
        %dma_wait3A_247 = tpu.memref_slice %arg9[%add3A_226, %dma_wait3A_246] : memref<10112x32xf32, #tpu.memory_space<vmem_shared>> -> memref<158x32xf32, #tpu.memory_space<vmem_shared>>
        tpu.wait_dma2 semaphore(%run_scoped3A : memref<!tpu.dma_semaphore, #tpu.memory_space<semaphore_mem>>) src(%dma_wait3A_247 : memref<158x32xf32, #tpu.memory_space<vmem_shared>>) dst(%arg18 : memref<158x32xf32, #tpu.memory_space<vmem>>)
        tpu.yield
      }) : () -> ()
      %scan3A_227 = arith.constant 0 : i32
      %scan3A_228 = arith.constant 158 : i32
      %scan3A_229 = arith.addi %scan3A_227, %scan3A_228 : i32
      %scan3A_230 = arith.constant 1 : i32
      scf.for %scan3A_240 = %scan3A_227 to %scan3A_229 step %scan3A_230  : i32 {
        %mul3A_241 = arith.constant 1 : i32
        %mul3A_242 = arith.muli %scan3A_240, %mul3A_241 : i32
        %add3A_243 = arith.constant 0 : i32
        %add3A_244 = arith.addi %add3A_243, %mul3A_242 : i32
        %add3A_245 = arith.constant 316 : i32
        %add3A_246 = arith.addi %add3A_245, %add3A_244 : i32
        %get3A = arith.index_cast %add3A_246 : i32 to index
        %get3A_247 = arith.constant 0 : index
        %get3A_248 = tpu.vector_load %arg15[%get3A, %get3A_247] {strides = array<i32>} : memref<632x16xf32, #tpu.memory_space<vmem>>, vector<1x16xf32>,
        %get3A_249 = vector.shape_cast %get3A_248 : vector<1x16xf32> to vector<16xf32>
        %slice3A = vector.extract_strided_slice %get3A_249 {offsets = [0], sizes = [1], strides = [1]} : vector<16xf32> to vector<1xf32>
        %squeeze3A = vector.extract %slice3A[0] : f32 from vector<1xf32>
        %get3A_250 = arith.index_cast %add3A_244 : i32 to index
        %get3A_251 = arith.constant 0 : index
        %get3A_252 = tpu.vector_load %arg17[%get3A_250, %get3A_251] {strides = array<i32>} : memref<158x32xf32, #tpu.memory_space<vmem>>, vector<1x16xf32>,
        %get3A_253 = vector.shape_cast %get3A_252 : vector<1x16xf32> to vector<16xf32>
        %get3A_254 = arith.index_cast %add3A_244 : i32 to index
        %get3A_255 = arith.constant 0 : index
        %get3A_256 = tpu.vector_load %arg18[%get3A_254, %get3A_255] {strides = array<i32>} : memref<158x32xf32, #tpu.memory_space<vmem>>, vector<1x16xf32>,
        %get3A_257 = vector.shape_cast %get3A_256 : vector<1x16xf32> to vector<16xf32>
        %add3A_258 = arith.addf %get3A_253, %get3A_257 : vector<16xf32>
        %mul3A_259 = vector.broadcast %squeeze3A : f32 to vector<16xf32>
        %mul3A_260 = arith.mulf %mul3A_259, %add3A_258 : vector<16xf32>
        %add3A_261 = arith.constant 316 : i32
        %add3A_262 = arith.addi %add3A_261, %add3A_244 : i32
        %get3A_263 = arith.index_cast %add3A_262 : i32 to index
        %get3A_264 = arith.constant 0 : index
        %get3A_265 = tpu.vector_load %arg14[%get3A_263, %get3A_264] {strides = array<i32>} : memref<632x32xf32, #tpu.memory_space<vmem>>, vector<1x16xf32>,
        %get3A_266 = vector.shape_cast %get3A_265 : vector<1x16xf32> to vector<16xf32>
        %add3A_267 = arith.addf %mul3A_260, %get3A_266 : vector<16xf32>
        %swap3A = arith.index_cast %add3A_244 : i32 to index
        %swap3A_268 = arith.constant 0 : index
        %swap3A_269 = tpu.vector_load %arg18[%swap3A, %swap3A_268] {strides = array<i32>} : memref<158x32xf32, #tpu.memory_space<vmem>>, vector<1x16xf32>,
        %swap3A_270 = vector.shape_cast %swap3A_269 : vector<1x16xf32> to vector<16xf32>
        %swap3A_271 = vector.shape_cast %add3A_267 : vector<16xf32> to vector<1x16xf32>
        tpu.vector_store %arg18[%swap3A, %swap3A_268], %swap3A_271 {strides = array<i32>} : memref<158x32xf32, #tpu.memory_space<vmem>>, vector<1x16xf32>,
        %get3A_272 = arith.index_cast %add3A_244 : i32 to index
        %get3A_273 = arith.constant 16 : index
        %get3A_274 = tpu.vector_load %arg17[%get3A_272, %get3A_273] {strides = array<i32>} : memref<158x32xf32, #tpu.memory_space<vmem>>, vector<1x16xf32>,
        %get3A_275 = vector.shape_cast %get3A_274 : vector<1x16xf32> to vector<16xf32>
        %get3A_276 = arith.index_cast %add3A_244 : i32 to index
        %get3A_277 = arith.constant 16 : index
        %get3A_278 = tpu.vector_load %arg18[%get3A_276, %get3A_277] {strides = array<i32>} : memref<158x32xf32, #tpu.memory_space<vmem>>, vector<1x16xf32>,
        %get3A_279 = vector.shape_cast %get3A_278 : vector<1x16xf32> to vector<16xf32>
        %add3A_280 = arith.addf %get3A_275, %get3A_279 : vector<16xf32>
        %mul3A_281 = vector.broadcast %squeeze3A : f32 to vector<16xf32>
        %mul3A_282 = arith.mulf %mul3A_281, %add3A_280 : vector<16xf32>
        %add3A_283 = arith.constant 316 : i32
        %add3A_284 = arith.addi %add3A_283, %add3A_244 : i32
        %get3A_285 = arith.index_cast %add3A_284 : i32 to index
        %get3A_286 = arith.constant 16 : index
        %get3A_287 = tpu.vector_load %arg14[%get3A_285, %get3A_286] {strides = array<i32>} : memref<632x32xf32, #tpu.memory_space<vmem>>, vector<1x16xf32>,
        %get3A_288 = vector.shape_cast %get3A_287 : vector<1x16xf32> to vector<16xf32>
        %add3A_289 = arith.addf %mul3A_282, %get3A_288 : vector<16xf32>
        %swap3A_290 = arith.index_cast %add3A_244 : i32 to index
        %swap3A_291 = arith.constant 16 : index
        %swap3A_292 = tpu.vector_load %arg18[%swap3A_290, %swap3A_291] {strides = array<i32>} : memref<158x32xf32, #tpu.memory_space<vmem>>, vector<1x16xf32>,
        %swap3A_293 = vector.shape_cast %swap3A_292 : vector<1x16xf32> to vector<16xf32>
        %swap3A_294 = vector.shape_cast %add3A_289 : vector<16xf32> to vector<1x16xf32>
        tpu.vector_store %arg18[%swap3A_290, %swap3A_291], %swap3A_294 {strides = array<i32>} : memref<158x32xf32, #tpu.memory_space<vmem>>, vector<1x16xf32>,
      }
      %scan3A_231 = arith.constant 158 : i32
      "tpu.region"() ({
        %run_scoped3A = tpu.sem_alloc : memref<!tpu.dma_semaphore, #tpu.memory_space<semaphore_mem>>
        %dma_start3A_240 = arith.constant 0 : i32
        %dma_start3A_241 = tpu.memref_slice %arg9[%add3A_226, %dma_start3A_240] : memref<10112x32xf32, #tpu.memory_space<vmem_shared>> -> memref<158x32xf32, #tpu.memory_space<vmem_shared>>
        %dma_start3A_242 = arith.constant 0 : i32
        %dma_start3A_243 = tpu.memref_slice %arg9[%add3A_226, %dma_start3A_242] : memref<10112x32xf32, #tpu.memory_space<vmem_shared>> -> memref<158x32xf32, #tpu.memory_space<vmem_shared>>
        tpu.enqueue_dma source(%arg18 : memref<158x32xf32, #tpu.memory_space<vmem>>) target(%dma_start3A_243 : memref<158x32xf32, #tpu.memory_space<vmem_shared>>) target_semaphore(%run_scoped3A : memref<!tpu.dma_semaphore, #tpu.memory_space<semaphore_mem>>)
        %dma_wait3A_244 = arith.constant 0 : i32
        %dma_wait3A_245 = tpu.memref_slice %arg9[%add3A_226, %dma_wait3A_244] : memref<10112x32xf32, #tpu.memory_space<vmem_shared>> -> memref<158x32xf32, #tpu.memory_space<vmem_shared>>
        %dma_wait3A_246 = arith.constant 0 : i32
        %dma_wait3A_247 = tpu.memref_slice %arg9[%add3A_226, %dma_wait3A_246] : memref<10112x32xf32, #tpu.memory_space<vmem_shared>> -> memref<158x32xf32, #tpu.memory_space<vmem_shared>>
        tpu.wait_dma2 semaphore(%run_scoped3A : memref<!tpu.dma_semaphore, #tpu.memory_space<semaphore_mem>>) src(%arg18 : memref<158x32xf32, #tpu.memory_space<vmem>>) dst(%dma_wait3A_247 : memref<158x32xf32, #tpu.memory_space<vmem_shared>>)
        tpu.yield
      }) : () -> ()
      "tpu.region"() ({
        %run_scoped3A = tpu.sem_alloc : memref<!tpu.dma_semaphore, #tpu.memory_space<semaphore_mem>>
        %dma_start3A_240 = arith.constant 0 : i32
        %dma_start3A_241 = arith.constant 0 : i32
        %dma_start3A_242 = tpu.memref_slice %arg16[%dma_start3A_240, %dma_start3A_241] : memref<632x32xf32, #tpu.memory_space<vmem>> -> memref<158x32xf32, #tpu.memory_space<vmem>>
        %dma_start3A_243 = arith.constant 0 : i32
        %dma_start3A_244 = tpu.memref_slice %arg10[%add3A_226, %dma_start3A_243] : memref<10112x32xf32, #tpu.memory_space<vmem_shared>> -> memref<158x32xf32, #tpu.memory_space<vmem_shared>>
        %dma_start3A_245 = arith.constant 0 : i32
        %dma_start3A_246 = tpu.memref_slice %arg10[%add3A_226, %dma_start3A_245] : memref<10112x32xf32, #tpu.memory_space<vmem_shared>> -> memref<158x32xf32, #tpu.memory_space<vmem_shared>>
        %dma_start3A_247 = arith.constant 0 : i32
        %dma_start3A_248 = arith.constant 0 : i32
        %dma_start3A_249 = tpu.memref_slice %arg16[%dma_start3A_247, %dma_start3A_248] : memref<632x32xf32, #tpu.memory_space<vmem>> -> memref<158x32xf32, #tpu.memory_space<vmem>>
        tpu.enqueue_dma source(%dma_start3A_249 : memref<158x32xf32, #tpu.memory_space<vmem>>) target(%dma_start3A_246 : memref<158x32xf32, #tpu.memory_space<vmem_shared>>) target_semaphore(%run_scoped3A : memref<!tpu.dma_semaphore, #tpu.memory_space<semaphore_mem>>)
        %dma_wait3A_250 = arith.constant 0 : i32
        %dma_wait3A_251 = arith.constant 0 : i32
        %dma_wait3A_252 = tpu.memref_slice %arg16[%dma_wait3A_250, %dma_wait3A_251] : memref<632x32xf32, #tpu.memory_space<vmem>> -> memref<158x32xf32, #tpu.memory_space<vmem>>
        %dma_wait3A_253 = arith.constant 0 : i32
        %dma_wait3A_254 = tpu.memref_slice %arg10[%add3A_226, %dma_wait3A_253] : memref<10112x32xf32, #tpu.memory_space<vmem_shared>> -> memref<158x32xf32, #tpu.memory_space<vmem_shared>>
        %dma_wait3A_255 = arith.constant 0 : i32
        %dma_wait3A_256 = tpu.memref_slice %arg10[%add3A_226, %dma_wait3A_255] : memref<10112x32xf32, #tpu.memory_space<vmem_shared>> -> memref<158x32xf32, #tpu.memory_space<vmem_shared>>
        %dma_wait3A_257 = arith.constant 0 : i32
        %dma_wait3A_258 = arith.constant 0 : i32
        %dma_wait3A_259 = tpu.memref_slice %arg16[%dma_wait3A_257, %dma_wait3A_258] : memref<632x32xf32, #tpu.memory_space<vmem>> -> memref<158x32xf32, #tpu.memory_space<vmem>>
        tpu.wait_dma2 semaphore(%run_scoped3A : memref<!tpu.dma_semaphore, #tpu.memory_space<semaphore_mem>>) src(%dma_wait3A_259 : memref<158x32xf32, #tpu.memory_space<vmem>>) dst(%dma_wait3A_256 : memref<158x32xf32, #tpu.memory_space<vmem_shared>>)
        tpu.yield
      }) : () -> ()
      %add3A_232 = arith.constant 474 : i32
      %add3A_233 = arith.addi %mul3A_0, %add3A_232 : i32
      "tpu.region"() ({
        %run_scoped3A = tpu.sem_alloc : memref<!tpu.dma_semaphore, #tpu.memory_space<semaphore_mem>>
        %dma_start3A_240 = arith.constant 0 : i32
        %dma_start3A_241 = tpu.memref_slice %arg10[%add3A_233, %dma_start3A_240] : memref<10112x32xf32, #tpu.memory_space<vmem_shared>> -> memref<158x32xf32, #tpu.memory_space<vmem_shared>>
        %dma_start3A_242 = arith.constant 0 : i32
        %dma_start3A_243 = tpu.memref_slice %arg10[%add3A_233, %dma_start3A_242] : memref<10112x32xf32, #tpu.memory_space<vmem_shared>> -> memref<158x32xf32, #tpu.memory_space<vmem_shared>>
        tpu.enqueue_dma source(%dma_start3A_243 : memref<158x32xf32, #tpu.memory_space<vmem_shared>>) target(%arg17 : memref<158x32xf32, #tpu.memory_space<vmem>>) target_semaphore(%run_scoped3A : memref<!tpu.dma_semaphore, #tpu.memory_space<semaphore_mem>>)
        %dma_wait3A_244 = arith.constant 0 : i32
        %dma_wait3A_245 = tpu.memref_slice %arg10[%add3A_233, %dma_wait3A_244] : memref<10112x32xf32, #tpu.memory_space<vmem_shared>> -> memref<158x32xf32, #tpu.memory_space<vmem_shared>>
        %dma_wait3A_246 = arith.constant 0 : i32
        %dma_wait3A_247 = tpu.memref_slice %arg10[%add3A_233, %dma_wait3A_246] : memref<10112x32xf32, #tpu.memory_space<vmem_shared>> -> memref<158x32xf32, #tpu.memory_space<vmem_shared>>
        tpu.wait_dma2 semaphore(%run_scoped3A : memref<!tpu.dma_semaphore, #tpu.memory_space<semaphore_mem>>) src(%dma_wait3A_247 : memref<158x32xf32, #tpu.memory_space<vmem_shared>>) dst(%arg17 : memref<158x32xf32, #tpu.memory_space<vmem>>)
        tpu.yield
      }) : () -> ()
      "tpu.region"() ({
        %run_scoped3A = tpu.sem_alloc : memref<!tpu.dma_semaphore, #tpu.memory_space<semaphore_mem>>
        %dma_start3A_240 = arith.constant 0 : i32
        %dma_start3A_241 = tpu.memref_slice %arg9[%add3A_233, %dma_start3A_240] : memref<10112x32xf32, #tpu.memory_space<vmem_shared>> -> memref<158x32xf32, #tpu.memory_space<vmem_shared>>
        %dma_start3A_242 = arith.constant 0 : i32
        %dma_start3A_243 = tpu.memref_slice %arg9[%add3A_233, %dma_start3A_242] : memref<10112x32xf32, #tpu.memory_space<vmem_shared>> -> memref<158x32xf32, #tpu.memory_space<vmem_shared>>
        tpu.enqueue_dma source(%dma_start3A_243 : memref<158x32xf32, #tpu.memory_space<vmem_shared>>) target(%arg18 : memref<158x32xf32, #tpu.memory_space<vmem>>) target_semaphore(%run_scoped3A : memref<!tpu.dma_semaphore, #tpu.memory_space<semaphore_mem>>)
        %dma_wait3A_244 = arith.constant 0 : i32
        %dma_wait3A_245 = tpu.memref_slice %arg9[%add3A_233, %dma_wait3A_244] : memref<10112x32xf32, #tpu.memory_space<vmem_shared>> -> memref<158x32xf32, #tpu.memory_space<vmem_shared>>
        %dma_wait3A_246 = arith.constant 0 : i32
        %dma_wait3A_247 = tpu.memref_slice %arg9[%add3A_233, %dma_wait3A_246] : memref<10112x32xf32, #tpu.memory_space<vmem_shared>> -> memref<158x32xf32, #tpu.memory_space<vmem_shared>>
        tpu.wait_dma2 semaphore(%run_scoped3A : memref<!tpu.dma_semaphore, #tpu.memory_space<semaphore_mem>>) src(%dma_wait3A_247 : memref<158x32xf32, #tpu.memory_space<vmem_shared>>) dst(%arg18 : memref<158x32xf32, #tpu.memory_space<vmem>>)
        tpu.yield
      }) : () -> ()
      %scan3A_234 = arith.constant 0 : i32
      %scan3A_235 = arith.constant 158 : i32
      %scan3A_236 = arith.addi %scan3A_234, %scan3A_235 : i32
      %scan3A_237 = arith.constant 1 : i32
      scf.for %scan3A_240 = %scan3A_234 to %scan3A_236 step %scan3A_237  : i32 {
        %mul3A_241 = arith.constant 1 : i32
        %mul3A_242 = arith.muli %scan3A_240, %mul3A_241 : i32
        %add3A_243 = arith.constant 0 : i32
        %add3A_244 = arith.addi %add3A_243, %mul3A_242 : i32
        %add3A_245 = arith.constant 474 : i32
        %add3A_246 = arith.addi %add3A_245, %add3A_244 : i32
        %get3A = arith.index_cast %add3A_246 : i32 to index
        %get3A_247 = arith.constant 0 : index
        %get3A_248 = tpu.vector_load %arg15[%get3A, %get3A_247] {strides = array<i32>} : memref<632x16xf32, #tpu.memory_space<vmem>>, vector<1x16xf32>,
        %get3A_249 = vector.shape_cast %get3A_248 : vector<1x16xf32> to vector<16xf32>
        %slice3A = vector.extract_strided_slice %get3A_249 {offsets = [0], sizes = [1], strides = [1]} : vector<16xf32> to vector<1xf32>
        %squeeze3A = vector.extract %slice3A[0] : f32 from vector<1xf32>
        %get3A_250 = arith.index_cast %add3A_244 : i32 to index
        %get3A_251 = arith.constant 0 : index
        %get3A_252 = tpu.vector_load %arg17[%get3A_250, %get3A_251] {strides = array<i32>} : memref<158x32xf32, #tpu.memory_space<vmem>>, vector<1x16xf32>,
        %get3A_253 = vector.shape_cast %get3A_252 : vector<1x16xf32> to vector<16xf32>
        %get3A_254 = arith.index_cast %add3A_244 : i32 to index
        %get3A_255 = arith.constant 0 : index
        %get3A_256 = tpu.vector_load %arg18[%get3A_254, %get3A_255] {strides = array<i32>} : memref<158x32xf32, #tpu.memory_space<vmem>>, vector<1x16xf32>,
        %get3A_257 = vector.shape_cast %get3A_256 : vector<1x16xf32> to vector<16xf32>
        %add3A_258 = arith.addf %get3A_253, %get3A_257 : vector<16xf32>
        %mul3A_259 = vector.broadcast %squeeze3A : f32 to vector<16xf32>
        %mul3A_260 = arith.mulf %mul3A_259, %add3A_258 : vector<16xf32>
        %add3A_261 = arith.constant 474 : i32
        %add3A_262 = arith.addi %add3A_261, %add3A_244 : i32
        %get3A_263 = arith.index_cast %add3A_262 : i32 to index
        %get3A_264 = arith.constant 0 : index
        %get3A_265 = tpu.vector_load %arg14[%get3A_263, %get3A_264] {strides = array<i32>} : memref<632x32xf32, #tpu.memory_space<vmem>>, vector<1x16xf32>,
        %get3A_266 = vector.shape_cast %get3A_265 : vector<1x16xf32> to vector<16xf32>
        %add3A_267 = arith.addf %mul3A_260, %get3A_266 : vector<16xf32>
        %swap3A = arith.index_cast %add3A_244 : i32 to index
        %swap3A_268 = arith.constant 0 : index
        %swap3A_269 = tpu.vector_load %arg18[%swap3A, %swap3A_268] {strides = array<i32>} : memref<158x32xf32, #tpu.memory_space<vmem>>, vector<1x16xf32>,
        %swap3A_270 = vector.shape_cast %swap3A_269 : vector<1x16xf32> to vector<16xf32>
        %swap3A_271 = vector.shape_cast %add3A_267 : vector<16xf32> to vector<1x16xf32>
        tpu.vector_store %arg18[%swap3A, %swap3A_268], %swap3A_271 {strides = array<i32>} : memref<158x32xf32, #tpu.memory_space<vmem>>, vector<1x16xf32>,
        %get3A_272 = arith.index_cast %add3A_244 : i32 to index
        %get3A_273 = arith.constant 16 : index
        %get3A_274 = tpu.vector_load %arg17[%get3A_272, %get3A_273] {strides = array<i32>} : memref<158x32xf32, #tpu.memory_space<vmem>>, vector<1x16xf32>,
        %get3A_275 = vector.shape_cast %get3A_274 : vector<1x16xf32> to vector<16xf32>
        %get3A_276 = arith.index_cast %add3A_244 : i32 to index
        %get3A_277 = arith.constant 16 : index
        %get3A_278 = tpu.vector_load %arg18[%get3A_276, %get3A_277] {strides = array<i32>} : memref<158x32xf32, #tpu.memory_space<vmem>>, vector<1x16xf32>,
        %get3A_279 = vector.shape_cast %get3A_278 : vector<1x16xf32> to vector<16xf32>
        %add3A_280 = arith.addf %get3A_275, %get3A_279 : vector<16xf32>
        %mul3A_281 = vector.broadcast %squeeze3A : f32 to vector<16xf32>
        %mul3A_282 = arith.mulf %mul3A_281, %add3A_280 : vector<16xf32>
        %add3A_283 = arith.constant 474 : i32
        %add3A_284 = arith.addi %add3A_283, %add3A_244 : i32
        %get3A_285 = arith.index_cast %add3A_284 : i32 to index
        %get3A_286 = arith.constant 16 : index
        %get3A_287 = tpu.vector_load %arg14[%get3A_285, %get3A_286] {strides = array<i32>} : memref<632x32xf32, #tpu.memory_space<vmem>>, vector<1x16xf32>,
        %get3A_288 = vector.shape_cast %get3A_287 : vector<1x16xf32> to vector<16xf32>
        %add3A_289 = arith.addf %mul3A_282, %get3A_288 : vector<16xf32>
        %swap3A_290 = arith.index_cast %add3A_244 : i32 to index
        %swap3A_291 = arith.constant 16 : index
        %swap3A_292 = tpu.vector_load %arg18[%swap3A_290, %swap3A_291] {strides = array<i32>} : memref<158x32xf32, #tpu.memory_space<vmem>>, vector<1x16xf32>,
        %swap3A_293 = vector.shape_cast %swap3A_292 : vector<1x16xf32> to vector<16xf32>
        %swap3A_294 = vector.shape_cast %add3A_289 : vector<16xf32> to vector<1x16xf32>
        tpu.vector_store %arg18[%swap3A_290, %swap3A_291], %swap3A_294 {strides = array<i32>} : memref<158x32xf32, #tpu.memory_space<vmem>>, vector<1x16xf32>,
      }
      %scan3A_238 = arith.constant 158 : i32
      "tpu.region"() ({
        %run_scoped3A = tpu.sem_alloc : memref<!tpu.dma_semaphore, #tpu.memory_space<semaphore_mem>>
        %dma_start3A_240 = arith.constant 0 : i32
        %dma_start3A_241 = tpu.memref_slice %arg9[%add3A_233, %dma_start3A_240] : memref<10112x32xf32, #tpu.memory_space<vmem_shared>> -> memref<158x32xf32, #tpu.memory_space<vmem_shared>>
        %dma_start3A_242 = arith.constant 0 : i32
        %dma_start3A_243 = tpu.memref_slice %arg9[%add3A_233, %dma_start3A_242] : memref<10112x32xf32, #tpu.memory_space<vmem_shared>> -> memref<158x32xf32, #tpu.memory_space<vmem_shared>>
        tpu.enqueue_dma source(%arg18 : memref<158x32xf32, #tpu.memory_space<vmem>>) target(%dma_start3A_243 : memref<158x32xf32, #tpu.memory_space<vmem_shared>>) target_semaphore(%run_scoped3A : memref<!tpu.dma_semaphore, #tpu.memory_space<semaphore_mem>>)
        %dma_wait3A_244 = arith.constant 0 : i32
        %dma_wait3A_245 = tpu.memref_slice %arg9[%add3A_233, %dma_wait3A_244] : memref<10112x32xf32, #tpu.memory_space<vmem_shared>> -> memref<158x32xf32, #tpu.memory_space<vmem_shared>>
        %dma_wait3A_246 = arith.constant 0 : i32
        %dma_wait3A_247 = tpu.memref_slice %arg9[%add3A_233, %dma_wait3A_246] : memref<10112x32xf32, #tpu.memory_space<vmem_shared>> -> memref<158x32xf32, #tpu.memory_space<vmem_shared>>
        tpu.wait_dma2 semaphore(%run_scoped3A : memref<!tpu.dma_semaphore, #tpu.memory_space<semaphore_mem>>) src(%arg18 : memref<158x32xf32, #tpu.memory_space<vmem>>) dst(%dma_wait3A_247 : memref<158x32xf32, #tpu.memory_space<vmem_shared>>)
        tpu.yield
      }) : () -> ()
      "tpu.region"() ({
        %run_scoped3A = tpu.sem_alloc : memref<!tpu.dma_semaphore, #tpu.memory_space<semaphore_mem>>
        %dma_start3A_240 = arith.constant 0 : i32
        %dma_start3A_241 = arith.constant 0 : i32
        %dma_start3A_242 = tpu.memref_slice %arg16[%dma_start3A_240, %dma_start3A_241] : memref<632x32xf32, #tpu.memory_space<vmem>> -> memref<158x32xf32, #tpu.memory_space<vmem>>
        %dma_start3A_243 = arith.constant 0 : i32
        %dma_start3A_244 = tpu.memref_slice %arg10[%add3A_233, %dma_start3A_243] : memref<10112x32xf32, #tpu.memory_space<vmem_shared>> -> memref<158x32xf32, #tpu.memory_space<vmem_shared>>
        %dma_start3A_245 = arith.constant 0 : i32
        %dma_start3A_246 = tpu.memref_slice %arg10[%add3A_233, %dma_start3A_245] : memref<10112x32xf32, #tpu.memory_space<vmem_shared>> -> memref<158x32xf32, #tpu.memory_space<vmem_shared>>
        %dma_start3A_247 = arith.constant 0 : i32
        %dma_start3A_248 = arith.constant 0 : i32
        %dma_start3A_249 = tpu.memref_slice %arg16[%dma_start3A_247, %dma_start3A_248] : memref<632x32xf32, #tpu.memory_space<vmem>> -> memref<158x32xf32, #tpu.memory_space<vmem>>
        tpu.enqueue_dma source(%dma_start3A_249 : memref<158x32xf32, #tpu.memory_space<vmem>>) target(%dma_start3A_246 : memref<158x32xf32, #tpu.memory_space<vmem_shared>>) target_semaphore(%run_scoped3A : memref<!tpu.dma_semaphore, #tpu.memory_space<semaphore_mem>>)
        %dma_wait3A_250 = arith.constant 0 : i32
        %dma_wait3A_251 = arith.constant 0 : i32
        %dma_wait3A_252 = tpu.memref_slice %arg16[%dma_wait3A_250, %dma_wait3A_251] : memref<632x32xf32, #tpu.memory_space<vmem>> -> memref<158x32xf32, #tpu.memory_space<vmem>>
        %dma_wait3A_253 = arith.constant 0 : i32
        %dma_wait3A_254 = tpu.memref_slice %arg10[%add3A_233, %dma_wait3A_253] : memref<10112x32xf32, #tpu.memory_space<vmem_shared>> -> memref<158x32xf32, #tpu.memory_space<vmem_shared>>
        %dma_wait3A_255 = arith.constant 0 : i32
        %dma_wait3A_256 = tpu.memref_slice %arg10[%add3A_233, %dma_wait3A_255] : memref<10112x32xf32, #tpu.memory_space<vmem_shared>> -> memref<158x32xf32, #tpu.memory_space<vmem_shared>>
        %dma_wait3A_257 = arith.constant 0 : i32
        %dma_wait3A_258 = arith.constant 0 : i32
        %dma_wait3A_259 = tpu.memref_slice %arg16[%dma_wait3A_257, %dma_wait3A_258] : memref<632x32xf32, #tpu.memory_space<vmem>> -> memref<158x32xf32, #tpu.memory_space<vmem>>
        tpu.wait_dma2 semaphore(%run_scoped3A : memref<!tpu.dma_semaphore, #tpu.memory_space<semaphore_mem>>) src(%dma_wait3A_259 : memref<158x32xf32, #tpu.memory_space<vmem>>) dst(%dma_wait3A_256 : memref<158x32xf32, #tpu.memory_space<vmem_shared>>)
        tpu.yield
      }) : () -> ()
      %barrier3A_239 = arith.constant 0 : index
      tpu.barrier barrier_id(%barrier3A_239)
    }
    %scan3A_65 = arith.constant 10 : i32
    %add3A = arith.constant 0 : i32
    %add3A_66 = arith.addi %mul3A_0, %add3A : i32
    "tpu.region"() ({
      %run_scoped3A = tpu.sem_alloc : memref<!tpu.dma_semaphore, #tpu.memory_space<semaphore_mem>>
      %dma_start3A_93 = arith.constant 0 : i32
      %dma_start3A_94 = tpu.memref_slice %arg9[%add3A_66, %dma_start3A_93] : memref<10112x32xf32, #tpu.memory_space<vmem_shared>> -> memref<158x32xf32, #tpu.memory_space<vmem_shared>>
      %dma_start3A_95 = arith.constant 0 : i32
      %dma_start3A_96 = tpu.memref_slice %arg9[%add3A_66, %dma_start3A_95] : memref<10112x32xf32, #tpu.memory_space<vmem_shared>> -> memref<158x32xf32, #tpu.memory_space<vmem_shared>>
      tpu.enqueue_dma source(%dma_start3A_96 : memref<158x32xf32, #tpu.memory_space<vmem_shared>>) target(%arg18 : memref<158x32xf32, #tpu.memory_space<vmem>>) target_semaphore(%run_scoped3A : memref<!tpu.dma_semaphore, #tpu.memory_space<semaphore_mem>>)
      %dma_wait3A = arith.constant 0 : i32
      %dma_wait3A_97 = tpu.memref_slice %arg9[%add3A_66, %dma_wait3A] : memref<10112x32xf32, #tpu.memory_space<vmem_shared>> -> memref<158x32xf32, #tpu.memory_space<vmem_shared>>
      %dma_wait3A_98 = arith.constant 0 : i32
      %dma_wait3A_99 = tpu.memref_slice %arg9[%add3A_66, %dma_wait3A_98] : memref<10112x32xf32, #tpu.memory_space<vmem_shared>> -> memref<158x32xf32, #tpu.memory_space<vmem_shared>>
      tpu.wait_dma2 semaphore(%run_scoped3A : memref<!tpu.dma_semaphore, #tpu.memory_space<semaphore_mem>>) src(%dma_wait3A_99 : memref<158x32xf32, #tpu.memory_space<vmem_shared>>) dst(%arg18 : memref<158x32xf32, #tpu.memory_space<vmem>>)
      tpu.yield
    }) : () -> ()
    %scan3A_67 = arith.constant 0 : i32
    %scan3A_68 = arith.constant 158 : i32
    %scan3A_69 = arith.addi %scan3A_67, %scan3A_68 : i32
    %scan3A_70 = arith.constant 1 : i32
    scf.for %scan3A_93 = %scan3A_67 to %scan3A_69 step %scan3A_70  : i32 {
      %mul3A_94 = arith.constant 1 : i32
      %mul3A_95 = arith.muli %scan3A_93, %mul3A_94 : i32
      %add3A_96 = arith.constant 0 : i32
      %add3A_97 = arith.addi %add3A_96, %mul3A_95 : i32
      %add3A_98 = arith.constant 0 : i32
      %add3A_99 = arith.addi %add3A_98, %add3A_97 : i32
      %get3A = arith.index_cast %add3A_99 : i32 to index
      %get3A_100 = arith.constant 0 : index
      %get3A_101 = tpu.vector_load %arg15[%get3A, %get3A_100] {strides = array<i32>} : memref<632x16xf32, #tpu.memory_space<vmem>>, vector<1x16xf32>,
      %get3A_102 = vector.shape_cast %get3A_101 : vector<1x16xf32> to vector<16xf32>
      %slice3A = vector.extract_strided_slice %get3A_102 {offsets = [1], sizes = [1], strides = [1]} : vector<16xf32> to vector<1xf32>
      %squeeze3A = vector.extract %slice3A[0] : f32 from vector<1xf32>
      %get3A_103 = arith.index_cast %add3A_97 : i32 to index
      %get3A_104 = arith.constant 0 : index
      %get3A_105 = tpu.vector_load %arg18[%get3A_103, %get3A_104] {strides = array<i32>} : memref<158x32xf32, #tpu.memory_space<vmem>>, vector<1x16xf32>,
      %get3A_106 = vector.shape_cast %get3A_105 : vector<1x16xf32> to vector<16xf32>
      %mul3A_107 = vector.broadcast %squeeze3A : f32 to vector<16xf32>
      %mul3A_108 = arith.mulf %mul3A_107, %get3A_106 : vector<16xf32>
      %swap3A = arith.index_cast %add3A_97 : i32 to index
      %swap3A_109 = arith.constant 0 : index
      %swap3A_110 = tpu.vector_load %arg18[%swap3A, %swap3A_109] {strides = array<i32>} : memref<158x32xf32, #tpu.memory_space<vmem>>, vector<1x16xf32>,
      %swap3A_111 = vector.shape_cast %swap3A_110 : vector<1x16xf32> to vector<16xf32>
      %swap3A_112 = vector.shape_cast %mul3A_108 : vector<16xf32> to vector<1x16xf32>
      tpu.vector_store %arg18[%swap3A, %swap3A_109], %swap3A_112 {strides = array<i32>} : memref<158x32xf32, #tpu.memory_space<vmem>>, vector<1x16xf32>,
      %get3A_113 = arith.index_cast %add3A_97 : i32 to index
      %get3A_114 = arith.constant 16 : index
      %get3A_115 = tpu.vector_load %arg18[%get3A_113, %get3A_114] {strides = array<i32>} : memref<158x32xf32, #tpu.memory_space<vmem>>, vector<1x16xf32>,
      %get3A_116 = vector.shape_cast %get3A_115 : vector<1x16xf32> to vector<16xf32>
      %mul3A_117 = vector.broadcast %squeeze3A : f32 to vector<16xf32>
      %mul3A_118 = arith.mulf %mul3A_117, %get3A_116 : vector<16xf32>
      %swap3A_119 = arith.index_cast %add3A_97 : i32 to index
      %swap3A_120 = arith.constant 16 : index
      %swap3A_121 = tpu.vector_load %arg18[%swap3A_119, %swap3A_120] {strides = array<i32>} : memref<158x32xf32, #tpu.memory_space<vmem>>, vector<1x16xf32>,
      %swap3A_122 = vector.shape_cast %swap3A_121 : vector<1x16xf32> to vector<16xf32>
      %swap3A_123 = vector.shape_cast %mul3A_118 : vector<16xf32> to vector<1x16xf32>
      tpu.vector_store %arg18[%swap3A_119, %swap3A_120], %swap3A_123 {strides = array<i32>} : memref<158x32xf32, #tpu.memory_space<vmem>>, vector<1x16xf32>,
    }
    %scan3A_71 = arith.constant 158 : i32
    "tpu.region"() ({
      %run_scoped3A = tpu.sem_alloc : memref<!tpu.dma_semaphore, #tpu.memory_space<semaphore_mem>>
      %dma_start3A_93 = arith.constant 0 : i32
      %dma_start3A_94 = arith.constant 0 : i32
      %dma_start3A_95 = tpu.memref_slice %arg8[%arg0, %dma_start3A_93, %dma_start3A_94] : memref<2x10112x32xf32, #tpu.memory_space<hbm>> -> memref<1x10112x32xf32, #tpu.memory_space<hbm>>
      %dma_start3A_96 = tpu.memref_squeeze %dma_start3A_95 : memref<1x10112x32xf32, #tpu.memory_space<hbm>> -> memref<10112x32xf32, #tpu.memory_space<hbm>>
      %dma_start3A_97 = arith.constant 0 : i32
      %dma_start3A_98 = tpu.memref_slice %dma_start3A_96[%add3A_66, %dma_start3A_97] : memref<10112x32xf32, #tpu.memory_space<hbm>> -> memref<158x32xf32, #tpu.memory_space<hbm>>
      %dma_start3A_99 = arith.constant 0 : i32
      %dma_start3A_100 = arith.constant 0 : i32
      %dma_start3A_101 = tpu.memref_slice %arg8[%arg0, %dma_start3A_99, %dma_start3A_100] : memref<2x10112x32xf32, #tpu.memory_space<hbm>> -> memref<1x10112x32xf32, #tpu.memory_space<hbm>>
      %dma_start3A_102 = tpu.memref_squeeze %dma_start3A_101 : memref<1x10112x32xf32, #tpu.memory_space<hbm>> -> memref<10112x32xf32, #tpu.memory_space<hbm>>
      %dma_start3A_103 = arith.constant 0 : i32
      %dma_start3A_104 = tpu.memref_slice %dma_start3A_102[%add3A_66, %dma_start3A_103] : memref<10112x32xf32, #tpu.memory_space<hbm>> -> memref<158x32xf32, #tpu.memory_space<hbm>>
      tpu.enqueue_dma source(%arg18 : memref<158x32xf32, #tpu.memory_space<vmem>>) target(%dma_start3A_104 : memref<158x32xf32, #tpu.memory_space<hbm>>) target_semaphore(%run_scoped3A : memref<!tpu.dma_semaphore, #tpu.memory_space<semaphore_mem>>)
      %dma_wait3A = arith.constant 0 : i32
      %dma_wait3A_105 = arith.constant 0 : i32
      %dma_wait3A_106 = tpu.memref_slice %arg8[%arg0, %dma_wait3A, %dma_wait3A_105] : memref<2x10112x32xf32, #tpu.memory_space<hbm>> -> memref<1x10112x32xf32, #tpu.memory_space<hbm>>
      %dma_wait3A_107 = tpu.memref_squeeze %dma_wait3A_106 : memref<1x10112x32xf32, #tpu.memory_space<hbm>> -> memref<10112x32xf32, #tpu.memory_space<hbm>>
      %dma_wait3A_108 = arith.constant 0 : i32
      %dma_wait3A_109 = tpu.memref_slice %dma_wait3A_107[%add3A_66, %dma_wait3A_108] : memref<10112x32xf32, #tpu.memory_space<hbm>> -> memref<158x32xf32, #tpu.memory_space<hbm>>
      %dma_wait3A_110 = arith.constant 0 : i32
      %dma_wait3A_111 = arith.constant 0 : i32
      %dma_wait3A_112 = tpu.memref_slice %arg8[%arg0, %dma_wait3A_110, %dma_wait3A_111] : memref<2x10112x32xf32, #tpu.memory_space<hbm>> -> memref<1x10112x32xf32, #tpu.memory_space<hbm>>
      %dma_wait3A_113 = tpu.memref_squeeze %dma_wait3A_112 : memref<1x10112x32xf32, #tpu.memory_space<hbm>> -> memref<10112x32xf32, #tpu.memory_space<hbm>>
      %dma_wait3A_114 = arith.constant 0 : i32
      %dma_wait3A_115 = tpu.memref_slice %dma_wait3A_113[%add3A_66, %dma_wait3A_114] : memref<10112x32xf32, #tpu.memory_space<hbm>> -> memref<158x32xf32, #tpu.memory_space<hbm>>
      tpu.wait_dma2 semaphore(%run_scoped3A : memref<!tpu.dma_semaphore, #tpu.memory_space<semaphore_mem>>) src(%arg18 : memref<158x32xf32, #tpu.memory_space<vmem>>) dst(%dma_wait3A_115 : memref<158x32xf32, #tpu.memory_space<hbm>>)
      tpu.yield
    }) : () -> ()
    %add3A_72 = arith.constant 158 : i32
    %add3A_73 = arith.addi %mul3A_0, %add3A_72 : i32
    "tpu.region"() ({
      %run_scoped3A = tpu.sem_alloc : memref<!tpu.dma_semaphore, #tpu.memory_space<semaphore_mem>>
      %dma_start3A_93 = arith.constant 0 : i32
      %dma_start3A_94 = tpu.memref_slice %arg9[%add3A_73, %dma_start3A_93] : memref<10112x32xf32, #tpu.memory_space<vmem_shared>> -> memref<158x32xf32, #tpu.memory_space<vmem_shared>>
      %dma_start3A_95 = arith.constant 0 : i32
      %dma_start3A_96 = tpu.memref_slice %arg9[%add3A_73, %dma_start3A_95] : memref<10112x32xf32, #tpu.memory_space<vmem_shared>> -> memref<158x32xf32, #tpu.memory_space<vmem_shared>>
      tpu.enqueue_dma source(%dma_start3A_96 : memref<158x32xf32, #tpu.memory_space<vmem_shared>>) target(%arg18 : memref<158x32xf32, #tpu.memory_space<vmem>>) target_semaphore(%run_scoped3A : memref<!tpu.dma_semaphore, #tpu.memory_space<semaphore_mem>>)
      %dma_wait3A = arith.constant 0 : i32
      %dma_wait3A_97 = tpu.memref_slice %arg9[%add3A_73, %dma_wait3A] : memref<10112x32xf32, #tpu.memory_space<vmem_shared>> -> memref<158x32xf32, #tpu.memory_space<vmem_shared>>
      %dma_wait3A_98 = arith.constant 0 : i32
      %dma_wait3A_99 = tpu.memref_slice %arg9[%add3A_73, %dma_wait3A_98] : memref<10112x32xf32, #tpu.memory_space<vmem_shared>> -> memref<158x32xf32, #tpu.memory_space<vmem_shared>>
      tpu.wait_dma2 semaphore(%run_scoped3A : memref<!tpu.dma_semaphore, #tpu.memory_space<semaphore_mem>>) src(%dma_wait3A_99 : memref<158x32xf32, #tpu.memory_space<vmem_shared>>) dst(%arg18 : memref<158x32xf32, #tpu.memory_space<vmem>>)
      tpu.yield
    }) : () -> ()
    %scan3A_74 = arith.constant 0 : i32
    %scan3A_75 = arith.constant 158 : i32
    %scan3A_76 = arith.addi %scan3A_74, %scan3A_75 : i32
    %scan3A_77 = arith.constant 1 : i32
    scf.for %scan3A_93 = %scan3A_74 to %scan3A_76 step %scan3A_77  : i32 {
      %mul3A_94 = arith.constant 1 : i32
      %mul3A_95 = arith.muli %scan3A_93, %mul3A_94 : i32
      %add3A_96 = arith.constant 0 : i32
      %add3A_97 = arith.addi %add3A_96, %mul3A_95 : i32
      %add3A_98 = arith.constant 158 : i32
      %add3A_99 = arith.addi %add3A_98, %add3A_97 : i32
      %get3A = arith.index_cast %add3A_99 : i32 to index
      %get3A_100 = arith.constant 0 : index
      %get3A_101 = tpu.vector_load %arg15[%get3A, %get3A_100] {strides = array<i32>} : memref<632x16xf32, #tpu.memory_space<vmem>>, vector<1x16xf32>,
      %get3A_102 = vector.shape_cast %get3A_101 : vector<1x16xf32> to vector<16xf32>
      %slice3A = vector.extract_strided_slice %get3A_102 {offsets = [1], sizes = [1], strides = [1]} : vector<16xf32> to vector<1xf32>
      %squeeze3A = vector.extract %slice3A[0] : f32 from vector<1xf32>
      %get3A_103 = arith.index_cast %add3A_97 : i32 to index
      %get3A_104 = arith.constant 0 : index
      %get3A_105 = tpu.vector_load %arg18[%get3A_103, %get3A_104] {strides = array<i32>} : memref<158x32xf32, #tpu.memory_space<vmem>>, vector<1x16xf32>,
      %get3A_106 = vector.shape_cast %get3A_105 : vector<1x16xf32> to vector<16xf32>
      %mul3A_107 = vector.broadcast %squeeze3A : f32 to vector<16xf32>
      %mul3A_108 = arith.mulf %mul3A_107, %get3A_106 : vector<16xf32>
      %swap3A = arith.index_cast %add3A_97 : i32 to index
      %swap3A_109 = arith.constant 0 : index
      %swap3A_110 = tpu.vector_load %arg18[%swap3A, %swap3A_109] {strides = array<i32>} : memref<158x32xf32, #tpu.memory_space<vmem>>, vector<1x16xf32>,
      %swap3A_111 = vector.shape_cast %swap3A_110 : vector<1x16xf32> to vector<16xf32>
      %swap3A_112 = vector.shape_cast %mul3A_108 : vector<16xf32> to vector<1x16xf32>
      tpu.vector_store %arg18[%swap3A, %swap3A_109], %swap3A_112 {strides = array<i32>} : memref<158x32xf32, #tpu.memory_space<vmem>>, vector<1x16xf32>,
      %get3A_113 = arith.index_cast %add3A_97 : i32 to index
      %get3A_114 = arith.constant 16 : index
      %get3A_115 = tpu.vector_load %arg18[%get3A_113, %get3A_114] {strides = array<i32>} : memref<158x32xf32, #tpu.memory_space<vmem>>, vector<1x16xf32>,
      %get3A_116 = vector.shape_cast %get3A_115 : vector<1x16xf32> to vector<16xf32>
      %mul3A_117 = vector.broadcast %squeeze3A : f32 to vector<16xf32>
      %mul3A_118 = arith.mulf %mul3A_117, %get3A_116 : vector<16xf32>
      %swap3A_119 = arith.index_cast %add3A_97 : i32 to index
      %swap3A_120 = arith.constant 16 : index
      %swap3A_121 = tpu.vector_load %arg18[%swap3A_119, %swap3A_120] {strides = array<i32>} : memref<158x32xf32, #tpu.memory_space<vmem>>, vector<1x16xf32>,
      %swap3A_122 = vector.shape_cast %swap3A_121 : vector<1x16xf32> to vector<16xf32>
      %swap3A_123 = vector.shape_cast %mul3A_118 : vector<16xf32> to vector<1x16xf32>
      tpu.vector_store %arg18[%swap3A_119, %swap3A_120], %swap3A_123 {strides = array<i32>} : memref<158x32xf32, #tpu.memory_space<vmem>>, vector<1x16xf32>,
    }
    %scan3A_78 = arith.constant 158 : i32
    "tpu.region"() ({
      %run_scoped3A = tpu.sem_alloc : memref<!tpu.dma_semaphore, #tpu.memory_space<semaphore_mem>>
      %dma_start3A_93 = arith.constant 0 : i32
      %dma_start3A_94 = arith.constant 0 : i32
      %dma_start3A_95 = tpu.memref_slice %arg8[%arg0, %dma_start3A_93, %dma_start3A_94] : memref<2x10112x32xf32, #tpu.memory_space<hbm>> -> memref<1x10112x32xf32, #tpu.memory_space<hbm>>
      %dma_start3A_96 = tpu.memref_squeeze %dma_start3A_95 : memref<1x10112x32xf32, #tpu.memory_space<hbm>> -> memref<10112x32xf32, #tpu.memory_space<hbm>>
      %dma_start3A_97 = arith.constant 0 : i32
      %dma_start3A_98 = tpu.memref_slice %dma_start3A_96[%add3A_73, %dma_start3A_97] : memref<10112x32xf32, #tpu.memory_space<hbm>> -> memref<158x32xf32, #tpu.memory_space<hbm>>
      %dma_start3A_99 = arith.constant 0 : i32
      %dma_start3A_100 = arith.constant 0 : i32
      %dma_start3A_101 = tpu.memref_slice %arg8[%arg0, %dma_start3A_99, %dma_start3A_100] : memref<2x10112x32xf32, #tpu.memory_space<hbm>> -> memref<1x10112x32xf32, #tpu.memory_space<hbm>>
      %dma_start3A_102 = tpu.memref_squeeze %dma_start3A_101 : memref<1x10112x32xf32, #tpu.memory_space<hbm>> -> memref<10112x32xf32, #tpu.memory_space<hbm>>
      %dma_start3A_103 = arith.constant 0 : i32
      %dma_start3A_104 = tpu.memref_slice %dma_start3A_102[%add3A_73, %dma_start3A_103] : memref<10112x32xf32, #tpu.memory_space<hbm>> -> memref<158x32xf32, #tpu.memory_space<hbm>>
      tpu.enqueue_dma source(%arg18 : memref<158x32xf32, #tpu.memory_space<vmem>>) target(%dma_start3A_104 : memref<158x32xf32, #tpu.memory_space<hbm>>) target_semaphore(%run_scoped3A : memref<!tpu.dma_semaphore, #tpu.memory_space<semaphore_mem>>)
      %dma_wait3A = arith.constant 0 : i32
      %dma_wait3A_105 = arith.constant 0 : i32
      %dma_wait3A_106 = tpu.memref_slice %arg8[%arg0, %dma_wait3A, %dma_wait3A_105] : memref<2x10112x32xf32, #tpu.memory_space<hbm>> -> memref<1x10112x32xf32, #tpu.memory_space<hbm>>
      %dma_wait3A_107 = tpu.memref_squeeze %dma_wait3A_106 : memref<1x10112x32xf32, #tpu.memory_space<hbm>> -> memref<10112x32xf32, #tpu.memory_space<hbm>>
      %dma_wait3A_108 = arith.constant 0 : i32
      %dma_wait3A_109 = tpu.memref_slice %dma_wait3A_107[%add3A_73, %dma_wait3A_108] : memref<10112x32xf32, #tpu.memory_space<hbm>> -> memref<158x32xf32, #tpu.memory_space<hbm>>
      %dma_wait3A_110 = arith.constant 0 : i32
      %dma_wait3A_111 = arith.constant 0 : i32
      %dma_wait3A_112 = tpu.memref_slice %arg8[%arg0, %dma_wait3A_110, %dma_wait3A_111] : memref<2x10112x32xf32, #tpu.memory_space<hbm>> -> memref<1x10112x32xf32, #tpu.memory_space<hbm>>
      %dma_wait3A_113 = tpu.memref_squeeze %dma_wait3A_112 : memref<1x10112x32xf32, #tpu.memory_space<hbm>> -> memref<10112x32xf32, #tpu.memory_space<hbm>>
      %dma_wait3A_114 = arith.constant 0 : i32
      %dma_wait3A_115 = tpu.memref_slice %dma_wait3A_113[%add3A_73, %dma_wait3A_114] : memref<10112x32xf32, #tpu.memory_space<hbm>> -> memref<158x32xf32, #tpu.memory_space<hbm>>
      tpu.wait_dma2 semaphore(%run_scoped3A : memref<!tpu.dma_semaphore, #tpu.memory_space<semaphore_mem>>) src(%arg18 : memref<158x32xf32, #tpu.memory_space<vmem>>) dst(%dma_wait3A_115 : memref<158x32xf32, #tpu.memory_space<hbm>>)
      tpu.yield
    }) : () -> ()
    %add3A_79 = arith.constant 316 : i32
    %add3A_80 = arith.addi %mul3A_0, %add3A_79 : i32
    "tpu.region"() ({
      %run_scoped3A = tpu.sem_alloc : memref<!tpu.dma_semaphore, #tpu.memory_space<semaphore_mem>>
      %dma_start3A_93 = arith.constant 0 : i32
      %dma_start3A_94 = tpu.memref_slice %arg9[%add3A_80, %dma_start3A_93] : memref<10112x32xf32, #tpu.memory_space<vmem_shared>> -> memref<158x32xf32, #tpu.memory_space<vmem_shared>>
      %dma_start3A_95 = arith.constant 0 : i32
      %dma_start3A_96 = tpu.memref_slice %arg9[%add3A_80, %dma_start3A_95] : memref<10112x32xf32, #tpu.memory_space<vmem_shared>> -> memref<158x32xf32, #tpu.memory_space<vmem_shared>>
      tpu.enqueue_dma source(%dma_start3A_96 : memref<158x32xf32, #tpu.memory_space<vmem_shared>>) target(%arg18 : memref<158x32xf32, #tpu.memory_space<vmem>>) target_semaphore(%run_scoped3A : memref<!tpu.dma_semaphore, #tpu.memory_space<semaphore_mem>>)
      %dma_wait3A = arith.constant 0 : i32
      %dma_wait3A_97 = tpu.memref_slice %arg9[%add3A_80, %dma_wait3A] : memref<10112x32xf32, #tpu.memory_space<vmem_shared>> -> memref<158x32xf32, #tpu.memory_space<vmem_shared>>
      %dma_wait3A_98 = arith.constant 0 : i32
      %dma_wait3A_99 = tpu.memref_slice %arg9[%add3A_80, %dma_wait3A_98] : memref<10112x32xf32, #tpu.memory_space<vmem_shared>> -> memref<158x32xf32, #tpu.memory_space<vmem_shared>>
      tpu.wait_dma2 semaphore(%run_scoped3A : memref<!tpu.dma_semaphore, #tpu.memory_space<semaphore_mem>>) src(%dma_wait3A_99 : memref<158x32xf32, #tpu.memory_space<vmem_shared>>) dst(%arg18 : memref<158x32xf32, #tpu.memory_space<vmem>>)
      tpu.yield
    }) : () -> ()
    %scan3A_81 = arith.constant 0 : i32
    %scan3A_82 = arith.constant 158 : i32
    %scan3A_83 = arith.addi %scan3A_81, %scan3A_82 : i32
    %scan3A_84 = arith.constant 1 : i32
    scf.for %scan3A_93 = %scan3A_81 to %scan3A_83 step %scan3A_84  : i32 {
      %mul3A_94 = arith.constant 1 : i32
      %mul3A_95 = arith.muli %scan3A_93, %mul3A_94 : i32
      %add3A_96 = arith.constant 0 : i32
      %add3A_97 = arith.addi %add3A_96, %mul3A_95 : i32
      %add3A_98 = arith.constant 316 : i32
      %add3A_99 = arith.addi %add3A_98, %add3A_97 : i32
      %get3A = arith.index_cast %add3A_99 : i32 to index
      %get3A_100 = arith.constant 0 : index
      %get3A_101 = tpu.vector_load %arg15[%get3A, %get3A_100] {strides = array<i32>} : memref<632x16xf32, #tpu.memory_space<vmem>>, vector<1x16xf32>,
      %get3A_102 = vector.shape_cast %get3A_101 : vector<1x16xf32> to vector<16xf32>
      %slice3A = vector.extract_strided_slice %get3A_102 {offsets = [1], sizes = [1], strides = [1]} : vector<16xf32> to vector<1xf32>
      %squeeze3A = vector.extract %slice3A[0] : f32 from vector<1xf32>
      %get3A_103 = arith.index_cast %add3A_97 : i32 to index
      %get3A_104 = arith.constant 0 : index
      %get3A_105 = tpu.vector_load %arg18[%get3A_103, %get3A_104] {strides = array<i32>} : memref<158x32xf32, #tpu.memory_space<vmem>>, vector<1x16xf32>,
      %get3A_106 = vector.shape_cast %get3A_105 : vector<1x16xf32> to vector<16xf32>
      %mul3A_107 = vector.broadcast %squeeze3A : f32 to vector<16xf32>
      %mul3A_108 = arith.mulf %mul3A_107, %get3A_106 : vector<16xf32>
      %swap3A = arith.index_cast %add3A_97 : i32 to index
      %swap3A_109 = arith.constant 0 : index
      %swap3A_110 = tpu.vector_load %arg18[%swap3A, %swap3A_109] {strides = array<i32>} : memref<158x32xf32, #tpu.memory_space<vmem>>, vector<1x16xf32>,
      %swap3A_111 = vector.shape_cast %swap3A_110 : vector<1x16xf32> to vector<16xf32>
      %swap3A_112 = vector.shape_cast %mul3A_108 : vector<16xf32> to vector<1x16xf32>
      tpu.vector_store %arg18[%swap3A, %swap3A_109], %swap3A_112 {strides = array<i32>} : memref<158x32xf32, #tpu.memory_space<vmem>>, vector<1x16xf32>,
      %get3A_113 = arith.index_cast %add3A_97 : i32 to index
      %get3A_114 = arith.constant 16 : index
      %get3A_115 = tpu.vector_load %arg18[%get3A_113, %get3A_114] {strides = array<i32>} : memref<158x32xf32, #tpu.memory_space<vmem>>, vector<1x16xf32>,
      %get3A_116 = vector.shape_cast %get3A_115 : vector<1x16xf32> to vector<16xf32>
      %mul3A_117 = vector.broadcast %squeeze3A : f32 to vector<16xf32>
      %mul3A_118 = arith.mulf %mul3A_117, %get3A_116 : vector<16xf32>
      %swap3A_119 = arith.index_cast %add3A_97 : i32 to index
      %swap3A_120 = arith.constant 16 : index
      %swap3A_121 = tpu.vector_load %arg18[%swap3A_119, %swap3A_120] {strides = array<i32>} : memref<158x32xf32, #tpu.memory_space<vmem>>, vector<1x16xf32>,
      %swap3A_122 = vector.shape_cast %swap3A_121 : vector<1x16xf32> to vector<16xf32>
      %swap3A_123 = vector.shape_cast %mul3A_118 : vector<16xf32> to vector<1x16xf32>
      tpu.vector_store %arg18[%swap3A_119, %swap3A_120], %swap3A_123 {strides = array<i32>} : memref<158x32xf32, #tpu.memory_space<vmem>>, vector<1x16xf32>,
    }
    %scan3A_85 = arith.constant 158 : i32
    "tpu.region"() ({
      %run_scoped3A = tpu.sem_alloc : memref<!tpu.dma_semaphore, #tpu.memory_space<semaphore_mem>>
      %dma_start3A_93 = arith.constant 0 : i32
      %dma_start3A_94 = arith.constant 0 : i32
      %dma_start3A_95 = tpu.memref_slice %arg8[%arg0, %dma_start3A_93, %dma_start3A_94] : memref<2x10112x32xf32, #tpu.memory_space<hbm>> -> memref<1x10112x32xf32, #tpu.memory_space<hbm>>
      %dma_start3A_96 = tpu.memref_squeeze %dma_start3A_95 : memref<1x10112x32xf32, #tpu.memory_space<hbm>> -> memref<10112x32xf32, #tpu.memory_space<hbm>>
      %dma_start3A_97 = arith.constant 0 : i32
      %dma_start3A_98 = tpu.memref_slice %dma_start3A_96[%add3A_80, %dma_start3A_97] : memref<10112x32xf32, #tpu.memory_space<hbm>> -> memref<158x32xf32, #tpu.memory_space<hbm>>
      %dma_start3A_99 = arith.constant 0 : i32
      %dma_start3A_100 = arith.constant 0 : i32
      %dma_start3A_101 = tpu.memref_slice %arg8[%arg0, %dma_start3A_99, %dma_start3A_100] : memref<2x10112x32xf32, #tpu.memory_space<hbm>> -> memref<1x10112x32xf32, #tpu.memory_space<hbm>>
      %dma_start3A_102 = tpu.memref_squeeze %dma_start3A_101 : memref<1x10112x32xf32, #tpu.memory_space<hbm>> -> memref<10112x32xf32, #tpu.memory_space<hbm>>
      %dma_start3A_103 = arith.constant 0 : i32
      %dma_start3A_104 = tpu.memref_slice %dma_start3A_102[%add3A_80, %dma_start3A_103] : memref<10112x32xf32, #tpu.memory_space<hbm>> -> memref<158x32xf32, #tpu.memory_space<hbm>>
      tpu.enqueue_dma source(%arg18 : memref<158x32xf32, #tpu.memory_space<vmem>>) target(%dma_start3A_104 : memref<158x32xf32, #tpu.memory_space<hbm>>) target_semaphore(%run_scoped3A : memref<!tpu.dma_semaphore, #tpu.memory_space<semaphore_mem>>)
      %dma_wait3A = arith.constant 0 : i32
      %dma_wait3A_105 = arith.constant 0 : i32
      %dma_wait3A_106 = tpu.memref_slice %arg8[%arg0, %dma_wait3A, %dma_wait3A_105] : memref<2x10112x32xf32, #tpu.memory_space<hbm>> -> memref<1x10112x32xf32, #tpu.memory_space<hbm>>
      %dma_wait3A_107 = tpu.memref_squeeze %dma_wait3A_106 : memref<1x10112x32xf32, #tpu.memory_space<hbm>> -> memref<10112x32xf32, #tpu.memory_space<hbm>>
      %dma_wait3A_108 = arith.constant 0 : i32
      %dma_wait3A_109 = tpu.memref_slice %dma_wait3A_107[%add3A_80, %dma_wait3A_108] : memref<10112x32xf32, #tpu.memory_space<hbm>> -> memref<158x32xf32, #tpu.memory_space<hbm>>
      %dma_wait3A_110 = arith.constant 0 : i32
      %dma_wait3A_111 = arith.constant 0 : i32
      %dma_wait3A_112 = tpu.memref_slice %arg8[%arg0, %dma_wait3A_110, %dma_wait3A_111] : memref<2x10112x32xf32, #tpu.memory_space<hbm>> -> memref<1x10112x32xf32, #tpu.memory_space<hbm>>
      %dma_wait3A_113 = tpu.memref_squeeze %dma_wait3A_112 : memref<1x10112x32xf32, #tpu.memory_space<hbm>> -> memref<10112x32xf32, #tpu.memory_space<hbm>>
      %dma_wait3A_114 = arith.constant 0 : i32
      %dma_wait3A_115 = tpu.memref_slice %dma_wait3A_113[%add3A_80, %dma_wait3A_114] : memref<10112x32xf32, #tpu.memory_space<hbm>> -> memref<158x32xf32, #tpu.memory_space<hbm>>
      tpu.wait_dma2 semaphore(%run_scoped3A : memref<!tpu.dma_semaphore, #tpu.memory_space<semaphore_mem>>) src(%arg18 : memref<158x32xf32, #tpu.memory_space<vmem>>) dst(%dma_wait3A_115 : memref<158x32xf32, #tpu.memory_space<hbm>>)
      tpu.yield
    }) : () -> ()
    %add3A_86 = arith.constant 474 : i32
    %add3A_87 = arith.addi %mul3A_0, %add3A_86 : i32
    "tpu.region"() ({
      %run_scoped3A = tpu.sem_alloc : memref<!tpu.dma_semaphore, #tpu.memory_space<semaphore_mem>>
      %dma_start3A_93 = arith.constant 0 : i32
      %dma_start3A_94 = tpu.memref_slice %arg9[%add3A_87, %dma_start3A_93] : memref<10112x32xf32, #tpu.memory_space<vmem_shared>> -> memref<158x32xf32, #tpu.memory_space<vmem_shared>>
      %dma_start3A_95 = arith.constant 0 : i32
      %dma_start3A_96 = tpu.memref_slice %arg9[%add3A_87, %dma_start3A_95] : memref<10112x32xf32, #tpu.memory_space<vmem_shared>> -> memref<158x32xf32, #tpu.memory_space<vmem_shared>>
      tpu.enqueue_dma source(%dma_start3A_96 : memref<158x32xf32, #tpu.memory_space<vmem_shared>>) target(%arg18 : memref<158x32xf32, #tpu.memory_space<vmem>>) target_semaphore(%run_scoped3A : memref<!tpu.dma_semaphore, #tpu.memory_space<semaphore_mem>>)
      %dma_wait3A = arith.constant 0 : i32
      %dma_wait3A_97 = tpu.memref_slice %arg9[%add3A_87, %dma_wait3A] : memref<10112x32xf32, #tpu.memory_space<vmem_shared>> -> memref<158x32xf32, #tpu.memory_space<vmem_shared>>
      %dma_wait3A_98 = arith.constant 0 : i32
      %dma_wait3A_99 = tpu.memref_slice %arg9[%add3A_87, %dma_wait3A_98] : memref<10112x32xf32, #tpu.memory_space<vmem_shared>> -> memref<158x32xf32, #tpu.memory_space<vmem_shared>>
      tpu.wait_dma2 semaphore(%run_scoped3A : memref<!tpu.dma_semaphore, #tpu.memory_space<semaphore_mem>>) src(%dma_wait3A_99 : memref<158x32xf32, #tpu.memory_space<vmem_shared>>) dst(%arg18 : memref<158x32xf32, #tpu.memory_space<vmem>>)
      tpu.yield
    }) : () -> ()
    %scan3A_88 = arith.constant 0 : i32
    %scan3A_89 = arith.constant 158 : i32
    %scan3A_90 = arith.addi %scan3A_88, %scan3A_89 : i32
    %scan3A_91 = arith.constant 1 : i32
    scf.for %scan3A_93 = %scan3A_88 to %scan3A_90 step %scan3A_91  : i32 {
      %mul3A_94 = arith.constant 1 : i32
      %mul3A_95 = arith.muli %scan3A_93, %mul3A_94 : i32
      %add3A_96 = arith.constant 0 : i32
      %add3A_97 = arith.addi %add3A_96, %mul3A_95 : i32
      %add3A_98 = arith.constant 474 : i32
      %add3A_99 = arith.addi %add3A_98, %add3A_97 : i32
      %get3A = arith.index_cast %add3A_99 : i32 to index
      %get3A_100 = arith.constant 0 : index
      %get3A_101 = tpu.vector_load %arg15[%get3A, %get3A_100] {strides = array<i32>} : memref<632x16xf32, #tpu.memory_space<vmem>>, vector<1x16xf32>,
      %get3A_102 = vector.shape_cast %get3A_101 : vector<1x16xf32> to vector<16xf32>
      %slice3A = vector.extract_strided_slice %get3A_102 {offsets = [1], sizes = [1], strides = [1]} : vector<16xf32> to vector<1xf32>
      %squeeze3A = vector.extract %slice3A[0] : f32 from vector<1xf32>
      %get3A_103 = arith.index_cast %add3A_97 : i32 to index
      %get3A_104 = arith.constant 0 : index
      %get3A_105 = tpu.vector_load %arg18[%get3A_103, %get3A_104] {strides = array<i32>} : memref<158x32xf32, #tpu.memory_space<vmem>>, vector<1x16xf32>,
      %get3A_106 = vector.shape_cast %get3A_105 : vector<1x16xf32> to vector<16xf32>
      %mul3A_107 = vector.broadcast %squeeze3A : f32 to vector<16xf32>
      %mul3A_108 = arith.mulf %mul3A_107, %get3A_106 : vector<16xf32>
      %swap3A = arith.index_cast %add3A_97 : i32 to index
      %swap3A_109 = arith.constant 0 : index
      %swap3A_110 = tpu.vector_load %arg18[%swap3A, %swap3A_109] {strides = array<i32>} : memref<158x32xf32, #tpu.memory_space<vmem>>, vector<1x16xf32>,
      %swap3A_111 = vector.shape_cast %swap3A_110 : vector<1x16xf32> to vector<16xf32>
      %swap3A_112 = vector.shape_cast %mul3A_108 : vector<16xf32> to vector<1x16xf32>
      tpu.vector_store %arg18[%swap3A, %swap3A_109], %swap3A_112 {strides = array<i32>} : memref<158x32xf32, #tpu.memory_space<vmem>>, vector<1x16xf32>,
      %get3A_113 = arith.index_cast %add3A_97 : i32 to index
      %get3A_114 = arith.constant 16 : index
      %get3A_115 = tpu.vector_load %arg18[%get3A_113, %get3A_114] {strides = array<i32>} : memref<158x32xf32, #tpu.memory_space<vmem>>, vector<1x16xf32>,
      %get3A_116 = vector.shape_cast %get3A_115 : vector<1x16xf32> to vector<16xf32>
      %mul3A_117 = vector.broadcast %squeeze3A : f32 to vector<16xf32>
      %mul3A_118 = arith.mulf %mul3A_117, %get3A_116 : vector<16xf32>
      %swap3A_119 = arith.index_cast %add3A_97 : i32 to index
      %swap3A_120 = arith.constant 16 : index
      %swap3A_121 = tpu.vector_load %arg18[%swap3A_119, %swap3A_120] {strides = array<i32>} : memref<158x32xf32, #tpu.memory_space<vmem>>, vector<1x16xf32>,
      %swap3A_122 = vector.shape_cast %swap3A_121 : vector<1x16xf32> to vector<16xf32>
      %swap3A_123 = vector.shape_cast %mul3A_118 : vector<16xf32> to vector<1x16xf32>
      tpu.vector_store %arg18[%swap3A_119, %swap3A_120], %swap3A_123 {strides = array<i32>} : memref<158x32xf32, #tpu.memory_space<vmem>>, vector<1x16xf32>,
    }
    %scan3A_92 = arith.constant 158 : i32
    "tpu.region"() ({
      %run_scoped3A = tpu.sem_alloc : memref<!tpu.dma_semaphore, #tpu.memory_space<semaphore_mem>>
      %dma_start3A_93 = arith.constant 0 : i32
      %dma_start3A_94 = arith.constant 0 : i32
      %dma_start3A_95 = tpu.memref_slice %arg8[%arg0, %dma_start3A_93, %dma_start3A_94] : memref<2x10112x32xf32, #tpu.memory_space<hbm>> -> memref<1x10112x32xf32, #tpu.memory_space<hbm>>
      %dma_start3A_96 = tpu.memref_squeeze %dma_start3A_95 : memref<1x10112x32xf32, #tpu.memory_space<hbm>> -> memref<10112x32xf32, #tpu.memory_space<hbm>>
      %dma_start3A_97 = arith.constant 0 : i32
      %dma_start3A_98 = tpu.memref_slice %dma_start3A_96[%add3A_87, %dma_start3A_97] : memref<10112x32xf32, #tpu.memory_space<hbm>> -> memref<158x32xf32, #tpu.memory_space<hbm>>
      %dma_start3A_99 = arith.constant 0 : i32
      %dma_start3A_100 = arith.constant 0 : i32
      %dma_start3A_101 = tpu.memref_slice %arg8[%arg0, %dma_start3A_99, %dma_start3A_100] : memref<2x10112x32xf32, #tpu.memory_space<hbm>> -> memref<1x10112x32xf32, #tpu.memory_space<hbm>>
      %dma_start3A_102 = tpu.memref_squeeze %dma_start3A_101 : memref<1x10112x32xf32, #tpu.memory_space<hbm>> -> memref<10112x32xf32, #tpu.memory_space<hbm>>
      %dma_start3A_103 = arith.constant 0 : i32
      %dma_start3A_104 = tpu.memref_slice %dma_start3A_102[%add3A_87, %dma_start3A_103] : memref<10112x32xf32, #tpu.memory_space<hbm>> -> memref<158x32xf32, #tpu.memory_space<hbm>>
      tpu.enqueue_dma source(%arg18 : memref<158x32xf32, #tpu.memory_space<vmem>>) target(%dma_start3A_104 : memref<158x32xf32, #tpu.memory_space<hbm>>) target_semaphore(%run_scoped3A : memref<!tpu.dma_semaphore, #tpu.memory_space<semaphore_mem>>)
      %dma_wait3A = arith.constant 0 : i32
      %dma_wait3A_105 = arith.constant 0 : i32
      %dma_wait3A_106 = tpu.memref_slice %arg8[%arg0, %dma_wait3A, %dma_wait3A_105] : memref<2x10112x32xf32, #tpu.memory_space<hbm>> -> memref<1x10112x32xf32, #tpu.memory_space<hbm>>
      %dma_wait3A_107 = tpu.memref_squeeze %dma_wait3A_106 : memref<1x10112x32xf32, #tpu.memory_space<hbm>> -> memref<10112x32xf32, #tpu.memory_space<hbm>>
      %dma_wait3A_108 = arith.constant 0 : i32
      %dma_wait3A_109 = tpu.memref_slice %dma_wait3A_107[%add3A_87, %dma_wait3A_108] : memref<10112x32xf32, #tpu.memory_space<hbm>> -> memref<158x32xf32, #tpu.memory_space<hbm>>
      %dma_wait3A_110 = arith.constant 0 : i32
      %dma_wait3A_111 = arith.constant 0 : i32
      %dma_wait3A_112 = tpu.memref_slice %arg8[%arg0, %dma_wait3A_110, %dma_wait3A_111] : memref<2x10112x32xf32, #tpu.memory_space<hbm>> -> memref<1x10112x32xf32, #tpu.memory_space<hbm>>
      %dma_wait3A_113 = tpu.memref_squeeze %dma_wait3A_112 : memref<1x10112x32xf32, #tpu.memory_space<hbm>> -> memref<10112x32xf32, #tpu.memory_space<hbm>>
      %dma_wait3A_114 = arith.constant 0 : i32
      %dma_wait3A_115 = tpu.memref_slice %dma_wait3A_113[%add3A_87, %dma_wait3A_114] : memref<10112x32xf32, #tpu.memory_space<hbm>> -> memref<158x32xf32, #tpu.memory_space<hbm>>
      tpu.wait_dma2 semaphore(%run_scoped3A : memref<!tpu.dma_semaphore, #tpu.memory_space<semaphore_mem>>) src(%arg18 : memref<158x32xf32, #tpu.memory_space<vmem>>) dst(%dma_wait3A_115 : memref<158x32xf32, #tpu.memory_space<hbm>>)
      tpu.yield
    }) : () -> ()
    return
  }
}

module attributes {stable_mosaic.version = 14 : i64} {
  func.func @_mlp_body(%arg0: i32, %arg1: memref<1000x128xf32, #tpu.memory_space<vmem>>, %arg2: memref<64x128xf32, #tpu.memory_space<vmem>>, %arg3: memref<64xf32, #tpu.memory_space<vmem>>, %arg4: memref<64x64xf32, #tpu.memory_space<vmem>>, %arg5: memref<64xf32, #tpu.memory_space<vmem>>, %arg6: memref<1000x64xf32, #tpu.memory_space<vmem>>) attributes {dimension_semantics = [#tpu.dimension_semantics<arbitrary>], iteration_bounds = array<i64: 10>, scalar_prefetch = 0 : i64, scratch_operands = 0 : i64, tpu.core_type = #tpu.core_type<tc>, window_params = [{transform_indices = @transform_0, window_bounds = array<i64: 1000, 128>}, {pipeline_mode = #tpu.pipeline_mode<synchronous>, transform_indices = @transform_1, window_bounds = array<i64: 64, 128>}, {pipeline_mode = #tpu.pipeline_mode<synchronous>, transform_indices = @transform_2, window_bounds = array<i64: 64>}, {pipeline_mode = #tpu.pipeline_mode<synchronous>, transform_indices = @transform_3, window_bounds = array<i64: 64, 64>}, {pipeline_mode = #tpu.pipeline_mode<synchronous>, transform_indices = @transform_4, window_bounds = array<i64: 64>}, {transform_indices = @transform_5, window_bounds = array<i64: 1000, 64>}]} {
    %get3A = arith.constant 0 : index
    %get3A_0 = arith.constant 0 : index
    %get3A_1 = vector.load %arg1[%get3A, %get3A_0] : memref<1000x128xf32, #tpu.memory_space<vmem>>, vector<1000x128xf32>
    %get3A_2 = arith.constant 0 : index
    %get3A_3 = arith.constant 0 : index
    %get3A_4 = vector.load %arg2[%get3A_2, %get3A_3] : memref<64x128xf32, #tpu.memory_space<vmem>>, vector<64x128xf32>
    %transpose3A = tpu.transpose %get3A_4, [1, 0] : vector<64x128xf32> -> vector<128x64xf32>
    %dot_general3A = arith.constant dense<0.000000e+00> : vector<1000x64xf32>
    %dot_general3A_5 = tpu.matmul %get3A_1, %transpose3A, %dot_general3A {dimension_numbers = #tpu.dot_dimension_numbers<[1], [0], [0], [1], [0, 0, 1, 1], [], []>, transpose_lhs_hint = false} : vector<1000x128xf32>, vector<128x64xf32>, vector<1000x64xf32> -> vector<1000x64xf32>
    %get3A_6 = arith.constant 0 : index
    %get3A_7 = vector.load %arg3[%get3A_6] : memref<64xf32, #tpu.memory_space<vmem>>, vector<64xf32>
    %broadcast_in_dim3A = vector.shape_cast %get3A_7 : vector<64xf32> to vector<1x64xf32>
    %add3A = vector.broadcast %broadcast_in_dim3A : vector<1x64xf32> to vector<1000x64xf32>
    %add3A_8 = arith.addf %dot_general3A_5, %add3A : vector<1000x64xf32>
    %max3A = arith.constant 0.000000e+00 : f32
    %max3A_9 = vector.broadcast %max3A : f32 to vector<1000x64xf32>
    %max3A_10 = arith.maximumf %add3A_8, %max3A_9 : vector<1000x64xf32>
    %get3A_11 = arith.constant 0 : index
    %get3A_12 = arith.constant 0 : index
    %get3A_13 = vector.load %arg4[%get3A_11, %get3A_12] : memref<64x64xf32, #tpu.memory_space<vmem>>, vector<64x64xf32>
    %transpose3A_14 = tpu.transpose %get3A_13, [1, 0] : vector<64x64xf32> -> vector<64x64xf32>
    %dot_general3A_15 = arith.constant dense<0.000000e+00> : vector<1000x64xf32>
    %dot_general3A_16 = tpu.matmul %max3A_10, %transpose3A_14, %dot_general3A_15 {dimension_numbers = #tpu.dot_dimension_numbers<[1], [0], [0], [1], [0, 0, 1, 1], [], []>, transpose_lhs_hint = false} : vector<1000x64xf32>, vector<64x64xf32>, vector<1000x64xf32> -> vector<1000x64xf32>
    %get3A_17 = arith.constant 0 : index
    %get3A_18 = vector.load %arg5[%get3A_17] : memref<64xf32, #tpu.memory_space<vmem>>, vector<64xf32>
    %broadcast_in_dim3A_19 = vector.shape_cast %get3A_18 : vector<64xf32> to vector<1x64xf32>
    %add3A_20 = vector.broadcast %broadcast_in_dim3A_19 : vector<1x64xf32> to vector<1000x64xf32>
    %add3A_21 = arith.addf %dot_general3A_16, %add3A_20 : vector<1000x64xf32>
    %swap3A = arith.constant 0 : index
    %swap3A_22 = arith.constant 0 : index
    %swap3A_23 = vector.load %arg6[%swap3A, %swap3A_22] : memref<1000x64xf32, #tpu.memory_space<vmem>>, vector<1000x64xf32>
    tpu.vector_store %arg6[%swap3A, %swap3A_22], %add3A_21 {strides = array<i32>} : memref<1000x64xf32, #tpu.memory_space<vmem>>, vector<1000x64xf32>,
    return
  }
  func.func @transform_0(%arg0: i32) -> (i32, i32) {
    %c0_i32 = arith.constant 0 : i32
    %c0_i32_0 = arith.constant 0 : i32
    return %arg0, %c0_i32 : i32, i32
  }
  func.func @transform_1(%arg0: i32) -> (i32, i32) {
    %c0_i32 = arith.constant 0 : i32
    %c0_i32_0 = arith.constant 0 : i32
    %c0_i32_1 = arith.constant 0 : i32
    return %c0_i32, %c0_i32_0 : i32, i32
  }
  func.func @transform_2(%arg0: i32) -> i32 {
    %c0_i32 = arith.constant 0 : i32
    %c0_i32_0 = arith.constant 0 : i32
    return %c0_i32 : i32
  }
  func.func @transform_3(%arg0: i32) -> (i32, i32) {
    %c0_i32 = arith.constant 0 : i32
    %c0_i32_0 = arith.constant 0 : i32
    %c0_i32_1 = arith.constant 0 : i32
    return %c0_i32, %c0_i32_0 : i32, i32
  }
  func.func @transform_4(%arg0: i32) -> i32 {
    %c0_i32 = arith.constant 0 : i32
    %c0_i32_0 = arith.constant 0 : i32
    return %c0_i32 : i32
  }
  func.func @transform_5(%arg0: i32) -> (i32, i32) {
    %c0_i32 = arith.constant 0 : i32
    %c0_i32_0 = arith.constant 0 : i32
    return %arg0, %c0_i32 : i32, i32
  }
}

module attributes {stable_mosaic.version = 14 : i64} {
  func.func @_prep_body(%arg0: i32, %arg1: memref<2x1000x16xf32, #tpu.memory_space<vmem>>, %arg2: memref<1000x64xf32, #tpu.memory_space<vmem>>, %arg3: memref<2x1000x32xf32, #tpu.memory_space<vmem>>, %arg4: memref<2x1000x32xf32, #tpu.memory_space<vmem>>, %arg5: memref<1000x16xf32, #tpu.memory_space<vmem>>) attributes {dimension_semantics = [#tpu.dimension_semantics<arbitrary>], iteration_bounds = array<i64: 10>, scalar_prefetch = 0 : i64, scratch_operands = 0 : i64, tpu.core_type = #tpu.core_type<tc>, window_params = [{transform_indices = @transform_0, window_bounds = array<i64: 2, 1000, 16>}, {transform_indices = @transform_1, window_bounds = array<i64: 1000, 64>}, {transform_indices = @transform_2, window_bounds = array<i64: 2, 1000, 32>}, {transform_indices = @transform_3, window_bounds = array<i64: 2, 1000, 32>}, {transform_indices = @transform_4, window_bounds = array<i64: 1000, 16>}]} {
    %get3A = arith.constant 0 : index
    %get3A_0 = arith.constant 0 : index
    %get3A_1 = arith.constant 0 : index
    %get3A_2 = vector.load %arg1[%get3A, %get3A_0, %get3A_1] : memref<2x1000x16xf32, #tpu.memory_space<vmem>>, vector<1x1000x1xf32>
    %get3A_3 = vector.shape_cast %get3A_2 : vector<1x1000x1xf32> to vector<1000x1xf32>
    %get3A_4 = arith.constant 1 : index
    %get3A_5 = arith.constant 0 : index
    %get3A_6 = arith.constant 0 : index
    %get3A_7 = vector.load %arg1[%get3A_4, %get3A_5, %get3A_6] : memref<2x1000x16xf32, #tpu.memory_space<vmem>>, vector<1x1000x1xf32>
    %get3A_8 = vector.shape_cast %get3A_7 : vector<1x1000x1xf32> to vector<1000x1xf32>
    %add3A = arith.addf %get3A_3, %get3A_8 : vector<1000x1xf32>
    %add3A_9 = arith.constant 1.000000e+00 : f32
    %add3A_10 = vector.broadcast %add3A_9 : f32 to vector<1000x1xf32>
    %add3A_11 = arith.addf %add3A, %add3A_10 : vector<1000x1xf32>
    %rsqrt3A = math.rsqrt %add3A_11 : vector<1000x1xf32>
    %get3A_12 = arith.constant 0 : index
    %get3A_13 = arith.constant 0 : index
    %get3A_14 = vector.load %arg2[%get3A_12, %get3A_13] : memref<1000x64xf32, #tpu.memory_space<vmem>>, vector<1000x64xf32>
    %mul3A = vector.broadcast %rsqrt3A : vector<1000x1xf32> to vector<1000x64xf32>
    %mul3A_15 = arith.mulf %get3A_14, %mul3A : vector<1000x64xf32>
    %mul3A_16 = arith.constant 1.000000e-01 : f32
    %mul3A_17 = vector.broadcast %mul3A_16 : f32 to vector<1000x1xf32>
    %mul3A_18 = arith.mulf %mul3A_17, %rsqrt3A : vector<1000x1xf32>
    %get3A_19 = arith.constant 0 : index
    %get3A_20 = arith.constant 0 : index
    %get3A_21 = vector.load %arg2[%get3A_19, %get3A_20] : memref<1000x64xf32, #tpu.memory_space<vmem>>, vector<1000x64xf32>
    %mul3A_22 = vector.broadcast %mul3A_18 : vector<1000x1xf32> to vector<1000x64xf32>
    %mul3A_23 = arith.mulf %mul3A_22, %get3A_21 : vector<1000x64xf32>
    %slice3A = vector.extract_strided_slice %mul3A_15 {offsets = [0, 0], sizes = [1000, 32], strides = [1, 1]} : vector<1000x64xf32> to vector<1000x32xf32>
    %swap3A = arith.constant 0 : index
    %swap3A_24 = arith.constant 0 : index
    %swap3A_25 = arith.constant 0 : index
    %swap3A_26 = vector.load %arg3[%swap3A, %swap3A_24, %swap3A_25] : memref<2x1000x32xf32, #tpu.memory_space<vmem>>, vector<1x1000x32xf32>
    %swap3A_27 = vector.shape_cast %swap3A_26 : vector<1x1000x32xf32> to vector<1000x32xf32>
    %swap3A_28 = vector.shape_cast %slice3A : vector<1000x32xf32> to vector<1x1000x32xf32>
    tpu.vector_store %arg3[%swap3A, %swap3A_24, %swap3A_25], %swap3A_28 {strides = array<i32>} : memref<2x1000x32xf32, #tpu.memory_space<vmem>>, vector<1x1000x32xf32>,
    %slice3A_29 = vector.extract_strided_slice %mul3A_15 {offsets = [0, 32], sizes = [1000, 32], strides = [1, 1]} : vector<1000x64xf32> to vector<1000x32xf32>
    %swap3A_30 = arith.constant 1 : index
    %swap3A_31 = arith.constant 0 : index
    %swap3A_32 = arith.constant 0 : index
    %swap3A_33 = vector.load %arg3[%swap3A_30, %swap3A_31, %swap3A_32] : memref<2x1000x32xf32, #tpu.memory_space<vmem>>, vector<1x1000x32xf32>
    %swap3A_34 = vector.shape_cast %swap3A_33 : vector<1x1000x32xf32> to vector<1000x32xf32>
    %swap3A_35 = vector.shape_cast %slice3A_29 : vector<1000x32xf32> to vector<1x1000x32xf32>
    tpu.vector_store %arg3[%swap3A_30, %swap3A_31, %swap3A_32], %swap3A_35 {strides = array<i32>} : memref<2x1000x32xf32, #tpu.memory_space<vmem>>, vector<1x1000x32xf32>,
    %slice3A_36 = vector.extract_strided_slice %mul3A_23 {offsets = [0, 0], sizes = [1000, 32], strides = [1, 1]} : vector<1000x64xf32> to vector<1000x32xf32>
    %swap3A_37 = arith.constant 0 : index
    %swap3A_38 = arith.constant 0 : index
    %swap3A_39 = arith.constant 0 : index
    %swap3A_40 = vector.load %arg4[%swap3A_37, %swap3A_38, %swap3A_39] : memref<2x1000x32xf32, #tpu.memory_space<vmem>>, vector<1x1000x32xf32>
    %swap3A_41 = vector.shape_cast %swap3A_40 : vector<1x1000x32xf32> to vector<1000x32xf32>
    %swap3A_42 = vector.shape_cast %slice3A_36 : vector<1000x32xf32> to vector<1x1000x32xf32>
    tpu.vector_store %arg4[%swap3A_37, %swap3A_38, %swap3A_39], %swap3A_42 {strides = array<i32>} : memref<2x1000x32xf32, #tpu.memory_space<vmem>>, vector<1x1000x32xf32>,
    %slice3A_43 = vector.extract_strided_slice %mul3A_23 {offsets = [0, 32], sizes = [1000, 32], strides = [1, 1]} : vector<1000x64xf32> to vector<1000x32xf32>
    %swap3A_44 = arith.constant 1 : index
    %swap3A_45 = arith.constant 0 : index
    %swap3A_46 = arith.constant 0 : index
    %swap3A_47 = vector.load %arg4[%swap3A_44, %swap3A_45, %swap3A_46] : memref<2x1000x32xf32, #tpu.memory_space<vmem>>, vector<1x1000x32xf32>
    %swap3A_48 = vector.shape_cast %swap3A_47 : vector<1x1000x32xf32> to vector<1000x32xf32>
    %swap3A_49 = vector.shape_cast %slice3A_43 : vector<1000x32xf32> to vector<1x1000x32xf32>
    tpu.vector_store %arg4[%swap3A_44, %swap3A_45, %swap3A_46], %swap3A_49 {strides = array<i32>} : memref<2x1000x32xf32, #tpu.memory_space<vmem>>, vector<1x1000x32xf32>,
    %mul3A_50 = arith.constant 0.899999976 : f32
    %mul3A_51 = vector.broadcast %mul3A_50 : f32 to vector<1000x1xf32>
    %mul3A_52 = arith.mulf %mul3A_51, %rsqrt3A : vector<1000x1xf32>
    %mul3A_53 = arith.mulf %mul3A_52, %rsqrt3A : vector<1000x1xf32>
    %sqrt3A = math.sqrt %add3A_11 : vector<1000x1xf32>
    %broadcast_in_dim3A = arith.constant 0.000000e+00 : f32
    %broadcast_in_dim3A_54 = vector.broadcast %broadcast_in_dim3A : f32 to vector<1000x1xf32>
    %concatenate3A = tpu.concatenate %mul3A_53, %sqrt3A, %broadcast_in_dim3A_54, %broadcast_in_dim3A_54, %broadcast_in_dim3A_54, %broadcast_in_dim3A_54, %broadcast_in_dim3A_54, %broadcast_in_dim3A_54, %broadcast_in_dim3A_54, %broadcast_in_dim3A_54, %broadcast_in_dim3A_54, %broadcast_in_dim3A_54, %broadcast_in_dim3A_54, %broadcast_in_dim3A_54, %broadcast_in_dim3A_54, %broadcast_in_dim3A_54 in 1 : vector<1000x1xf32>, vector<1000x1xf32>, vector<1000x1xf32>, vector<1000x1xf32>, vector<1000x1xf32>, vector<1000x1xf32>, vector<1000x1xf32>, vector<1000x1xf32>, vector<1000x1xf32>, vector<1000x1xf32>, vector<1000x1xf32>, vector<1000x1xf32>, vector<1000x1xf32>, vector<1000x1xf32>, vector<1000x1xf32>, vector<1000x1xf32> -> vector<1000x16xf32>
    %swap3A_55 = arith.constant 0 : index
    %swap3A_56 = arith.constant 0 : index
    %swap3A_57 = vector.load %arg5[%swap3A_55, %swap3A_56] : memref<1000x16xf32, #tpu.memory_space<vmem>>, vector<1000x16xf32>
    tpu.vector_store %arg5[%swap3A_55, %swap3A_56], %concatenate3A {strides = array<i32>} : memref<1000x16xf32, #tpu.memory_space<vmem>>, vector<1000x16xf32>,
    return
  }
  func.func @transform_0(%arg0: i32) -> (i32, i32, i32) {
    %c0_i32 = arith.constant 0 : i32
    %c0_i32_0 = arith.constant 0 : i32
    %c0_i32_1 = arith.constant 0 : i32
    return %c0_i32, %arg0, %c0_i32_0 : i32, i32, i32
  }
  func.func @transform_1(%arg0: i32) -> (i32, i32) {
    %c0_i32 = arith.constant 0 : i32
    %c0_i32_0 = arith.constant 0 : i32
    return %arg0, %c0_i32 : i32, i32
  }
  func.func @transform_2(%arg0: i32) -> (i32, i32, i32) {
    %c0_i32 = arith.constant 0 : i32
    %c0_i32_0 = arith.constant 0 : i32
    %c0_i32_1 = arith.constant 0 : i32
    return %c0_i32, %arg0, %c0_i32_0 : i32, i32, i32
  }
  func.func @transform_3(%arg0: i32) -> (i32, i32, i32) {
    %c0_i32 = arith.constant 0 : i32
    %c0_i32_0 = arith.constant 0 : i32
    %c0_i32_1 = arith.constant 0 : i32
    return %c0_i32, %arg0, %c0_i32_0 : i32, i32, i32
  }
  func.func @transform_4(%arg0: i32) -> (i32, i32) {
    %c0_i32 = arith.constant 0 : i32
    %c0_i32_0 = arith.constant 0 : i32
    return %arg0, %c0_i32 : i32, i32
  }
}

module attributes {stable_mosaic.version = 14 : i64} {
  func.func @_final_body(%arg0: i32, %arg1: memref<2x1000x32xf32, #tpu.memory_space<vmem>>, %arg2: memref<1000x64xf32, #tpu.memory_space<vmem>>, %arg3: memref<1000x64xf32, #tpu.memory_space<vmem>>) attributes {dimension_semantics = [#tpu.dimension_semantics<arbitrary>], iteration_bounds = array<i64: 10>, scalar_prefetch = 0 : i64, scratch_operands = 0 : i64, tpu.core_type = #tpu.core_type<tc>, window_params = [{transform_indices = @transform_0, window_bounds = array<i64: 2, 1000, 32>}, {transform_indices = @transform_1, window_bounds = array<i64: 1000, 64>}, {transform_indices = @transform_2, window_bounds = array<i64: 1000, 64>}]} {
    %get3A = arith.constant 0 : index
    %get3A_0 = arith.constant 0 : index
    %get3A_1 = arith.constant 0 : index
    %get3A_2 = vector.load %arg1[%get3A, %get3A_0, %get3A_1] : memref<2x1000x32xf32, #tpu.memory_space<vmem>>, vector<1x1000x32xf32>
    %get3A_3 = vector.shape_cast %get3A_2 : vector<1x1000x32xf32> to vector<1000x32xf32>
    %get3A_4 = arith.constant 1 : index
    %get3A_5 = arith.constant 0 : index
    %get3A_6 = arith.constant 0 : index
    %get3A_7 = vector.load %arg1[%get3A_4, %get3A_5, %get3A_6] : memref<2x1000x32xf32, #tpu.memory_space<vmem>>, vector<1x1000x32xf32>
    %get3A_8 = vector.shape_cast %get3A_7 : vector<1x1000x32xf32> to vector<1000x32xf32>
    %concatenate3A = tpu.concatenate %get3A_3, %get3A_8 in 1 : vector<1000x32xf32>, vector<1000x32xf32> -> vector<1000x64xf32>
    %swap3A = arith.constant 0 : index
    %swap3A_9 = arith.constant 0 : index
    %swap3A_10 = vector.load %arg2[%swap3A, %swap3A_9] : memref<1000x64xf32, #tpu.memory_space<vmem>>, vector<1000x64xf32>
    tpu.vector_store %arg2[%swap3A, %swap3A_9], %concatenate3A {strides = array<i32>} : memref<1000x64xf32, #tpu.memory_space<vmem>>, vector<1000x64xf32>,
    %reduce_max3A = arith.constant dense<0xFF800000> : vector<1000xf32>
    %reduce_max3A_11 = vector.multi_reduction <maximumf>, %concatenate3A, %reduce_max3A [1] : vector<1000x64xf32> to vector<1000xf32>
    %broadcast_in_dim3A = vector.shape_cast %reduce_max3A_11 : vector<1000xf32> to vector<1000x1xf32>
    %sub3A = vector.broadcast %broadcast_in_dim3A : vector<1000x1xf32> to vector<1000x64xf32>
    %sub3A_12 = arith.subf %concatenate3A, %sub3A : vector<1000x64xf32>
    %exp3A = math.exp %sub3A_12 : vector<1000x64xf32>
    %reduce_sum3A = arith.constant dense<0.000000e+00> : vector<1000xf32>
    %reduce_sum3A_13 = vector.multi_reduction <add>, %exp3A, %reduce_sum3A [1] : vector<1000x64xf32> to vector<1000xf32>
    %broadcast_in_dim3A_14 = vector.shape_cast %reduce_sum3A_13 : vector<1000xf32> to vector<1000x1xf32>
    %div3A = vector.broadcast %broadcast_in_dim3A_14 : vector<1000x1xf32> to vector<1000x64xf32>
    %div3A_15 = arith.divf %exp3A, %div3A : vector<1000x64xf32>
    %swap3A_16 = arith.constant 0 : index
    %swap3A_17 = arith.constant 0 : index
    %swap3A_18 = vector.load %arg3[%swap3A_16, %swap3A_17] : memref<1000x64xf32, #tpu.memory_space<vmem>>, vector<1000x64xf32>
    tpu.vector_store %arg3[%swap3A_16, %swap3A_17], %div3A_15 {strides = array<i32>} : memref<1000x64xf32, #tpu.memory_space<vmem>>, vector<1000x64xf32>,
    return
  }
  func.func @transform_0(%arg0: i32) -> (i32, i32, i32) {
    %c0_i32 = arith.constant 0 : i32
    %c0_i32_0 = arith.constant 0 : i32
    %c0_i32_1 = arith.constant 0 : i32
    return %c0_i32, %arg0, %c0_i32_0 : i32, i32, i32
  }
  func.func @transform_1(%arg0: i32) -> (i32, i32) {
    %c0_i32 = arith.constant 0 : i32
    %c0_i32_0 = arith.constant 0 : i32
    return %arg0, %c0_i32 : i32, i32
  }
  func.func @transform_2(%arg0: i32) -> (i32, i32) {
    %c0_i32 = arith.constant 0 : i32
    %c0_i32_0 = arith.constant 0 : i32
    return %arg0, %c0_i32 : i32, i32
  }
}

</mosaic_0001>

<sc_bundles>
// kernel: kernel.10.cloned.1.call-start
scs
__scs_entry_jumppad:
0x0: {  	(pc) =	sbr.rel $0x88, $3  }
0x1: {  	(tag) =	ssettag $0x0;
	lr =	simm.s32 $0x1  }
0x2: {  	[smem:$0x3F9B] =	sst lr;
	_ =	strace $0xD0000000  }
0x3: {  	_ = 	snop  }
0x4: {  	_ = 	snop  }
0x5: {  	_ = 	snop  }
0x6: {  	_ = 	snop  }
0x7: {  	_ = 	snop  }
__scs_overlays_trampoline_lowered:
0x8: {  	[smem:$0x3FAA] =	sst s0  }
0x9: {  	[smem:$0x3FAB] =	sst s1  }
0xa: {  	[smem:$0x3FAC] =	sst s2  }
0xb: {  	[smem:$0x3FAD] =	sst s3  }
0xc: {  	[smem:$0x3FAE] =	sst s4  }
0xd: {  	[smem:$0x3FAF] =	sst s5  }
0xe: {  	[smem:$0x3FB0] =	sst s6  }
0xf: {  	[smem:$0x3FB1] =	sst s7  }
0x10: {  	[smem:$0x3FB2] =	sst s8  }
0x11: {  	[smem:$0x3FB3] =	sst s9;
	s0 =	simm.s32 @!p0 $0x0  }
0x12: {  	s1 =	sld [smem:$0x3F99];
	s0 =	simm.s32 @p0 $0x1  }
0x13: {  	[smem:$0x3FB4] =	sst s0;
	s0 =	simm.s32 @!p1 $0x0  }
0x14: {  	s2 =	sld [smem:$0x3F98];
	s0 =	simm.s32 @p1 $0x1  }
0x15: {  	[smem:$0x3FB5] =	sst s0;
	s0 =	simm.s32 @!p2 $0x0  }
0x16: {  	s3 =	sld [smem:$0x3FDB];
	s0 =	simm.s32 @p2 $0x1  }
0x17: {  	s4 =	simm.s32 $0x1BF5;
	[smem:$0x3FB7] =	sst s0  }
0x18: {  	s0 =	sld [smem:$0x3F9A];
	_ =	swait.ge [sflag:s4], $0x0  }
0x19: {  	s7 =	sld [smem:$0x3F9B]  }
0x1a: {  	s8 =	sadd.s32 $0xFFFFE003, lr  }
0x1b: {  	s9 =	sadd.s32 $0xFFFFFEF7, lr;
	s5 =	simm.s32 $0xFFFFFFFF;
	p2 =	slt.u32 s8, $0xFFFFF086  }
0x1c: {  	p1 =	slt.u32 s9, $0xF7A;
	s5 =	simm.s32 @!p2 $0x0  }
0x1d: {  	s5 =	simm.s32 @p1 $0x1;
	p0 =	seq.s32 s7, s2  }
0x1e: {  	s7 =	smul.u32 @!p0 $0xF7A, s2;
	p2 =	seq.s32 @!p0 s5, $0x0  }
0x1f: {  	s9 =	smul.u32 $0xF7A, s1;
	s8 =	simm.s32 @!p0 $0x1BF5;
	p2 =	por !p2, p0  }
0x20: {  	[sflag:s8] =	ssyncset.s32 @!p0 $0xFFFFF086;
	s6 =	sadd.s32 @!p0 s3, s7;
	s7 =	simm.s32 @!p0 $0x108  }
0x21: {  	s3 =	sadd.s32 s3, s9;
	s6 =	sadd.s32 @!p0 $0x88, s6;
	s7 =	simm.s32 @p2 $0x1082  }
0x22: {  	[simem:s7], [sflag:s8] =	dma.local @!p0 [hbm:s6], $0xF7A  }
0x23: {  	s9 =	sor.u32 $0xD0000000, s2;
	s6 =	simm.s32 $0x108;
	_ =	swait.ge @!p0 [sflag:s8], $0x0  }
0x24: {  	s3 =	sadd.s32 $0x88, s3;
	s6 =	simm.s32 @!p1 $0x1082;
	[sflag:s4] =	ssyncset.s32 $0xFFFFF086  }
0x25: {  	[simem:s6], [sflag:s4] =	dma.local [hbm:s3], $0xF7A  }
0x26: {  	[smem:$0x3F9B] =	sst s1;
	(tag) =	ssettag s2;
	_ =	strace s9  }
0x27: {  	s1 =	sld [smem:$0x3FAB]  }
0x28: {  	s2 =	sld [smem:$0x3FAC]  }
0x29: {  	s4 =	sld [smem:$0x3FAE]  }
0x2a: {  	p0 =	seq.s32 s5, $0x0;
	s5 =	sld [smem:$0x3FAF]  }
0x2b: {  	s6 =	sld [smem:$0x3FB0]  }
0x2c: {  	s7 =	sld [smem:$0x3FB1]  }
0x2d: {  	s3 =	simm.s32 $0x108;
	s8 =	sld [smem:$0x3FB2]  }
0x2e: {  	s3 =	simm.s32 @!p0 $0x1082;
	s9 =	sld [smem:$0x3FB3]  }
0x2f: {  	lr =	sadd.s32 s0, s3;
	s0 =	sld [smem:$0x3FAA]  }
0x30: {  	s3 =	sld [smem:$0x3FAD]  }
0x31: {  	[smem:$0x3FB6] =	sst s10  }
0x32: {  	s10 =	sld [smem:$0x3FB4];
	_ =	sdelay $0x3  }
0x33: {  	p0 =	seq.s32 s10, $0x1;
	s10 =	sld [smem:$0x3FB6];
	_ =	sdelay $0x3  }
0x34: {  	[smem:$0x3FB6] =	sst s10  }
0x35: {  	s10 =	sld [smem:$0x3FB5];
	_ =	sdelay $0x3  }
0x36: {  	p1 =	seq.s32 s10, $0x1;
	s10 =	sld [smem:$0x3FB6];
	_ =	sdelay $0x3  }
0x37: {  	[smem:$0x3FB6] =	sst s10  }
0x38: {  	s10 =	sld [smem:$0x3FB7]  }
0x39: {  	_ = 	snop;
	(pc) =	sbr.ind lr, $3  }
0x3a: {  	_ = 	snop  }
0x3b: {  	_ = 	snop  }
0x3c: {  	p2 =	seq.s32 s10, $0x1;
	s10 =	sld [smem:$0x3FB6]  }
0x3d: {  	_ =	shalt  }
0x3e: {  	_ =	shalt  }
0x3f: {  	_ =	shalt  }
0x40: {  	_ =	shalt  }
0x41: {  	_ =	shalt  }
0x42: {  	_ =	shalt  }
0x43: {  	_ =	shalt  }
0x44: {  	_ =	shalt  }
0x45: {  	_ =	shalt  }
0x46: {  	_ =	shalt  }
0x47: {  	_ =	shalt  }
0x48: {  	_ =	shalt  }
0x49: {  	_ =	shalt  }
0x4a: {  	_ =	shalt  }
0x4b: {  	_ =	shalt  }
0x4c: {  	_ =	shalt  }
0x4d: {  	_ =	shalt  }
0x4e: {  	_ =	shalt  }
0x4f: {  	_ =	shalt  }
0x50: {  	_ =	shalt  }
0x51: {  	_ =	shalt  }
0x52: {  	_ =	shalt  }
0x53: {  	_ =	shalt  }
0x54: {  	_ =	shalt  }
0x55: {  	_ =	shalt  }
0x56: {  	_ =	shalt  }
0x57: {  	_ =	shalt  }
0x58: {  	_ =	shalt  }
0x59: {  	_ =	shalt  }
0x5a: {  	_ =	shalt  }
0x5b: {  	_ =	shalt  }
0x5c: {  	_ =	shalt  }
0x5d: {  	_ =	shalt  }
0x5e: {  	_ =	shalt  }
0x5f: {  	_ =	shalt  }
0x60: {  	_ =	shalt  }
0x61: {  	_ =	shalt  }
0x62: {  	_ =	shalt  }
0x63: {  	_ =	shalt  }
0x64: {  	_ =	shalt  }
0x65: {  	_ =	shalt  }
0x66: {  	_ =	shalt  }
0x67: {  	_ =	shalt  }
0x68: {  	_ =	shalt  }
0x69: {  	_ =	shalt  }
0x6a: {  	_ =	shalt  }
0x6b: {  	_ =	shalt  }
0x6c: {  	_ =	shalt  }
0x6d: {  	_ =	shalt  }
0x6e: {  	_ =	shalt  }
0x6f: {  	_ =	shalt  }
0x70: {  	_ =	shalt  }
0x71: {  	_ =	shalt  }
0x72: {  	_ =	shalt  }
0x73: {  	_ =	shalt  }
0x74: {  	_ =	shalt  }
0x75: {  	_ =	shalt  }
0x76: {  	_ =	shalt  }
0x77: {  	_ =	shalt  }
0x78: {  	_ =	shalt  }
0x79: {  	_ =	shalt  }
0x7a: {  	_ =	shalt  }
0x7b: {  	_ =	shalt  }
0x7c: {  	_ =	shalt  }
0x7d: {  	_ =	shalt  }
0x7e: {  	_ =	shalt  }
0x7f: {  	_ =	shalt  }
0x80: {  	_ =	shalt  }
0x81: {  	_ =	shalt  }
0x82: {  	_ =	shalt  }
0x83: {  	_ =	shalt  }
0x84: {  	_ =	shalt  }
0x85: {  	_ =	shalt  }
0x86: {  	_ =	shalt  }
0x87: {  	_ =	shalt  }
.Lfunc_end0:
.L_simem_size_0:
called_computation.1_lowered:
.L_overlay_start_0:
0x88: {  	s2 =	sld [smem:$0x3FD9]  }
0x89: {  	s3 =	sld [smem:$0x3FFE];
	_ =	sdelay $0x1  }
0x8a: {  	s1 =	srdreg.scid  }
0x8b: {  	s0 =	sand.u32 $0x1, s1  }
0x8c: {  	s14 =	sshll.u32 s0, $0xA;
	s2 =	sadd.s32 s3, s2  }
0x8d: {  	s2 =	sadd.s32 s2, s14  }
0x8e: {  	[smem:$0x3FC2] =	sst s2  }
0x8f: {  	_ = 	snop  }
0x90: {  	s2 =	sld [smem:$0x3FD0];
	_ =	sdelay $0x2  }
0x91: {  	s15 =	simm.s32 $0xA;
	s4 =	simm.s32 $0x10  }
0x92: {  	[smem:s4], [sflag:s15] =	dma.local [hbm:s2], $0x1  }
0x93: {  	_ =	swait.eq [sflag:s15], $0x1  }
0x94: {  	[sflag:s15] =	ssyncset.done $0x0  }
0x95: {  	s16 =	sld [smem:$0x10];
	[sflag:s15] =	ssyncadd.s32 $0xFFFFFFFF  }
0x96: {  	s17 =	sld [smem:$0x11];
	(tm) =	ssettm $0x1  }
0x97: {  	s18 =	sld [smem:$0x3FFB];
	_ =	sdelay $0x3  }
0x98: {  	_ =	strace s18  }
0x99: {  	s4 =	sld [smem:$0x3FFC];
	_ =	sdelay $0x3  }
0x9a: {  	_ =	strace s4  }
0x9b: {  	s4 =	sld [smem:$0x3FFD];
	_ =	sdelay $0x3  }
0x9c: {  	_ =	strace s4  }
0x9d: {  	_ =	strace $0x8FFFFFFF  }
0x9e: {  	s19 =	sld [smem:$0x3FDB];
	_ =	sdelay $0x1  }
0x9f: {  	s5 =	simm.s32 $_scs_section_size  }
0xa0: {  	s6 =	simm.s32 $_size__tile_overlayer_lowered;
	s7 =	simm.s32 $_tile_overlayer_lowered  }
0xa1: {  	s22 =	simm.s32 $0x1BFF;
	s21 =	sshll.u32 s7, $0x1;
	s4 =	sadd.s32 s5, s19  }
0xa2: {  	s8 =	simm.s32 $0x0;
	s20 =	sshll.u32 s6, $0x1;
	s6 =	sadd.s32 s21, s4  }
0xa3: {  	[timem:s8], [sflag:s22] =	dma.local [hbm:s6], s20  }
0xa4: {  	_ =	swait.ge [sflag:s22], s20  }
0xa5: {  	s5 =	ssub.s32 $0x0, s20;
	[sflag:s22] =	ssyncset.done $0x0  }
0xa6: {  	[sflag:s22] =	ssyncadd.s32 s5;
	_ =	sdelay $0x1  }
0xa7: {  	s23 =	simm.s32 $0x1B8B  }
0xa8: {  	_ =	swait.ge [sflag:s23], $0x1  }
0xa9: {  	[sflag:s23] =	ssyncset.done $0x0  }
0xaa: {  	s25 =	simm.s32 $0x1B8E;
	s24 =	sld [smem:$0x3FFE];
	[sflag:s23] =	ssyncadd.s32 $0xFFFFFFFF  }
0xab: {  	s26 =	simm.s32 $execute0_lowered;
	[smem:$0x3FD2] =	sst s25  }
0xac: {  	s6 =	sshll.u32 s26, $0x1;
	_ =	strace $0x80000049;
	[dreg:$0x1] =	wrdreg $0xFFFFFFFF  }
0xad: {  	s28 =	simm.s32 $_size_execute0_lowered;
	s4 =	sadd.s32 s4, s6;
	[dreg:$0x0] =	wrdreg $0x0  }
0xae: {  	s6 =	sshll.u32 s28, $0x1;
	[dreg:$0x2] =	wrdreg s4  }
0xaf: {  	[dreg:$0x3] =	wrdreg s6  }
0xb0: {  	[dreg:$0x4] =	wrdreg $0xC0  }
0xb1: {  	_ =	task [dreg:s8], $0x5FFFF  }
0xb2: {  	[dreg:$0x1] =	wrdreg $0xFFFFFFFF  }
0xb3: {  	[dreg:$0x0] =	wrdreg $0x60  }
0xb4: {  	[dreg:$0x2] =	wrdreg s17  }
0xb5: {  	[dreg:$0x3] =	wrdreg s16  }
0xb6: {  	[dreg:$0x4] =	wrdreg s24  }
0xb7: {  	[dreg:$0x5] =	wrdreg $0x0  }
0xb8: {  	[dreg:$0x6] =	wrdreg $0x4F000  }
0xb9: {  	[dreg:$0x7] =	wrdreg $0x9  }
0xba: {  	_ =	task.clear_ibuf [dreg:s8], $0x8FFFF;
	_ =	strace $0x90000049  }
0xbb: {  	s29 =	simm.s32 $0x9;
	_ =	strace $0x8000004B  }
0xbc: {  	_ =	swait.ge [sflag:s29], $0x1  }
0xbd: {  	[sflag:s29] =	ssyncadd.s32 $0xFFFFFFFF  }
0xbe: {  	_ =	strace $0x9000004B  }
0xbf: {  	_ =	sfence  }
0xc0: {  	s30 =	sld [smem:$0x0];
	_ =	sdelay $0x2  }
0xc1: {  	s31 =	sshll.u32 s1, $0xD;
	s1 =	sshrl.u32 s1, $0x2  }
0xc2: {  	s3 =	sand.u32 $0x4000, s31;
	s1 =	sadd.s32 s1, s30  }
0xc3: {  	s0 =	sor.u32 s3, s0;
	s1 =	sshll.u32 s1, $0x11  }
0xc4: {  	s0 =	sor.u32 s1, s0  }
0xc5: {  	s0 =	sadd.s32 $0x8F2B, s0  }
0xc6: {  	[sflag:s0] =	ssyncadd.remote.s32 $0x1  }
0xc7: {  	_ =	sfence.sel $0xFFFF  }
0xc8: {  	[dreg:$0x0] =	wrdreg $0xFFFFFFFF;
	(pc) =	sbr.abs _section_cstart, $3  }
0xc9: {  	[dreg:$0x1] =	wrdreg $0xFFFFFFFF  }
0xca: {  	_ =	task.clear_ibuf [dreg:s8], $0x2FFFF;
	_ =	strace $0x9FFFFFFF  }
0xcb: {  	(tm) =	ssettm $0x7FFFFFFF  }
tec
execute0_lowered:
.L_overlay_start_1:
0x0: {  	(tag) =	ssettag $0x1  }
0x1: {  	s0 =	rddreg [dreg:$0x0]  }
0x2: {  	s1 =	rddreg [dreg:$0x1]  }
0x3: {  	s5 =	rddreg [dreg:$0x2]  }
0x4: {  	s2 =	rddreg [dreg:$0x3]  }
0x5: {  	s3 =	rddreg [dreg:$0x4];
	s12 =	stileid.u32  }
0x6: {  	s4 =	simm.s32 $0x0;
	s7 =	srdreg.scid;
	s28 =	simm.s32 $0xD  }
0x7: {  	s29 =	simm.s32 $0x7;
	s30 =	simm.s32 $0xB;
	s6 =	smul.u32 $0x4F0, s12  }
0x8: {  	[smem:$0x7FF] =	sst s4;
	s8 =	smul.u32 $0xA00, s12;
	s7 =	sand.u32 $0x1, s7  }
0x9: {  	s10 =	smul.u32 $0x4F00, s12;
	s13 =	sadd.s32 $0x1A600, s5;
	s26 =	sshll.u32 s12, $0x6  }
0xa: {  	_ =	strace $0x8000004A;
	s9 =	smul.u32 $0x9E00, s7;
	s7 =	ssub.s32 $0x2, s7  }
0xb: {  	s31 =	sor.u32 $0x1C0D, s26;
	[dreg:$0x6] =	wrdreg s13;
	s6 =	sadd.s32 s6, s5  }
0xc: {  	s8 =	sadd.s32 s8, s5;
	s11 =	sshrl.u32 s7, $0x1;
	s14 =	sadd.s32 s10, s2  }
0xd: {  	s15 =	sshrl.u32 s10, $0x3;
	[dreg:$0x9] =	wrdreg s31;
	s17 =	sadd.s32 s10, s3  }
0xe: {  	s16 =	sadd.s32 $0x13C0, s10;
	s20 =	sadd.s32 $0x2780, s10;
	s21 =	sadd.s32 $0x3B40, s10  }
0xf: {  	s5 =	sadd.s32 s9, s5;
	s7 =	ssub.s32 s7, s11;
	s0 =	sadd.s32 s0, s9  }
0x10: {  	s11 =	sadd.s32 s1, s9;
	s12 =	sadd.s32 $0x15600, s6;
	[dreg:$0x7] =	wrdreg s15  }
0x11: {  	s18 =	sadd.s32 $0xB600, s8;
	s19 =	sadd.s32 $0x1400, s8;
	[dreg:$0xa] =	wrdreg s12  }
0x12: {  	s31 =	sadd.s32 s20, s2;
	s22 =	sadd.s32 s21, s3;
	[dreg:$0xb] =	wrdreg s18  }
0x13: {  	s23 =	sadd.s32 s21, s2;
	s1 =	sshrl.u32 s16, $0x3;
	[dreg:$0xc] =	wrdreg s19  }
0x14: {  	s25 =	sshrl.u32 s20, $0x3;
	s26 =	sshrl.u32 s21, $0x3;
	[dreg:$0x10] =	wrdreg s22  }
0x15: {  	s21 =	simm.s32 $0xAE00;
	s0 =	sadd.s32 s15, s0;
	[dreg:$0xf] =	wrdreg s31  }
0x16: {  	s9 =	simm.s32 $0xA;
	s7 =	smax.u32 s7, $0x1;
	[dreg:$0x8] =	wrdreg s0  }
0x17: {  	s18 =	sadd.s32 s16, s3;
	s24 =	sadd.s32 $0x24400, s5;
	[dreg:$0x13] =	wrdreg s7  }
0x18: {  	s12 =	sadd.s32 s16, s2;
	s19 =	sadd.s32 s20, s3;
	[dreg:$0x12] =	wrdreg s24  }
0x19: {  	s16 =	smov.u32 s23;
	s22 =	simm.s32 $0xBE00;
	[dreg:$0xd] =	wrdreg s12  }
0x1a: {  	s20 =	simm.s32 $0x6;
	s5 =	simm.s32 $0x8;
	[dreg:$0xe] =	wrdreg s19  }
0x1b: {  	s23 =	simm.s32 $0xC;
	s0 =	sadd.s32 s15, s11;
	[dreg:$0x11] =	wrdreg s16  }
0x1c: {  	s7 =	sadd.s32 s1, s24;
	s8 =	sadd.s32 s25, s24;
	[dreg:$0x14] =	wrdreg s0  }
0x1d: {  	s11 =	sadd.s32 s26, s24;
	s15 =	sadd.s32 s13, s15;
	[dreg:$0x15] =	wrdreg s7  }
0x1e: {  	s24 =	simm.s32 $0xCE00;
	s26 =	simm.s32 $0xDE00;
	[dreg:$0x16] =	wrdreg s8  }
0x1f: {  	s25 =	simm.s32 $0x9;
	s1 =	simm.s32 $0x0;
	[dreg:$0x17] =	wrdreg s11  }
0x20: {  	[dreg:$0x18] =	wrdreg s15;
	s11 =	simm.s32 $0x80;
	s7 =	simm.s32 $0x5  }
.LBB2_1:
0x21: {  	[dreg:$0x19] =	wrdreg s1  }
0x22: {  	s6 =	rddreg [dreg:$0x8]  }
0x23: {  	s13 =	sshrl.u32 s14, $0x3;
	s8 =	rddreg [dreg:$0x9]  }
0x24: {  	[spmem:s13], [sflag:s8] =	dma.local [hbm:s6], $0x9E0  }
0x25: {  	_ =	swait.ge [sflag:s28], $0x9E0  }
0x26: {  	[sflag:s28] =	ssyncset.done $0x0  }
0x27: {  	s15 =	sshrl.u32 s17, $0x3;
	s0 =	rddreg [dreg:$0x18];
	[sflag:s28] =	ssyncadd.s32 $0xFFFFF620  }
0x28: {  	[spmem:s15], [sflag:s8] =	dma.local [hbm:s0], $0x9E0  }
0x29: {  	_ =	swait.ge [sflag:s28], $0x9E0  }
0x2a: {  	[sflag:s28] =	ssyncset.done $0x0  }
0x2b: {  	s31 =	simm.s32 $0xEE00;
	s19 =	rddreg [dreg:$0x14];
	[sflag:s28] =	ssyncadd.s32 $0xFFFFF620  }
0x2c: {  	[tilespmem:s31], [sflag:$0xD] =	stream.linear.gather [hbm4b:s19+s4], $0x4F00, $0x38;
	[tilespmem:$0x1DB00] =	vst v63  }
0x2d: {  	_ =	swait.ge [sflag:s28], $0x4F00  }
0x2e: {  	[sflag:s28] =	ssyncset.done $0x0  }
0x2f: {  	s8 =	simm.s32 $0x13D00;
	s1 =	rddreg [dreg:$0xa];
	[sflag:s28] =	ssyncadd.s32 $0xFFFFB100  }
0x30: {  	[tilespmem:s8], [sflag:$0xD] =	stream.linear.gather [hbm4b:s1+s4], $0x2780, $0x38;
	[tilespmem:$0x1DB00] =	vst v63  }
0x31: {  	_ =	swait.ge [sflag:s28], $0x2780  }
0x32: {  	[sflag:s28] =	ssyncset.done $0x0  }
0x33: {  	s16 =	simm.s32 $0x16480;
	s10 =	rddreg [dreg:$0x6];
	[sflag:s28] =	ssyncadd.s32 $0xFFFFD880  }
0x34: {  	[tilespmem:s16], [sflag:$0xD] =	stream.linear.gather [hbm4b:s10+s4], $0x4F00, $0x38;
	[tilespmem:$0x1DB00] =	vst v63  }
0x35: {  	_ =	swait.ge [sflag:s28], $0x4F00  }
0x36: {  	[sflag:s28] =	ssyncset.done $0x0  }
0x37: {  	s13 =	simm.s32 $0x9E00;
	s12 =	rddreg [dreg:$0xb];
	[sflag:s28] =	ssyncadd.s32 $0xFFFFB100  }
0x38: {  	[tilespmem:s13], [sflag:$0x1] =	stream.linear.gather [hbm4b:s12+s4], $0x200, $0x38;
	[tilespmem:$0x1DB00] =	vst v63  }
0x39: {  	s16 =	simm.s32 $0xA600;
	s15 =	rddreg [dreg:$0xc]  }
0x3a: {  	[tilespmem:s16], [sflag:$0x1] =	stream.linear.gather [hbm4b:s15+s4], $0x200, $0x38;
	[tilespmem:$0x1DB00] =	vst v63  }
0x3b: {  	s19 =	sadd.s32 $0x40, s12;
	[bflag:$0x0] =	sbarrier.arrive $0xFFFF  }
0x3c: {  	s31 =	sadd.s32 $0x40, s15;
	[dreg:$0x1a] =	wrdreg s19  }
0x3d: {  	s1 =	sadd.s32 $0x80, s15;
	[dreg:$0x1b] =	wrdreg s31  }
0x3e: {  	s0 =	sadd.s32 $0x80, s12;
	[dreg:$0x1c] =	wrdreg s1  }
0x3f: {  	s16 =	simm.s32 $0x0;
	[dreg:$0x1d] =	wrdreg s0  }
.LBB2_2:
0x40: {  	s8 =	smov.u32 s14;
	s1 =	simm.s32 $0xA000;
	s6 =	rddreg [dreg:$0x1a]  }
0x41: {  	[tilespmem:s1], [sflag:$0x2] =	stream.linear.gather [hbm4b:s6+s4], $0x200, $0x38;
	[tilespmem:$0x1DB00] =	vst v63  }
0x42: {  	s10 =	simm.s32 $0xA800;
	s13 =	rddreg [dreg:$0x1b];
	s14 =	simm.s32 $0x1  }
0x43: {  	[tilespmem:s10], [sflag:$0x2] =	stream.linear.gather [hbm4b:s13+s4], $0x200, $0x38;
	[tilespmem:$0x1DB00] =	vst v63  }
0x44: {  	_ =	swait.ge [sflag:s14], $0x200  }
0x45: {  	[sflag:s14] =	ssyncset.done $0x0  }
0x46: {  	[sflag:s14] =	ssyncadd.s32 $0xFFFFFE00  }
0x47: {  	_ =	swait.ge [sflag:s14], $0x200  }
0x48: {  	[sflag:s14] =	ssyncset.done $0x0  }
0x49: {  	s15 =	simm.s32 $0x9E00;
	[sflag:s14] =	ssyncadd.s32 $0xFFFFFE00  }
0x4a: {  	[tilespmem:s21], [sflag:$0x5] =	stream.indirect.gather [spmem:s2], $0x20, s15, s11, $0xb8;
	[tilespmem:$0x1DB00] =	vst v63  }
0x4b: {  	s0 =	smov.u32 s17;
	s17 =	simm.s32 $0x9E80  }
0x4c: {  	[tilespmem:s22], [sflag:$0x6] =	stream.indirect.gather [spmem:s2], $0x20, s17, s11, $0xb8;
	[tilespmem:$0x1DB00] =	vst v63  }
0x4d: {  	s12 =	smov.u32 s18;
	s18 =	simm.s32 $0x9F00  }
0x4e: {  	[tilespmem:s24], [sflag:$0x7] =	stream.indirect.gather [spmem:s2], $0x20, s18, s11, $0xb8;
	[tilespmem:$0x1DB00] =	vst v63  }
0x4f: {  	s19 =	simm.s32 $0x9F80  }
0x50: {  	[tilespmem:s26], [sflag:$0x8] =	stream.indirect.gather [spmem:s2], $0x20, s19, s11, $0xb8;
	[tilespmem:$0x1DB00] =	vst v63  }
0x51: {  	_ =	swait.ge [sflag:s7], $0x1000  }
0x52: {  	[sflag:s7] =	ssyncset.done $0x0  }
0x53: {  	s6 =	simm.s32 $0xA600;
	[sflag:s7] =	ssyncadd.s32 $0xFFFFF000  }
0x54: {  	[spmem:s3] =	stream.indirect.scatter.add.f32 [tilespmem:s21], [sflag:$0x9], $0x20, s6, s11, $0xb8;
	[tilespmem:$0x1DB00] =	vst v63  }
0x55: {  	_ =	swait.ge [sflag:s20], $0x1000  }
0x56: {  	[sflag:s20] =	ssyncset.done $0x0  }
0x57: {  	s10 =	simm.s32 $0xA680;
	[sflag:s20] =	ssyncadd.s32 $0xFFFFF000  }
0x58: {  	[spmem:s3] =	stream.indirect.scatter.add.f32 [tilespmem:s22], [sflag:$0xA], $0x20, s10, s11, $0xb8;
	[tilespmem:$0x1DB00] =	vst v63  }
0x59: {  	_ =	swait.ge [sflag:s29], $0x1000  }
0x5a: {  	[sflag:s29] =	ssyncset.done $0x0  }
0x5b: {  	s13 =	simm.s32 $0xA700;
	s15 =	simm.s32 $0x2;
	[sflag:s29] =	ssyncadd.s32 $0xFFFFF000  }
0x5c: {  	[spmem:s3] =	stream.indirect.scatter.add.f32 [tilespmem:s24], [sflag:$0xB], $0x20, s13, s11, $0xb8;
	[tilespmem:$0x1DB00] =	vst v63  }
0x5d: {  	s1 =	sand.u32 $0x3, s15;
	_ =	swait.ge [sflag:s5], $0x1000  }
0x5e: {  	s14 =	simm.s32 $0xA780;
	s17 =	sshll.u32 s1, $0x9;
	[sflag:s5] =	ssyncset.done $0x0  }
0x5f: {  	s1 =	sadd.s32 $0x1, s1;
	s10 =	simm.s32 $0x1;
	[sflag:s5] =	ssyncadd.s32 $0xFFFFF000  }
0x60: {  	[spmem:s3] =	stream.indirect.scatter.add.f32 [tilespmem:s26], [sflag:$0xC], $0x20, s14, s11, $0xb8;
	[tilespmem:$0x1DB00] =	vst v63  }
0x61: {  	s15 =	sadd.s32 $0x9E00, s17;
	s10 =	sand.u32 $0x3, s10;
	s14 =	rddreg [dreg:$0x1d]  }
0x62: {  	[tilespmem:s15], [sflag:s1] =	stream.linear.gather [hbm4b:s14+s4], $0x200, $0x38;
	[tilespmem:$0x1DB00] =	vst v63  }
0x63: {  	s6 =	sadd.s32 $0xA600, s17;
	s18 =	sadd.s32 $0x1, s10;
	s13 =	rddreg [dreg:$0x1c]  }
0x64: {  	[tilespmem:s6], [sflag:s1] =	stream.linear.gather [hbm4b:s13+s4], $0x200, $0x38;
	[tilespmem:$0x1DB00] =	vst v63  }
0x65: {  	_ =	swait.ge [sflag:s18], $0x200  }
0x66: {  	[sflag:s18] =	ssyncset.done $0x0  }
0x67: {  	[sflag:s18] =	ssyncadd.s32 $0xFFFFFE00  }
0x68: {  	_ =	swait.ge [sflag:s18], $0x200  }
0x69: {  	[sflag:s18] =	ssyncset.done $0x0  }
0x6a: {  	[sflag:s18] =	ssyncadd.s32 $0xFFFFFE00  }
0x6b: {  	_ =	swait.ge [sflag:s25], $0x1000  }
0x6c: {  	s1 =	sshll.u32 s10, $0x9;
	[sflag:s25] =	ssyncset.done $0x0  }
0x6d: {  	s19 =	sadd.s32 $0x9E00, s1;
	[sflag:s25] =	ssyncadd.s32 $0xFFFFF000  }
0x6e: {  	[tilespmem:s21], [sflag:$0x5] =	stream.indirect.gather [spmem:s2], $0x20, s19, s11, $0xb8;
	[tilespmem:$0x1DB00] =	vst v63  }
0x6f: {  	_ =	swait.ge [sflag:s9], $0x1000  }
0x70: {  	[sflag:s9] =	ssyncset.done $0x0  }
0x71: {  	s10 =	sadd.s32 $0x9E80, s1;
	[sflag:s9] =	ssyncadd.s32 $0xFFFFF000  }
0x72: {  	[tilespmem:s22], [sflag:$0x6] =	stream.indirect.gather [spmem:s2], $0x20, s10, s11, $0xb8;
	[tilespmem:$0x1DB00] =	vst v63  }
0x73: {  	_ =	swait.ge [sflag:s30], $0x1000  }
0x74: {  	[sflag:s30] =	ssyncset.done $0x0  }
0x75: {  	s15 =	sadd.s32 $0x9F00, s1;
	[sflag:s30] =	ssyncadd.s32 $0xFFFFF000  }
0x76: {  	[tilespmem:s24], [sflag:$0x7] =	stream.indirect.gather [spmem:s2], $0x20, s15, s11, $0xb8;
	[tilespmem:$0x1DB00] =	vst v63  }
0x77: {  	_ =	swait.ge [sflag:s23], $0x1000  }
0x78: {  	[sflag:s23] =	ssyncset.done $0x0  }
0x79: {  	s17 =	sadd.s32 $0x9F80, s1;
	[sflag:s23] =	ssyncadd.s32 $0xFFFFF000  }
0x7a: {  	[tilespmem:s26], [sflag:$0x8] =	stream.indirect.gather [spmem:s2], $0x20, s17, s11, $0xb8;
	[tilespmem:$0x1DB00] =	vst v63  }
0x7b: {  	_ =	swait.ge [sflag:s7], $0x1000  }
0x7c: {  	[sflag:s7] =	ssyncset.done $0x0  }
0x7d: {  	s18 =	sadd.s32 $0xA600, s1;
	[sflag:s7] =	ssyncadd.s32 $0xFFFFF000  }
0x7e: {  	[spmem:s3] =	stream.indirect.scatter.add.f32 [tilespmem:s21], [sflag:$0x9], $0x20, s18, s11, $0xb8;
	[tilespmem:$0x1DB00] =	vst v63  }
0x7f: {  	_ =	swait.ge [sflag:s20], $0x1000  }
0x80: {  	[sflag:s20] =	ssyncset.done $0x0  }
0x81: {  	s19 =	sadd.s32 $0xA680, s1;
	[sflag:s20] =	ssyncadd.s32 $0xFFFFF000  }
0x82: {  	[spmem:s3] =	stream.indirect.scatter.add.f32 [tilespmem:s22], [sflag:$0xA], $0x20, s19, s11, $0xb8;
	[tilespmem:$0x1DB00] =	vst v63  }
0x83: {  	_ =	swait.ge [sflag:s29], $0x1000  }
0x84: {  	s10 =	sadd.s32 $0xA700, s1;
	s15 =	simm.s32 $0x3;
	[sflag:s29] =	ssyncset.done $0x0  }
0x85: {  	s1 =	sadd.s32 $0xA780, s1;
	s6 =	sand.u32 $0x3, s15;
	[sflag:s29] =	ssyncadd.s32 $0xFFFFF000  }
0x86: {  	[spmem:s3] =	stream.indirect.scatter.add.f32 [tilespmem:s24], [sflag:$0xB], $0x20, s10, s11, $0xb8;
	[tilespmem:$0x1DB00] =	vst v63  }
0x87: {  	s31 =	sshll.u32 s6, $0x9;
	s18 =	sadd.s32 $0x40, s13;
	_ =	swait.ge [sflag:s5], $0x1000  }
0x88: {  	s19 =	simm.s32 $0x4;
	s10 =	sadd.s32 $0x40, s14;
	[sflag:s5] =	ssyncset.done $0x0  }
.LBB2_3:
0x89: {  	s13 =	sand.u32 $0x3, s19  }
0x8a: {  	[sflag:s5] =	ssyncadd.s32 $0xFFFFF000;
	s14 =	smov.u32 s19;
	s17 =	sadd.s32 $0x1, s19  }
0x8b: {  	[spmem:s3] =	stream.indirect.scatter.add.f32 [tilespmem:s26], [sflag:$0xC], $0x20, s1, s11, $0xb8;
	[tilespmem:$0x1DB00] =	vst v63  }
0x8c: {  	s6 =	sadd.s32 $0x1, s6;
	s1 =	sadd.s32 $0xFFFFFFFF, s15;
	s15 =	sadd.s32 $0x9E00, s31  }
0x8d: {  	[tilespmem:s15], [sflag:s6] =	stream.linear.gather [hbm4b:s10+s4], $0x200, $0x38;
	[tilespmem:$0x1DB00] =	vst v63  }
0x8e: {  	p0 =	sne.s32 s19, $0x27;
	s1 =	sand.u32 $0x3, s1;
	s15 =	sadd.s32 $0xA600, s31  }
0x8f: {  	[tilespmem:s15], [sflag:s6] =	stream.linear.gather [hbm4b:s18+s4], $0x200, $0x38;
	[tilespmem:$0x1DB00] =	vst v63  }
0x90: {  	s31 =	sadd.s32 $0x1, s1;
	s19 =	sshll.u32 s1, $0x9;
	s6 =	smov.u32 s13  }
0x91: {  	s15 =	smov.u32 s14;
	_ =	swait.ge [sflag:s31], $0x200  }
0x92: {  	[sflag:s31] =	ssyncset.done $0x0  }
0x93: {  	[sflag:s31] =	ssyncadd.s32 $0xFFFFFE00  }
0x94: {  	_ =	swait.ge [sflag:s31], $0x200  }
0x95: {  	[sflag:s31] =	ssyncset.done $0x0  }
0x96: {  	[sflag:s31] =	ssyncadd.s32 $0xFFFFFE00  }
0x97: {  	_ =	swait.ge [sflag:s25], $0x1000  }
0x98: {  	s1 =	sadd.s32 $0x9E00, s19;
	[sflag:s25] =	ssyncset.done $0x0  }
0x99: {  	[sflag:s25] =	ssyncadd.s32 $0xFFFFF000  }
0x9a: {  	[tilespmem:s21], [sflag:$0x5] =	stream.indirect.gather [spmem:s2], $0x20, s1, s11, $0xb8;
	[tilespmem:$0x1DB00] =	vst v63  }
0x9b: {  	_ =	swait.ge [sflag:s9], $0x1000  }
0x9c: {  	s1 =	sadd.s32 $0x9E80, s19;
	[sflag:s9] =	ssyncset.done $0x0  }
0x9d: {  	[sflag:s9] =	ssyncadd.s32 $0xFFFFF000  }
0x9e: {  	[tilespmem:s22], [sflag:$0x6] =	stream.indirect.gather [spmem:s2], $0x20, s1, s11, $0xb8;
	[tilespmem:$0x1DB00] =	vst v63  }
0x9f: {  	_ =	swait.ge [sflag:s30], $0x1000  }
0xa0: {  	s1 =	sadd.s32 $0x9F00, s19;
	[sflag:s30] =	ssyncset.done $0x0  }
0xa1: {  	[sflag:s30] =	ssyncadd.s32 $0xFFFFF000  }
0xa2: {  	[tilespmem:s24], [sflag:$0x7] =	stream.indirect.gather [spmem:s2], $0x20, s1, s11, $0xb8;
	[tilespmem:$0x1DB00] =	vst v63  }
0xa3: {  	_ =	swait.ge [sflag:s23], $0x1000  }
0xa4: {  	s1 =	sadd.s32 $0x9F80, s19;
	[sflag:s23] =	ssyncset.done $0x0  }
0xa5: {  	[sflag:s23] =	ssyncadd.s32 $0xFFFFF000  }
0xa6: {  	[tilespmem:s26], [sflag:$0x8] =	stream.indirect.gather [spmem:s2], $0x20, s1, s11, $0xb8;
	[tilespmem:$0x1DB00] =	vst v63  }
0xa7: {  	_ =	swait.ge [sflag:s7], $0x1000  }
0xa8: {  	s1 =	sadd.s32 $0xA600, s19;
	[sflag:s7] =	ssyncset.done $0x0  }
0xa9: {  	[sflag:s7] =	ssyncadd.s32 $0xFFFFF000  }
0xaa: {  	[spmem:s3] =	stream.indirect.scatter.add.f32 [tilespmem:s21], [sflag:$0x9], $0x20, s1, s11, $0xb8;
	[tilespmem:$0x1DB00] =	vst v63  }
0xab: {  	_ =	swait.ge [sflag:s20], $0x1000  }
0xac: {  	s1 =	sadd.s32 $0xA680, s19;
	[sflag:s20] =	ssyncset.done $0x0  }
0xad: {  	[sflag:s20] =	ssyncadd.s32 $0xFFFFF000  }
0xae: {  	[spmem:s3] =	stream.indirect.scatter.add.f32 [tilespmem:s22], [sflag:$0xA], $0x20, s1, s11, $0xb8;
	[tilespmem:$0x1DB00] =	vst v63  }
0xaf: {  	_ =	swait.ge [sflag:s29], $0x1000  }
.Ltmp0:
0xb0: {  	s1 =	sadd.s32 $0xA700, s19;
	[sflag:s29] =	ssyncset.done $0x0;
	(pc) =	sbr.rel @p0 .LBB2_3-.Ltmp0, $4  }
0xb1: {  	s10 =	sadd.s32 $0x40, s10;
	[sflag:s29] =	ssyncadd.s32 $0xFFFFF000  }
0xb2: {  	[spmem:s3] =	stream.indirect.scatter.add.f32 [tilespmem:s24], [sflag:$0xB], $0x20, s1, s11, $0xb8;
	[tilespmem:$0x1DB00] =	vst v63  }
0xb3: {  	s18 =	sadd.s32 $0x40, s18;
	s31 =	sshll.u32 s6, $0x9;
	_ =	swait.ge [sflag:s5], $0x1000  }
0xb4: {  	s1 =	sadd.s32 $0xA780, s19;
	s19 =	smov.u32 s17;
	[sflag:s5] =	ssyncset.done $0x0  }
0xb5: {  	[sflag:s5] =	ssyncadd.s32 $0xFFFFF000  }
0xb6: {  	[spmem:s3] =	stream.indirect.scatter.add.f32 [tilespmem:s26], [sflag:$0xC], $0x20, s1, s11, $0xb8;
	[tilespmem:$0x1DB00] =	vst v63  }
0xb7: {  	s13 =	sadd.s32 $0x1, s6;
	s14 =	sadd.s32 $0x9E00, s31  }
0xb8: {  	[tilespmem:s14], [sflag:s13] =	stream.linear.gather [hbm4b:s10+s4], $0x200, $0x38;
	[tilespmem:$0x1DB00] =	vst v63  }
0xb9: {  	s17 =	sadd.s32 $0xA600, s31  }
0xba: {  	[tilespmem:s17], [sflag:s13] =	stream.linear.gather [hbm4b:s18+s4], $0x200, $0x38;
	[tilespmem:$0x1DB00] =	vst v63  }
0xbb: {  	s18 =	sadd.s32 $0xFFFFFFFF, s15  }
0xbc: {  	s1 =	sand.u32 $0x3, s18  }
0xbd: {  	s19 =	sadd.s32 $0x1, s1  }
0xbe: {  	_ =	swait.ge [sflag:s19], $0x200  }
0xbf: {  	[sflag:s19] =	ssyncset.done $0x0  }
0xc0: {  	[sflag:s19] =	ssyncadd.s32 $0xFFFFFE00  }
0xc1: {  	_ =	swait.ge [sflag:s19], $0x200  }
0xc2: {  	[sflag:s19] =	ssyncset.done $0x0  }
0xc3: {  	[sflag:s19] =	ssyncadd.s32 $0xFFFFFE00  }
0xc4: {  	_ =	swait.ge [sflag:s25], $0x1000  }
0xc5: {  	s1 =	sshll.u32 s1, $0x9;
	[sflag:s25] =	ssyncset.done $0x0  }
0xc6: {  	s31 =	sadd.s32 $0x9E00, s1;
	[sflag:s25] =	ssyncadd.s32 $0xFFFFF000  }
0xc7: {  	[tilespmem:s21], [sflag:$0x5] =	stream.indirect.gather [spmem:s2], $0x20, s31, s11, $0xb8;
	[tilespmem:$0x1DB00] =	vst v63  }
0xc8: {  	_ =	swait.ge [sflag:s9], $0x1000  }
0xc9: {  	[sflag:s9] =	ssyncset.done $0x0  }
0xca: {  	s10 =	sadd.s32 $0x9E80, s1;
	[sflag:s9] =	ssyncadd.s32 $0xFFFFF000  }
0xcb: {  	[tilespmem:s22], [sflag:$0x6] =	stream.indirect.gather [spmem:s2], $0x20, s10, s11, $0xb8;
	[tilespmem:$0x1DB00] =	vst v63  }
0xcc: {  	_ =	swait.ge [sflag:s30], $0x1000  }
0xcd: {  	[sflag:s30] =	ssyncset.done $0x0  }
0xce: {  	s13 =	sadd.s32 $0x9F00, s1;
	[sflag:s30] =	ssyncadd.s32 $0xFFFFF000  }
0xcf: {  	[tilespmem:s24], [sflag:$0x7] =	stream.indirect.gather [spmem:s2], $0x20, s13, s11, $0xb8;
	[tilespmem:$0x1DB00] =	vst v63  }
0xd0: {  	_ =	swait.ge [sflag:s23], $0x1000  }
0xd1: {  	[sflag:s23] =	ssyncset.done $0x0  }
0xd2: {  	s14 =	sadd.s32 $0x9F80, s1;
	[sflag:s23] =	ssyncadd.s32 $0xFFFFF000  }
0xd3: {  	[tilespmem:s26], [sflag:$0x8] =	stream.indirect.gather [spmem:s2], $0x20, s14, s11, $0xb8;
	[tilespmem:$0x1DB00] =	vst v63  }
0xd4: {  	_ =	swait.ge [sflag:s7], $0x1000  }
0xd5: {  	[sflag:s7] =	ssyncset.done $0x0  }
0xd6: {  	s15 =	sadd.s32 $0xA600, s1;
	[sflag:s7] =	ssyncadd.s32 $0xFFFFF000  }
0xd7: {  	[spmem:s3] =	stream.indirect.scatter.add.f32 [tilespmem:s21], [sflag:$0x9], $0x20, s15, s11, $0xb8;
	[tilespmem:$0x1DB00] =	vst v63  }
0xd8: {  	_ =	swait.ge [sflag:s20], $0x1000  }
0xd9: {  	[sflag:s20] =	ssyncset.done $0x0  }
0xda: {  	s17 =	sadd.s32 $0xA680, s1;
	[sflag:s20] =	ssyncadd.s32 $0xFFFFF000  }
0xdb: {  	[spmem:s3] =	stream.indirect.scatter.add.f32 [tilespmem:s22], [sflag:$0xA], $0x20, s17, s11, $0xb8;
	[tilespmem:$0x1DB00] =	vst v63  }
0xdc: {  	_ =	swait.ge [sflag:s29], $0x1000  }
0xdd: {  	[sflag:s29] =	ssyncset.done $0x0  }
0xde: {  	s18 =	sadd.s32 $0xA700, s1;
	[sflag:s29] =	ssyncadd.s32 $0xFFFFF000  }
0xdf: {  	[spmem:s3] =	stream.indirect.scatter.add.f32 [tilespmem:s24], [sflag:$0xB], $0x20, s18, s11, $0xb8;
	[tilespmem:$0x1DB00] =	vst v63  }
0xe0: {  	_ =	swait.ge [sflag:s5], $0x1000  }
0xe1: {  	[sflag:s5] =	ssyncset.done $0x0  }
0xe2: {  	s1 =	sadd.s32 $0xA780, s1;
	s19 =	simm.s32 $0x4;
	[sflag:s5] =	ssyncadd.s32 $0xFFFFF000  }
0xe3: {  	[spmem:s3] =	stream.indirect.scatter.add.f32 [tilespmem:s26], [sflag:$0xC], $0x20, s1, s11, $0xb8;
	[tilespmem:$0x1DB00] =	vst v63  }
0xe4: {  	_ =	swait.ge [sflag:s19], $0x200  }
0xe5: {  	[sflag:s19] =	ssyncset.done $0x0  }
0xe6: {  	[sflag:s19] =	ssyncadd.s32 $0xFFFFFE00  }
0xe7: {  	_ =	swait.ge [sflag:s19], $0x200  }
0xe8: {  	[sflag:s19] =	ssyncset.done $0x0  }
0xe9: {  	[sflag:s19] =	ssyncadd.s32 $0xFFFFFE00  }
0xea: {  	_ =	swait.ge [sflag:s25], $0x1000  }
0xeb: {  	[sflag:s25] =	ssyncset.done $0x0  }
0xec: {  	s31 =	simm.s32 $0xA400;
	[sflag:s25] =	ssyncadd.s32 $0xFFFFF000  }
0xed: {  	[tilespmem:s21], [sflag:$0x5] =	stream.indirect.gather [spmem:s2], $0x20, s31, s11, $0xb8;
	[tilespmem:$0x1DB00] =	vst v63  }
0xee: {  	_ =	swait.ge [sflag:s9], $0x1000  }
0xef: {  	[sflag:s9] =	ssyncset.done $0x0  }
0xf0: {  	s6 =	simm.s32 $0xA480;
	[sflag:s9] =	ssyncadd.s32 $0xFFFFF000  }
0xf1: {  	[tilespmem:s22], [sflag:$0x6] =	stream.indirect.gather [spmem:s2], $0x20, s6, s11, $0xb8;
	[tilespmem:$0x1DB00] =	vst v63  }
0xf2: {  	_ =	swait.ge [sflag:s30], $0x1000  }
0xf3: {  	[sflag:s30] =	ssyncset.done $0x0  }
0xf4: {  	s10 =	simm.s32 $0xA500;
	[sflag:s30] =	ssyncadd.s32 $0xFFFFF000  }
0xf5: {  	[tilespmem:s24], [sflag:$0x7] =	stream.indirect.gather [spmem:s2], $0x20, s10, s11, $0xb8;
	[tilespmem:$0x1DB00] =	vst v63  }
0xf6: {  	_ =	swait.ge [sflag:s23], $0x1000  }
0xf7: {  	[sflag:s23] =	ssyncset.done $0x0  }
0xf8: {  	s13 =	simm.s32 $0xA580;
	[sflag:s23] =	ssyncadd.s32 $0xFFFFF000  }
0xf9: {  	[tilespmem:s26], [sflag:$0x8] =	stream.indirect.gather [spmem:s2], $0x20, s13, s11, $0xb8;
	[tilespmem:$0x1DB00] =	vst v63  }
0xfa: {  	_ =	swait.ge [sflag:s7], $0x1000  }
0xfb: {  	[sflag:s7] =	ssyncset.done $0x0  }
0xfc: {  	s14 =	simm.s32 $0xAC00;
	[sflag:s7] =	ssyncadd.s32 $0xFFFFF000  }
0xfd: {  	[spmem:s3] =	stream.indirect.scatter.add.f32 [tilespmem:s21], [sflag:$0x9], $0x20, s14, s11, $0xb8;
	[tilespmem:$0x1DB00] =	vst v63  }
0xfe: {  	_ =	swait.ge [sflag:s20], $0x1000  }
0xff: {  	[sflag:s20] =	ssyncset.done $0x0  }
0x100: {  	s15 =	simm.s32 $0xAC80;
	[sflag:s20] =	ssyncadd.s32 $0xFFFFF000  }
0x101: {  	[spmem:s3] =	stream.indirect.scatter.add.f32 [tilespmem:s22], [sflag:$0xA], $0x20, s15, s11, $0xb8;
	[tilespmem:$0x1DB00] =	vst v63  }
0x102: {  	_ =	swait.ge [sflag:s29], $0x1000  }
0x103: {  	[sflag:s29] =	ssyncset.done $0x0  }
0x104: {  	s17 =	simm.s32 $0xAD00;
	[sflag:s29] =	ssyncadd.s32 $0xFFFFF000  }
0x105: {  	[spmem:s3] =	stream.indirect.scatter.add.f32 [tilespmem:s24], [sflag:$0xB], $0x20, s17, s11, $0xb8;
	[tilespmem:$0x1DB00] =	vst v63  }
0x106: {  	_ =	swait.ge [sflag:s5], $0x1000  }
0x107: {  	[sflag:s5] =	ssyncset.done $0x0  }
0x108: {  	s18 =	simm.s32 $0xAD80;
	[sflag:s5] =	ssyncadd.s32 $0xFFFFF000  }
0x109: {  	[spmem:s3] =	stream.indirect.scatter.add.f32 [tilespmem:s26], [sflag:$0xC], $0x20, s18, s11, $0xb8;
	[tilespmem:$0x1DB00] =	vst v63  }
0x10a: {  	_ =	swait.ge [sflag:s25], $0x1000  }
0x10b: {  	[sflag:s25] =	ssyncset.done $0x0  }
0x10c: {  	[sflag:s25] =	ssyncadd.s32 $0xFFFFF000  }
0x10d: {  	_ =	swait.ge [sflag:s9], $0x1000  }
0x10e: {  	[sflag:s9] =	ssyncset.done $0x0  }
0x10f: {  	[sflag:s9] =	ssyncadd.s32 $0xFFFFF000  }
0x110: {  	_ =	swait.ge [sflag:s30], $0x1000  }
0x111: {  	[sflag:s30] =	ssyncset.done $0x0  }
0x112: {  	[sflag:s30] =	ssyncadd.s32 $0xFFFFF000  }
0x113: {  	p0 =	seq.s32 s16, $0x9;
	_ =	swait.ge [sflag:s23], $0x1000  }
0x114: {  	s1 =	simm.s32 @!p0 $0x0;
	[sflag:s23] =	ssyncset.done $0x0  }
0x115: {  	s6 =	simm.s32 @!p0 $0x9E00;
	s10 =	rddreg [dreg:$0xb];
	[sflag:s23] =	ssyncadd.s32 $0xFFFFF000  }
0x116: {  	[tilespmem:s6], [sflag:$0x1] =	stream.linear.gather @!p0 [hbm4b:s10+s1], $0x200, $0x38;
	[tilespmem:$0x1DB00] =	vst v63  }
0x117: {  	s6 =	simm.s32 @!p0 $0xA600;
	s10 =	rddreg [dreg:$0xc]  }
0x118: {  	[tilespmem:s6], [sflag:$0x1] =	stream.linear.gather @!p0 [hbm4b:s10+s1], $0x200, $0x38;
	[tilespmem:$0x1DB00] =	vst v63  }
0x119: {  	s19 =	simm.s32 $0x1B380;
	s17 =	smov.u32 s0;
	[bflag:$0x0] =	sbarrier.arrive $0xFFFF  }
0x11a: {  	[tilespmem:s19], [sflag:$0xD] =	stream.linear.gather [spmem:s17], $0x13C0, $0x38;
	[tilespmem:$0x1DB00] =	vst v63  }
0x11b: {  	_ =	swait.ge [sflag:s28], $0x13C0  }
0x11c: {  	[sflag:s28] =	ssyncset.done $0x0  }
0x11d: {  	s31 =	simm.s32 $0x1C740;
	[sflag:s28] =	ssyncadd.s32 $0xFFFFEC40  }
0x11e: {  	[tilespmem:s31], [sflag:$0xD] =	stream.linear.gather [spmem:s8], $0x13C0, $0x38;
	[tilespmem:$0x1DB00] =	vst v63  }
0x11f: {  	_ =	swait.ge [sflag:s28], $0x13C0  }
0x120: {  	[sflag:s28] =	ssyncset.done $0x0  }
0x121: {  	s6 =	simm.s32 $0x0;
	[sflag:s28] =	ssyncadd.s32 $0xFFFFEC40  }
0x122: {  	v3 =	vld [tilespmem:s6+$0x1B380]  }
0x123: {  	v1 =	vld [tilespmem:s6+$0x1B390]  }
0x124: {  	s10 =	simm.s32 $0x13D00;
	v2 =	vld [tilespmem:s6+$0x1C750]  }
0x125: {  	v0 =	vld.msk [tilespmem:s10+$0x0 ss:$0x0], $0xffff  }
0x126: {  	v4 =	vld [tilespmem:s6+$0x1C740];
	_ =	sdelay $0x2  }
0x127: {  	v5 =	vadd.f32 v2, v1;
	v1 =	vld [tilespmem:s6+$0xEE10]  }
0x128: {  	s16 =	sadd.s32 $0x1, s16;
	v2 =	vld [tilespmem:s6+$0xEE00]  }
0x129: {  	s14 =	smov.u32 s8;
	s15 =	simm.s32 $0x80;
	s19 =	rddreg [dreg:$0xe];
	v4 =	vadd.f32 v4, v3;
	v3 =	vmul.f32 v5, v0  }
.LBB2_5:
0x12a: {  	p0 =	sne.s32 s15, $0x4E80  }
0x12b: {  	v0 =	vmul.f32 v4, v0;
	s10 =	sadd.s32 $0x10, s10;
	s1 =	smov.u32 s15;
	s15 =	sadd.s32 $0x80, s15  }
0x12c: {  	s1 =	sshra.s32 s1, $0x2;
	v1 =	vadd.f32 v3, v1  }
0x12d: {  	v3 =	vld [tilespmem:s1+$0x1B380];
	v0 =	vadd.f32 v0, v2  }
0x12e: {  	v4 =	vld [tilespmem:s1+$0x1B390];
	[tilespmem:s6+$0x1C750] =	vst v1  }
0x12f: {  	v5 =	vld [tilespmem:s1+$0x1C750];
	[tilespmem:s6+$0x1C740] =	vst v0;
	s6 =	smov.u32 s1  }
0x130: {  	v0 =	vld.msk [tilespmem:s10+$0x0 ss:$0x0], $0xffff  }
0x131: {  	v6 =	vld [tilespmem:s6+$0x1C740];
	_ =	sdelay $0x1  }
.Ltmp1:
0x132: {  	(pc) =	sbr.rel @p0 .LBB2_5-.Ltmp1, $4  }
0x133: {  	v1 =	vld [tilespmem:s6+$0xEE10]  }
0x134: {  	v5 =	vadd.f32 v5, v4;
	v2 =	vld [tilespmem:s6+$0xEE00]  }
0x135: {  	v4 =	vadd.f32 v6, v3  }
0x136: {  	v3 =	vmul.f32 v5, v0  }
0x137: {  	v0 =	vmul.f32 v4, v0  }
0x138: {  	v1 =	vadd.f32 v3, v1  }
0x139: {  	v0 =	vadd.f32 v0, v2  }
0x13a: {  	[tilespmem:s6+$0x1C750] =	vst v1  }
0x13b: {  	s1 =	simm.s32 $0x1C740;
	[tilespmem:s6+$0x1C740] =	vst v0  }
0x13c: {  	[spmem:s14] =	stream.linear.scatter [tilespmem:s1], [sflag:$0xD], $0x13C0, $0x38;
	[tilespmem:$0x1DB00] =	vst v63  }
0x13d: {  	_ =	swait.ge [sflag:s28], $0x13C0  }
0x13e: {  	[sflag:s28] =	ssyncset.done $0x0  }
0x13f: {  	s8 =	simm.s32 $0x16480;
	[sflag:s28] =	ssyncadd.s32 $0xFFFFEC40  }
0x140: {  	[spmem:s17] =	stream.linear.scatter [tilespmem:s8], [sflag:$0xD], $0x13C0, $0x38;
	[tilespmem:$0x1DB00] =	vst v63  }
0x141: {  	_ =	swait.ge [sflag:s28], $0x13C0  }
0x142: {  	[sflag:s28] =	ssyncset.done $0x0  }
0x143: {  	s0 =	simm.s32 $0x1B380;
	[sflag:s28] =	ssyncadd.s32 $0xFFFFEC40  }
0x144: {  	[tilespmem:s0], [sflag:$0xD] =	stream.linear.gather [spmem:s12], $0x13C0, $0x38;
	[tilespmem:$0x1DB00] =	vst v63  }
0x145: {  	_ =	swait.ge [sflag:s28], $0x13C0  }
0x146: {  	[sflag:s28] =	ssyncset.done $0x0  }
0x147: {  	s18 =	smov.u32 s12;
	s12 =	rddreg [dreg:$0xd];
	[sflag:s28] =	ssyncadd.s32 $0xFFFFEC40  }
0x148: {  	[tilespmem:s1], [sflag:$0xD] =	stream.linear.gather [spmem:s12], $0x13C0, $0x38;
	[tilespmem:$0x1DB00] =	vst v63  }
0x149: {  	_ =	swait.ge [sflag:s28], $0x13C0  }
0x14a: {  	[sflag:s28] =	ssyncset.done $0x0  }
0x14b: {  	s6 =	simm.s32 $0x0;
	[sflag:s28] =	ssyncadd.s32 $0xFFFFEC40  }
0x14c: {  	v3 =	vld [tilespmem:s6+$0x1B380]  }
0x14d: {  	v1 =	vld [tilespmem:s6+$0x1B390]  }
0x14e: {  	s10 =	simm.s32 $0x146E0;
	v2 =	vld [tilespmem:s6+$0x1C750]  }
0x14f: {  	v0 =	vld.msk [tilespmem:s10+$0x0 ss:$0x0], $0xffff  }
0x150: {  	v4 =	vld [tilespmem:s6+$0x1C740];
	_ =	sdelay $0x2  }
0x151: {  	v5 =	vadd.f32 v2, v1;
	v1 =	vld [tilespmem:s6+$0x101D0]  }
0x152: {  	s31 =	rddreg [dreg:$0xf];
	v2 =	vld [tilespmem:s6+$0x101C0]  }
0x153: {  	s15 =	simm.s32 $0x80;
	s13 =	rddreg [dreg:$0x11];
	v4 =	vadd.f32 v4, v3;
	v3 =	vmul.f32 v5, v0  }
.LBB2_7:
0x154: {  	p0 =	sne.s32 s15, $0x4E80  }
0x155: {  	v0 =	vmul.f32 v4, v0;
	s10 =	sadd.s32 $0x10, s10;
	s1 =	smov.u32 s15;
	s15 =	sadd.s32 $0x80, s15  }
0x156: {  	s1 =	sshra.s32 s1, $0x2;
	v1 =	vadd.f32 v3, v1  }
0x157: {  	v3 =	vld [tilespmem:s1+$0x1B380];
	v0 =	vadd.f32 v0, v2  }
0x158: {  	v4 =	vld [tilespmem:s1+$0x1B390];
	[tilespmem:s6+$0x1C750] =	vst v1  }
0x159: {  	v5 =	vld [tilespmem:s1+$0x1C750];
	[tilespmem:s6+$0x1C740] =	vst v0;
	s6 =	smov.u32 s1  }
0x15a: {  	v0 =	vld.msk [tilespmem:s10+$0x0 ss:$0x0], $0xffff  }
0x15b: {  	v6 =	vld [tilespmem:s6+$0x1C740];
	_ =	sdelay $0x1  }
.Ltmp2:
0x15c: {  	(pc) =	sbr.rel @p0 .LBB2_7-.Ltmp2, $4  }
0x15d: {  	v1 =	vld [tilespmem:s6+$0x101D0]  }
0x15e: {  	v5 =	vadd.f32 v5, v4;
	v2 =	vld [tilespmem:s6+$0x101C0]  }
0x15f: {  	v4 =	vadd.f32 v6, v3  }
0x160: {  	v3 =	vmul.f32 v5, v0  }
0x161: {  	v0 =	vmul.f32 v4, v0  }
0x162: {  	v1 =	vadd.f32 v3, v1  }
0x163: {  	v0 =	vadd.f32 v0, v2  }
0x164: {  	[tilespmem:s6+$0x1C750] =	vst v1  }
0x165: {  	s1 =	simm.s32 $0x1C740;
	[tilespmem:s6+$0x1C740] =	vst v0  }
0x166: {  	[spmem:s12] =	stream.linear.scatter [tilespmem:s1], [sflag:$0xD], $0x13C0, $0x38;
	[tilespmem:$0x1DB00] =	vst v63  }
0x167: {  	_ =	swait.ge [sflag:s28], $0x13C0  }
0x168: {  	[sflag:s28] =	ssyncset.done $0x0  }
0x169: {  	[sflag:s28] =	ssyncadd.s32 $0xFFFFEC40  }
0x16a: {  	[spmem:s18] =	stream.linear.scatter [tilespmem:s8], [sflag:$0xD], $0x13C0, $0x38;
	[tilespmem:$0x1DB00] =	vst v63  }
0x16b: {  	_ =	swait.ge [sflag:s28], $0x13C0  }
0x16c: {  	[sflag:s28] =	ssyncset.done $0x0  }
0x16d: {  	s0 =	simm.s32 $0x1B380;
	[sflag:s28] =	ssyncadd.s32 $0xFFFFEC40  }
0x16e: {  	[tilespmem:s0], [sflag:$0xD] =	stream.linear.gather [spmem:s19], $0x13C0, $0x38;
	[tilespmem:$0x1DB00] =	vst v63  }
0x16f: {  	_ =	swait.ge [sflag:s28], $0x13C0  }
0x170: {  	[sflag:s28] =	ssyncset.done $0x0  }
0x171: {  	[sflag:s28] =	ssyncadd.s32 $0xFFFFEC40  }
0x172: {  	[tilespmem:s1], [sflag:$0xD] =	stream.linear.gather [spmem:s31], $0x13C0, $0x38;
	[tilespmem:$0x1DB00] =	vst v63  }
0x173: {  	_ =	swait.ge [sflag:s28], $0x13C0  }
0x174: {  	[sflag:s28] =	ssyncset.done $0x0  }
0x175: {  	s6 =	simm.s32 $0x0;
	[sflag:s28] =	ssyncadd.s32 $0xFFFFEC40  }
0x176: {  	v3 =	vld [tilespmem:s6+$0x1B380]  }
0x177: {  	v1 =	vld [tilespmem:s6+$0x1B390]  }
0x178: {  	s10 =	simm.s32 $0x150C0;
	v2 =	vld [tilespmem:s6+$0x1C750]  }
0x179: {  	v0 =	vld.msk [tilespmem:s10+$0x0 ss:$0x0], $0xffff  }
0x17a: {  	v4 =	vld [tilespmem:s6+$0x1C740];
	_ =	sdelay $0x2  }
0x17b: {  	v5 =	vadd.f32 v2, v1;
	v1 =	vld [tilespmem:s6+$0x11590]  }
0x17c: {  	v2 =	vld [tilespmem:s6+$0x11580]  }
0x17d: {  	s15 =	simm.s32 $0x80;
	v4 =	vadd.f32 v4, v3;
	v3 =	vmul.f32 v5, v0  }
.LBB2_9:
0x17e: {  	p0 =	sne.s32 s15, $0x4E80  }
0x17f: {  	v0 =	vmul.f32 v4, v0;
	s10 =	sadd.s32 $0x10, s10;
	s1 =	smov.u32 s15;
	s15 =	sadd.s32 $0x80, s15  }
0x180: {  	s1 =	sshra.s32 s1, $0x2;
	v1 =	vadd.f32 v3, v1  }
0x181: {  	v3 =	vld [tilespmem:s1+$0x1B380];
	v0 =	vadd.f32 v0, v2  }
0x182: {  	v4 =	vld [tilespmem:s1+$0x1B390];
	[tilespmem:s6+$0x1C750] =	vst v1  }
0x183: {  	v5 =	vld [tilespmem:s1+$0x1C750];
	[tilespmem:s6+$0x1C740] =	vst v0;
	s6 =	smov.u32 s1  }
0x184: {  	v0 =	vld.msk [tilespmem:s10+$0x0 ss:$0x0], $0xffff  }
0x185: {  	v6 =	vld [tilespmem:s6+$0x1C740];
	_ =	sdelay $0x1  }
.Ltmp3:
0x186: {  	(pc) =	sbr.rel @p0 .LBB2_9-.Ltmp3, $4  }
0x187: {  	v1 =	vld [tilespmem:s6+$0x11590]  }
0x188: {  	v5 =	vadd.f32 v5, v4;
	v2 =	vld [tilespmem:s6+$0x11580]  }
0x189: {  	v4 =	vadd.f32 v6, v3  }
0x18a: {  	v3 =	vmul.f32 v5, v0  }
0x18b: {  	v0 =	vmul.f32 v4, v0  }
0x18c: {  	v1 =	vadd.f32 v3, v1  }
0x18d: {  	v0 =	vadd.f32 v0, v2  }
0x18e: {  	[tilespmem:s6+$0x1C750] =	vst v1  }
0x18f: {  	s15 =	simm.s32 $0x1C740;
	[tilespmem:s6+$0x1C740] =	vst v0  }
0x190: {  	[spmem:s31] =	stream.linear.scatter [tilespmem:s15], [sflag:$0xD], $0x13C0, $0x38;
	[tilespmem:$0x1DB00] =	vst v63  }
0x191: {  	_ =	swait.ge [sflag:s28], $0x13C0  }
0x192: {  	[sflag:s28] =	ssyncset.done $0x0  }
0x193: {  	[sflag:s28] =	ssyncadd.s32 $0xFFFFEC40  }
0x194: {  	[spmem:s19] =	stream.linear.scatter [tilespmem:s8], [sflag:$0xD], $0x13C0, $0x38;
	[tilespmem:$0x1DB00] =	vst v63  }
0x195: {  	_ =	swait.ge [sflag:s28], $0x13C0  }
0x196: {  	[sflag:s28] =	ssyncset.done $0x0  }
0x197: {  	s1 =	simm.s32 $0x1B380;
	s0 =	rddreg [dreg:$0x10];
	[sflag:s28] =	ssyncadd.s32 $0xFFFFEC40  }
0x198: {  	[tilespmem:s1], [sflag:$0xD] =	stream.linear.gather [spmem:s0], $0x13C0, $0x38;
	[tilespmem:$0x1DB00] =	vst v63  }
0x199: {  	_ =	swait.ge [sflag:s28], $0x13C0  }
0x19a: {  	[sflag:s28] =	ssyncset.done $0x0  }
0x19b: {  	[sflag:s28] =	ssyncadd.s32 $0xFFFFEC40  }
0x19c: {  	[tilespmem:s15], [sflag:$0xD] =	stream.linear.gather [spmem:s13], $0x13C0, $0x38;
	[tilespmem:$0x1DB00] =	vst v63  }
0x19d: {  	_ =	swait.ge [sflag:s28], $0x13C0  }
0x19e: {  	[sflag:s28] =	ssyncset.done $0x0  }
0x19f: {  	s6 =	simm.s32 $0x0;
	[sflag:s28] =	ssyncadd.s32 $0xFFFFEC40  }
0x1a0: {  	v3 =	vld [tilespmem:s6+$0x1B380]  }
0x1a1: {  	v1 =	vld [tilespmem:s6+$0x1B390]  }
0x1a2: {  	s10 =	simm.s32 $0x15AA0;
	v2 =	vld [tilespmem:s6+$0x1C750]  }
0x1a3: {  	v0 =	vld.msk [tilespmem:s10+$0x0 ss:$0x0], $0xffff  }
0x1a4: {  	v4 =	vld [tilespmem:s6+$0x1C740];
	_ =	sdelay $0x2  }
0x1a5: {  	v5 =	vadd.f32 v2, v1;
	v1 =	vld [tilespmem:s6+$0x12950]  }
0x1a6: {  	v2 =	vld [tilespmem:s6+$0x12940]  }
0x1a7: {  	s15 =	simm.s32 $0x80;
	v4 =	vadd.f32 v4, v3;
	v3 =	vmul.f32 v5, v0  }
.LBB2_11:
0x1a8: {  	p0 =	sne.s32 s15, $0x4E80  }
0x1a9: {  	v0 =	vmul.f32 v4, v0;
	s10 =	sadd.s32 $0x10, s10;
	s1 =	smov.u32 s15;
	s15 =	sadd.s32 $0x80, s15  }
0x1aa: {  	s1 =	sshra.s32 s1, $0x2;
	v1 =	vadd.f32 v3, v1  }
0x1ab: {  	v3 =	vld [tilespmem:s1+$0x1B380];
	v0 =	vadd.f32 v0, v2  }
0x1ac: {  	v4 =	vld [tilespmem:s1+$0x1B390];
	[tilespmem:s6+$0x1C750] =	vst v1  }
0x1ad: {  	v5 =	vld [tilespmem:s1+$0x1C750];
	[tilespmem:s6+$0x1C740] =	vst v0;
	s6 =	smov.u32 s1  }
0x1ae: {  	v0 =	vld.msk [tilespmem:s10+$0x0 ss:$0x0], $0xffff  }
0x1af: {  	v6 =	vld [tilespmem:s6+$0x1C740];
	_ =	sdelay $0x1  }
.Ltmp4:
0x1b0: {  	(pc) =	sbr.rel @p0 .LBB2_11-.Ltmp4, $4  }
0x1b1: {  	v1 =	vld [tilespmem:s6+$0x12950]  }
0x1b2: {  	v5 =	vadd.f32 v5, v4;
	v2 =	vld [tilespmem:s6+$0x12940]  }
0x1b3: {  	v4 =	vadd.f32 v6, v3  }
0x1b4: {  	v3 =	vmul.f32 v5, v0  }
0x1b5: {  	v0 =	vmul.f32 v4, v0  }
0x1b6: {  	v1 =	vadd.f32 v3, v1  }
0x1b7: {  	v0 =	vadd.f32 v0, v2  }
0x1b8: {  	[tilespmem:s6+$0x1C750] =	vst v1  }
0x1b9: {  	s0 =	simm.s32 $0x1C740;
	[tilespmem:s6+$0x1C740] =	vst v0  }
0x1ba: {  	[spmem:s13] =	stream.linear.scatter [tilespmem:s0], [sflag:$0xD], $0x13C0, $0x38;
	[tilespmem:$0x1DB00] =	vst v63  }
0x1bb: {  	_ =	swait.ge [sflag:s28], $0x13C0  }
0x1bc: {  	[sflag:s28] =	ssyncset.done $0x0  }
0x1bd: {  	p0 =	sne.s32 s16, $0xA;
	s19 =	rddreg [dreg:$0x10];
	[sflag:s28] =	ssyncadd.s32 $0xFFFFEC40  }
0x1be: {  	[spmem:s19] =	stream.linear.scatter [tilespmem:s8], [sflag:$0xD], $0x13C0, $0x38;
	[tilespmem:$0x1DB00] =	vst v63  }
.Ltmp5:
0x1bf: {  	_ =	swait.ge [sflag:s28], $0x13C0;
	(pc) =	sbr.rel @p0 .LBB2_2-.Ltmp5, $3  }
0x1c0: {  	[sflag:s28] =	ssyncset.done $0x0  }
0x1c1: {  	[sflag:s28] =	ssyncadd.s32 $0xFFFFEC40  }
0x1c2: {  	[bflag:$0x0] =	sbarrier.arrive $0xFFFF;
	_ =	sdelay $0x1  }
0x1c3: {  	s0 =	simm.s32 $0x1C740  }
0x1c4: {  	[tilespmem:s0], [sflag:$0xD] =	stream.linear.gather [spmem:s14], $0x13C0, $0x38;
	[tilespmem:$0x1DB00] =	vst v63  }
0x1c5: {  	_ =	swait.ge [sflag:s28], $0x13C0  }
0x1c6: {  	[sflag:s28] =	ssyncset.done $0x0  }
0x1c7: {  	s1 =	simm.s32 $0x0;
	[sflag:s28] =	ssyncadd.s32 $0xFFFFEC40  }
0x1c8: {  	v0 =	vld [tilespmem:s1+$0x13D00]  }
0x1c9: {  	s6 =	simm.s32 $0x1C750  }
0x1ca: {  	v1 =	vld [tilespmem:s6+$0xFFFFFFF0]  }
0x1cb: {  	v2 =	vld [tilespmem:s6+$0x0];
	_ =	sdelay $0x1  }
0x1cc: {  	v0 =	vbroadcast v0, $0x1;
	_ =	sdelay $0x1  }
0x1cd: {  	v1 =	vmul.f32 v1, v0  }
0x1ce: {  	v0 =	vmul.f32 v2, v0  }
0x1cf: {  	[tilespmem:s6+$0xFFFFFFF0] =	vst v1  }
0x1d0: {  	s10 =	simm.s32 $0x80;
	s1 =	simm.s32 $0x10;
	[tilespmem:s6+$0x0] =	vst v0  }
.LBB2_14:
0x1d1: {  	p0 =	sne.s32 s10, $0x2740;
	v0 =	vld [tilespmem:s1+$0x13D00];
	s6 =	sadd.s32 $0x20, s6  }
0x1d2: {  	v1 =	vld [tilespmem:s6+$0xFFFFFFF0]  }
0x1d3: {  	v2 =	vld [tilespmem:s6+$0x0];
	_ =	sdelay $0x2  }
0x1d4: {  	v0 =	vbroadcast v0, $0x1  }
.Ltmp6:
0x1d5: {  	(pc) =	sbr.rel @p0 .LBB2_14-.Ltmp6, $3  }
0x1d6: {  	v1 =	vmul.f32 v1, v0;
	v0 =	vmul.f32 v2, v0;
	_ =	sdelay $0x1  }
0x1d7: {  	[tilespmem:s6+$0xFFFFFFF0] =	vst v1  }
0x1d8: {  	s1 =	sshra.s32 s10, $0x2;
	s10 =	sadd.s32 $0x40, s10;
	[tilespmem:s6+$0x0] =	vst v0  }
0x1d9: {  	v0 =	vld [tilespmem:s1+$0x13D00]  }
0x1da: {  	s8 =	sadd.s32 $0x20, s6  }
0x1db: {  	v1 =	vld [tilespmem:s8+$0xFFFFFFF0]  }
0x1dc: {  	v2 =	vld [tilespmem:s8+$0x0];
	_ =	sdelay $0x1  }
0x1dd: {  	v0 =	vbroadcast v0, $0x1;
	_ =	sdelay $0x1  }
0x1de: {  	v1 =	vmul.f32 v1, v0  }
0x1df: {  	s10 =	rddreg [dreg:$0x7];
	v0 =	vmul.f32 v2, v0  }
0x1e0: {  	s0 =	rddreg [dreg:$0x12];
	[tilespmem:s8+$0xFFFFFFF0] =	vst v1  }
0x1e1: {  	s15 =	simm.s32 $0x0;
	s16 =	simm.s32 $0x1C740;
	s1 =	sadd.s32 s10, s0;
	[tilespmem:s8+$0x0] =	vst v0  }
0x1e2: {  	[hbm4b:s1+s15] =	stream.linear.scatter [tilespmem:s16], [sflag:$0xD], $0x13C0, $0x38;
	[tilespmem:$0x1DB00] =	vst v63  }
0x1e3: {  	_ =	swait.ge [sflag:s28], $0x13C0  }
0x1e4: {  	[sflag:s28] =	ssyncset.done $0x0  }
0x1e5: {  	[sflag:s28] =	ssyncadd.s32 $0xFFFFEC40  }
0x1e6: {  	[tilespmem:s16], [sflag:$0xD] =	stream.linear.gather [spmem:s12], $0x13C0, $0x38;
	[tilespmem:$0x1DB00] =	vst v63  }
0x1e7: {  	_ =	swait.ge [sflag:s28], $0x13C0  }
0x1e8: {  	[sflag:s28] =	ssyncset.done $0x0  }
0x1e9: {  	s19 =	simm.s32 $0x0;
	[sflag:s28] =	ssyncadd.s32 $0xFFFFEC40  }
0x1ea: {  	v61 =	vld [tilespmem:s19+$0x146E0]  }
0x1eb: {  	s6 =	simm.s32 $0x1C750  }
0x1ec: {  	v62 =	vld [tilespmem:s6+$0xFFFFFFF0]  }
0x1ed: {  	v63 =	vld [tilespmem:s6+$0x0];
	_ =	sdelay $0x1  }
0x1ee: {  	v0 =	vbroadcast v61, $0x1;
	_ =	sdelay $0x1  }
0x1ef: {  	v1 =	vmul.f32 v62, v0  }
0x1f0: {  	v0 =	vmul.f32 v63, v0  }
0x1f1: {  	[tilespmem:s6+$0xFFFFFFF0] =	vst v1  }
0x1f2: {  	s10 =	simm.s32 $0x80;
	s1 =	simm.s32 $0x10;
	[tilespmem:s6+$0x0] =	vst v0  }
.LBB2_16:
0x1f3: {  	p0 =	sne.s32 s10, $0x2740;
	v0 =	vld [tilespmem:s1+$0x146E0];
	s6 =	sadd.s32 $0x20, s6  }
0x1f4: {  	v1 =	vld [tilespmem:s6+$0xFFFFFFF0]  }
0x1f5: {  	v2 =	vld [tilespmem:s6+$0x0];
	_ =	sdelay $0x2  }
0x1f6: {  	v0 =	vbroadcast v0, $0x1  }
.Ltmp7:
0x1f7: {  	(pc) =	sbr.rel @p0 .LBB2_16-.Ltmp7, $3  }
0x1f8: {  	v1 =	vmul.f32 v1, v0;
	v0 =	vmul.f32 v2, v0;
	_ =	sdelay $0x1  }
0x1f9: {  	[tilespmem:s6+$0xFFFFFFF0] =	vst v1  }
0x1fa: {  	s1 =	sshra.s32 s10, $0x2;
	s10 =	sadd.s32 $0x40, s10;
	[tilespmem:s6+$0x0] =	vst v0  }
0x1fb: {  	v0 =	vld [tilespmem:s1+$0x146E0]  }
0x1fc: {  	s15 =	sadd.s32 $0x20, s6  }
0x1fd: {  	v1 =	vld [tilespmem:s15+$0xFFFFFFF0]  }
0x1fe: {  	v2 =	vld [tilespmem:s15+$0x0];
	_ =	sdelay $0x1  }
0x1ff: {  	v0 =	vbroadcast v0, $0x1;
	_ =	sdelay $0x1  }
0x200: {  	v1 =	vmul.f32 v1, v0  }
0x201: {  	v0 =	vmul.f32 v2, v0  }
0x202: {  	[tilespmem:s15+$0xFFFFFFF0] =	vst v1  }
0x203: {  	s16 =	simm.s32 $0x0;
	s0 =	rddreg [dreg:$0x15];
	s19 =	simm.s32 $0x1C740;
	[tilespmem:s15+$0x0] =	vst v0  }
0x204: {  	[hbm4b:s0+s16] =	stream.linear.scatter [tilespmem:s19], [sflag:$0xD], $0x13C0, $0x38;
	[tilespmem:$0x1DB00] =	vst v63  }
0x205: {  	_ =	swait.ge [sflag:s28], $0x13C0  }
0x206: {  	[sflag:s28] =	ssyncset.done $0x0  }
0x207: {  	[sflag:s28] =	ssyncadd.s32 $0xFFFFEC40  }
0x208: {  	[tilespmem:s19], [sflag:$0xD] =	stream.linear.gather [spmem:s31], $0x13C0, $0x38;
	[tilespmem:$0x1DB00] =	vst v63  }
0x209: {  	_ =	swait.ge [sflag:s28], $0x13C0  }
0x20a: {  	[sflag:s28] =	ssyncset.done $0x0  }
0x20b: {  	s31 =	simm.s32 $0x0;
	[sflag:s28] =	ssyncadd.s32 $0xFFFFEC40  }
0x20c: {  	v61 =	vld [tilespmem:s31+$0x150C0]  }
0x20d: {  	s6 =	simm.s32 $0x1C750  }
0x20e: {  	v62 =	vld [tilespmem:s6+$0xFFFFFFF0]  }
0x20f: {  	v63 =	vld [tilespmem:s6+$0x0];
	_ =	sdelay $0x1  }
0x210: {  	v0 =	vbroadcast v61, $0x1;
	_ =	sdelay $0x1  }
0x211: {  	v1 =	vmul.f32 v62, v0  }
0x212: {  	v0 =	vmul.f32 v63, v0  }
0x213: {  	[tilespmem:s6+$0xFFFFFFF0] =	vst v1  }
0x214: {  	s1 =	simm.s32 $0x10;
	s10 =	simm.s32 $0x80;
	[tilespmem:s6+$0x0] =	vst v0  }
.LBB2_18:
0x215: {  	p0 =	sne.s32 s10, $0x2740;
	v0 =	vld [tilespmem:s1+$0x150C0];
	s6 =	sadd.s32 $0x20, s6  }
0x216: {  	v1 =	vld [tilespmem:s6+$0xFFFFFFF0]  }
0x217: {  	v2 =	vld [tilespmem:s6+$0x0];
	_ =	sdelay $0x2  }
0x218: {  	v0 =	vbroadcast v0, $0x1  }
.Ltmp8:
0x219: {  	(pc) =	sbr.rel @p0 .LBB2_18-.Ltmp8, $3  }
0x21a: {  	v1 =	vmul.f32 v1, v0;
	v0 =	vmul.f32 v2, v0;
	_ =	sdelay $0x1  }
0x21b: {  	[tilespmem:s6+$0xFFFFFFF0] =	vst v1  }
0x21c: {  	s1 =	sshra.s32 s10, $0x2;
	s10 =	sadd.s32 $0x40, s10;
	[tilespmem:s6+$0x0] =	vst v0  }
0x21d: {  	v0 =	vld [tilespmem:s1+$0x150C0]  }
0x21e: {  	s15 =	sadd.s32 $0x20, s6  }
0x21f: {  	v1 =	vld [tilespmem:s15+$0xFFFFFFF0]  }
0x220: {  	v2 =	vld [tilespmem:s15+$0x0];
	_ =	sdelay $0x1  }
0x221: {  	v0 =	vbroadcast v0, $0x1;
	_ =	sdelay $0x1  }
0x222: {  	v1 =	vmul.f32 v1, v0  }
0x223: {  	v0 =	vmul.f32 v2, v0  }
0x224: {  	[tilespmem:s15+$0xFFFFFFF0] =	vst v1  }
0x225: {  	s16 =	simm.s32 $0x0;
	s0 =	rddreg [dreg:$0x16];
	s19 =	simm.s32 $0x1C740;
	[tilespmem:s15+$0x0] =	vst v0  }
0x226: {  	[hbm4b:s0+s16] =	stream.linear.scatter [tilespmem:s19], [sflag:$0xD], $0x13C0, $0x38;
	[tilespmem:$0x1DB00] =	vst v63  }
0x227: {  	_ =	swait.ge [sflag:s28], $0x13C0  }
0x228: {  	[sflag:s28] =	ssyncset.done $0x0  }
0x229: {  	[sflag:s28] =	ssyncadd.s32 $0xFFFFEC40  }
0x22a: {  	[tilespmem:s19], [sflag:$0xD] =	stream.linear.gather [spmem:s13], $0x13C0, $0x38;
	[tilespmem:$0x1DB00] =	vst v63  }
0x22b: {  	_ =	swait.ge [sflag:s28], $0x13C0  }
0x22c: {  	[sflag:s28] =	ssyncset.done $0x0  }
0x22d: {  	s31 =	simm.s32 $0x0;
	[sflag:s28] =	ssyncadd.s32 $0xFFFFEC40  }
0x22e: {  	v61 =	vld [tilespmem:s31+$0x15AA0]  }
0x22f: {  	s6 =	simm.s32 $0x1C750  }
0x230: {  	v62 =	vld [tilespmem:s6+$0xFFFFFFF0]  }
0x231: {  	v63 =	vld [tilespmem:s6+$0x0];
	_ =	sdelay $0x1  }
0x232: {  	v0 =	vbroadcast v61, $0x1;
	_ =	sdelay $0x1  }
0x233: {  	v1 =	vmul.f32 v62, v0  }
0x234: {  	v0 =	vmul.f32 v63, v0  }
0x235: {  	[tilespmem:s6+$0xFFFFFFF0] =	vst v1  }
0x236: {  	s1 =	simm.s32 $0x10;
	s10 =	simm.s32 $0x80;
	[tilespmem:s6+$0x0] =	vst v0  }
.LBB2_20:
0x237: {  	p0 =	sne.s32 s10, $0x2740;
	v0 =	vld [tilespmem:s1+$0x15AA0];
	s6 =	sadd.s32 $0x20, s6  }
0x238: {  	v1 =	vld [tilespmem:s6+$0xFFFFFFF0]  }
0x239: {  	v2 =	vld [tilespmem:s6+$0x0];
	_ =	sdelay $0x2  }
0x23a: {  	v0 =	vbroadcast v0, $0x1  }
.Ltmp9:
0x23b: {  	(pc) =	sbr.rel @p0 .LBB2_20-.Ltmp9, $3  }
0x23c: {  	v1 =	vmul.f32 v1, v0;
	v0 =	vmul.f32 v2, v0;
	_ =	sdelay $0x1  }
0x23d: {  	[tilespmem:s6+$0xFFFFFFF0] =	vst v1  }
0x23e: {  	s1 =	sshra.s32 s10, $0x2;
	s10 =	sadd.s32 $0x40, s10;
	[tilespmem:s6+$0x0] =	vst v0  }
0x23f: {  	v0 =	vld [tilespmem:s1+$0x15AA0]  }
0x240: {  	s15 =	sadd.s32 $0x20, s6  }
0x241: {  	v1 =	vld [tilespmem:s15+$0xFFFFFFF0]  }
0x242: {  	v2 =	vld [tilespmem:s15+$0x0];
	_ =	sdelay $0x1  }
0x243: {  	v0 =	vbroadcast v0, $0x1;
	_ =	sdelay $0x1  }
0x244: {  	v1 =	vmul.f32 v1, v0  }
0x245: {  	v0 =	vmul.f32 v2, v0  }
0x246: {  	[tilespmem:s15+$0xFFFFFFF0] =	vst v1  }
0x247: {  	s0 =	rddreg [dreg:$0x17];
	s16 =	simm.s32 $0x1C740;
	[tilespmem:s15+$0x0] =	vst v0  }
0x248: {  	[hbm4b:s0+s4] =	stream.linear.scatter [tilespmem:s16], [sflag:$0xD], $0x13C0, $0x38;
	[tilespmem:$0x1DB00] =	vst v63  }
0x249: {  	_ =	swait.ge [sflag:s28], $0x13C0  }
0x24a: {  	s19 =	rddreg [dreg:$0x19]  }
0x24b: {  	s31 =	rddreg [dreg:$0x13];
	s1 =	sadd.s32 $0x1, s19  }
0x24c: {  	p0 =	sne.s32 s1, s31  }
.Ltmp10:
0x24d: {  	_ = 	snop;
	(pc) =	sbr.rel @p0 .LBB2_1-.Ltmp10, $3  }
0x24e: {  	_ =	sdelay $0x1  }
0x24f: {  	[sflag:s28] =	ssyncset.done $0x0  }
0x250: {  	[sflag:s28] =	ssyncadd.s32 $0xFFFFEC40  }
0x251: {  	_ =	sfence.sel $0x180000  }
0x252: {  	[bflag:$0x0] =	sbarrier.arrive $0xFFFF  }
0x253: {  	_ =	strace $0x9000004A  }
0x254: {  	s0 =	stileid.u32;
	[bflag:$0x2] =	sbarrier.arrive $0xFFFF  }
0x255: {  	p0 =	sne.s32 s0, $0x0;
	s0 =	rddreg [dreg:$0x5]  }
0x256: {  	s0 =	sadd.s32 @!p0 $0x100000, s0  }
0x257: {  	[sflag:s0] =	ssyncadd.tile.s32 @!p0 $0x1;
	_ =	shalt  }
.Lfunc_end2:
_tile_overlayer_lowered:
.L_overlay_start_2:
0x258: {  	(tag) =	ssettag $0x2  }
0x259: {  	s0 =	rddreg [dreg:$0x0];
	s2 =	stileid.u32  }
0x25a: {  	s1 =	rddreg [dreg:$0x1];
	p0 =	sne.s32 s2, $0x0  }
0x25b: {  	s3 =	rddreg [dreg:$0x2];
	[bflag:$0x3] =	sbarrier.arrive $0xFFFF;
	s2 =	simm.s32 @!p0 $0x1C0D  }
0x25c: {  	[timem:s3], [sflag:s2] =	dma.local @!p0 [hbm:s0], s1  }
0x25d: {  	s0 =	simm.s32 @!p0 $0xD  }
0x25e: {  	_ =	swait.ge @!p0 [sflag:s0], s1  }
0x25f: {  	s1 =	ssub.s32 @!p0 $0x0, s1;
	[sflag:s0] =	ssyncset.done @!p0 $0x0  }
0x260: {  	[sflag:s0] =	ssyncadd.s32 @!p0 s1  }
0x261: {  	[bflag:$0x3] =	sbarrier.arrive $0xFFFF  }
0x262: {  	_ =	shalt  }

// kernel: kernel.7.cloned.1.call-start
scs
__scs_entry_jumppad:
0x0: {  	(pc) =	sbr.rel $0x88, $3  }
0x1: {  	(tag) =	ssettag $0x0;
	lr =	simm.s32 $0x1  }
0x2: {  	[smem:$0x3F9B] =	sst lr;
	_ =	strace $0xD0000000  }
0x3: {  	_ = 	snop  }
0x4: {  	_ = 	snop  }
0x5: {  	_ = 	snop  }
0x6: {  	_ = 	snop  }
0x7: {  	_ = 	snop  }
__scs_overlays_trampoline_lowered:
0x8: {  	[smem:$0x3FAA] =	sst s0  }
0x9: {  	[smem:$0x3FAB] =	sst s1  }
0xa: {  	[smem:$0x3FAC] =	sst s2  }
0xb: {  	[smem:$0x3FAD] =	sst s3  }
0xc: {  	[smem:$0x3FAE] =	sst s4  }
0xd: {  	[smem:$0x3FAF] =	sst s5  }
0xe: {  	[smem:$0x3FB0] =	sst s6  }
0xf: {  	[smem:$0x3FB1] =	sst s7  }
0x10: {  	[smem:$0x3FB2] =	sst s8  }
0x11: {  	[smem:$0x3FB3] =	sst s9;
	s0 =	simm.s32 @!p0 $0x0  }
0x12: {  	s1 =	sld [smem:$0x3F99];
	s0 =	simm.s32 @p0 $0x1  }
0x13: {  	[smem:$0x3FB4] =	sst s0;
	s0 =	simm.s32 @!p1 $0x0  }
0x14: {  	s2 =	sld [smem:$0x3F98];
	s0 =	simm.s32 @p1 $0x1  }
0x15: {  	[smem:$0x3FB5] =	sst s0;
	s0 =	simm.s32 @!p2 $0x0  }
0x16: {  	s3 =	sld [smem:$0x3FDB];
	s0 =	simm.s32 @p2 $0x1  }
0x17: {  	s4 =	simm.s32 $0x1BF5;
	[smem:$0x3FB7] =	sst s0  }
0x18: {  	s0 =	sld [smem:$0x3F9A];
	_ =	swait.ge [sflag:s4], $0x0  }
0x19: {  	s7 =	sld [smem:$0x3F9B]  }
0x1a: {  	s8 =	sadd.s32 $0xFFFFE003, lr  }
0x1b: {  	s9 =	sadd.s32 $0xFFFFFEF7, lr;
	s5 =	simm.s32 $0xFFFFFFFF;
	p2 =	slt.u32 s8, $0xFFFFF086  }
0x1c: {  	p1 =	slt.u32 s9, $0xF7A;
	s5 =	simm.s32 @!p2 $0x0  }
0x1d: {  	s5 =	simm.s32 @p1 $0x1;
	p0 =	seq.s32 s7, s2  }
0x1e: {  	s7 =	smul.u32 @!p0 $0xF7A, s2;
	p2 =	seq.s32 @!p0 s5, $0x0  }
0x1f: {  	s9 =	smul.u32 $0xF7A, s1;
	s8 =	simm.s32 @!p0 $0x1BF5;
	p2 =	por !p2, p0  }
0x20: {  	[sflag:s8] =	ssyncset.s32 @!p0 $0xFFFFF086;
	s6 =	sadd.s32 @!p0 s3, s7;
	s7 =	simm.s32 @!p0 $0x108  }
0x21: {  	s3 =	sadd.s32 s3, s9;
	s6 =	sadd.s32 @!p0 $0x88, s6;
	s7 =	simm.s32 @p2 $0x1082  }
0x22: {  	[simem:s7], [sflag:s8] =	dma.local @!p0 [hbm:s6], $0xF7A  }
0x23: {  	s9 =	sor.u32 $0xD0000000, s2;
	s6 =	simm.s32 $0x108;
	_ =	swait.ge @!p0 [sflag:s8], $0x0  }
0x24: {  	s3 =	sadd.s32 $0x88, s3;
	s6 =	simm.s32 @!p1 $0x1082;
	[sflag:s4] =	ssyncset.s32 $0xFFFFF086  }
0x25: {  	[simem:s6], [sflag:s4] =	dma.local [hbm:s3], $0xF7A  }
0x26: {  	[smem:$0x3F9B] =	sst s1;
	(tag) =	ssettag s2;
	_ =	strace s9  }
0x27: {  	s1 =	sld [smem:$0x3FAB]  }
0x28: {  	s2 =	sld [smem:$0x3FAC]  }
0x29: {  	s4 =	sld [smem:$0x3FAE]  }
0x2a: {  	p0 =	seq.s32 s5, $0x0;
	s5 =	sld [smem:$0x3FAF]  }
0x2b: {  	s6 =	sld [smem:$0x3FB0]  }
0x2c: {  	s7 =	sld [smem:$0x3FB1]  }
0x2d: {  	s3 =	simm.s32 $0x108;
	s8 =	sld [smem:$0x3FB2]  }
0x2e: {  	s3 =	simm.s32 @!p0 $0x1082;
	s9 =	sld [smem:$0x3FB3]  }
0x2f: {  	lr =	sadd.s32 s0, s3;
	s0 =	sld [smem:$0x3FAA]  }
0x30: {  	s3 =	sld [smem:$0x3FAD]  }
0x31: {  	[smem:$0x3FB6] =	sst s10  }
0x32: {  	s10 =	sld [smem:$0x3FB4];
	_ =	sdelay $0x3  }
0x33: {  	p0 =	seq.s32 s10, $0x1;
	s10 =	sld [smem:$0x3FB6];
	_ =	sdelay $0x3  }
0x34: {  	[smem:$0x3FB6] =	sst s10  }
0x35: {  	s10 =	sld [smem:$0x3FB5];
	_ =	sdelay $0x3  }
0x36: {  	p1 =	seq.s32 s10, $0x1;
	s10 =	sld [smem:$0x3FB6];
	_ =	sdelay $0x3  }
0x37: {  	[smem:$0x3FB6] =	sst s10  }
0x38: {  	s10 =	sld [smem:$0x3FB7]  }
0x39: {  	_ = 	snop;
	(pc) =	sbr.ind lr, $3  }
0x3a: {  	_ = 	snop  }
0x3b: {  	_ = 	snop  }
0x3c: {  	p2 =	seq.s32 s10, $0x1;
	s10 =	sld [smem:$0x3FB6]  }
0x3d: {  	_ =	shalt  }
0x3e: {  	_ =	shalt  }
0x3f: {  	_ =	shalt  }
0x40: {  	_ =	shalt  }
0x41: {  	_ =	shalt  }
0x42: {  	_ =	shalt  }
0x43: {  	_ =	shalt  }
0x44: {  	_ =	shalt  }
0x45: {  	_ =	shalt  }
0x46: {  	_ =	shalt  }
0x47: {  	_ =	shalt  }
0x48: {  	_ =	shalt  }
0x49: {  	_ =	shalt  }
0x4a: {  	_ =	shalt  }
0x4b: {  	_ =	shalt  }
0x4c: {  	_ =	shalt  }
0x4d: {  	_ =	shalt  }
0x4e: {  	_ =	shalt  }
0x4f: {  	_ =	shalt  }
0x50: {  	_ =	shalt  }
0x51: {  	_ =	shalt  }
0x52: {  	_ =	shalt  }
0x53: {  	_ =	shalt  }
0x54: {  	_ =	shalt  }
0x55: {  	_ =	shalt  }
0x56: {  	_ =	shalt  }
0x57: {  	_ =	shalt  }
0x58: {  	_ =	shalt  }
0x59: {  	_ =	shalt  }
0x5a: {  	_ =	shalt  }
0x5b: {  	_ =	shalt  }
0x5c: {  	_ =	shalt  }
0x5d: {  	_ =	shalt  }
0x5e: {  	_ =	shalt  }
0x5f: {  	_ =	shalt  }
0x60: {  	_ =	shalt  }
0x61: {  	_ =	shalt  }
0x62: {  	_ =	shalt  }
0x63: {  	_ =	shalt  }
0x64: {  	_ =	shalt  }
0x65: {  	_ =	shalt  }
0x66: {  	_ =	shalt  }
0x67: {  	_ =	shalt  }
0x68: {  	_ =	shalt  }
0x69: {  	_ =	shalt  }
0x6a: {  	_ =	shalt  }
0x6b: {  	_ =	shalt  }
0x6c: {  	_ =	shalt  }
0x6d: {  	_ =	shalt  }
0x6e: {  	_ =	shalt  }
0x6f: {  	_ =	shalt  }
0x70: {  	_ =	shalt  }
0x71: {  	_ =	shalt  }
0x72: {  	_ =	shalt  }
0x73: {  	_ =	shalt  }
0x74: {  	_ =	shalt  }
0x75: {  	_ =	shalt  }
0x76: {  	_ =	shalt  }
0x77: {  	_ =	shalt  }
0x78: {  	_ =	shalt  }
0x79: {  	_ =	shalt  }
0x7a: {  	_ =	shalt  }
0x7b: {  	_ =	shalt  }
0x7c: {  	_ =	shalt  }
0x7d: {  	_ =	shalt  }
0x7e: {  	_ =	shalt  }
0x7f: {  	_ =	shalt  }
0x80: {  	_ =	shalt  }
0x81: {  	_ =	shalt  }
0x82: {  	_ =	shalt  }
0x83: {  	_ =	shalt  }
0x84: {  	_ =	shalt  }
0x85: {  	_ =	shalt  }
0x86: {  	_ =	shalt  }
0x87: {  	_ =	shalt  }
.Lfunc_end0:
.L_simem_size_0:
called_computation_lowered:
.L_overlay_start_0:
0x88: {  	s2 =	sld [smem:$0x3FD9]  }
0x89: {  	s3 =	sld [smem:$0x3FFE];
	_ =	sdelay $0x1  }
0x8a: {  	s1 =	srdreg.scid  }
0x8b: {  	s0 =	sand.u32 $0x1, s1  }
0x8c: {  	s14 =	sshll.u32 s0, $0xA;
	s2 =	sadd.s32 s3, s2  }
0x8d: {  	s2 =	sadd.s32 s2, s14  }
0x8e: {  	[smem:$0x3FC2] =	sst s2  }
0x8f: {  	_ = 	snop  }
0x90: {  	s2 =	sld [smem:$0x3FD0];
	_ =	sdelay $0x2  }
0x91: {  	s15 =	simm.s32 $0xA;
	s4 =	simm.s32 $0x10  }
0x92: {  	[smem:s4], [sflag:s15] =	dma.local [hbm:s2], $0x1  }
0x93: {  	_ =	swait.eq [sflag:s15], $0x1  }
0x94: {  	[sflag:s15] =	ssyncset.done $0x0  }
0x95: {  	s16 =	sld [smem:$0x10];
	[sflag:s15] =	ssyncadd.s32 $0xFFFFFFFF  }
0x96: {  	s17 =	sld [smem:$0x11];
	(tm) =	ssettm $0x1  }
0x97: {  	s18 =	sld [smem:$0x3FFB];
	_ =	sdelay $0x3  }
0x98: {  	_ =	strace s18  }
0x99: {  	s4 =	sld [smem:$0x3FFC];
	_ =	sdelay $0x3  }
0x9a: {  	_ =	strace s4  }
0x9b: {  	s4 =	sld [smem:$0x3FFD];
	_ =	sdelay $0x3  }
0x9c: {  	_ =	strace s4  }
0x9d: {  	_ =	strace $0x8FFFFFFF  }
0x9e: {  	s19 =	sld [smem:$0x3FDB];
	_ =	sdelay $0x1  }
0x9f: {  	s5 =	simm.s32 $_scs_section_size  }
0xa0: {  	s6 =	simm.s32 $_size__tile_overlayer_lowered;
	s7 =	simm.s32 $_tile_overlayer_lowered  }
0xa1: {  	s22 =	simm.s32 $0x1BFF;
	s21 =	sshll.u32 s7, $0x1;
	s4 =	sadd.s32 s5, s19  }
0xa2: {  	s8 =	simm.s32 $0x0;
	s20 =	sshll.u32 s6, $0x1;
	s6 =	sadd.s32 s21, s4  }
0xa3: {  	[timem:s8], [sflag:s22] =	dma.local [hbm:s6], s20  }
0xa4: {  	_ =	swait.ge [sflag:s22], s20  }
0xa5: {  	s5 =	ssub.s32 $0x0, s20;
	[sflag:s22] =	ssyncset.done $0x0  }
0xa6: {  	[sflag:s22] =	ssyncadd.s32 s5;
	_ =	sdelay $0x1  }
0xa7: {  	s23 =	simm.s32 $0x1B8B  }
0xa8: {  	_ =	swait.ge [sflag:s23], $0x1  }
0xa9: {  	[sflag:s23] =	ssyncset.done $0x0  }
0xaa: {  	s25 =	simm.s32 $0x1B8E;
	s24 =	sld [smem:$0x3FFE];
	[sflag:s23] =	ssyncadd.s32 $0xFFFFFFFF  }
0xab: {  	s26 =	simm.s32 $execute0_lowered;
	[smem:$0x3FD2] =	sst s25  }
0xac: {  	s6 =	sshll.u32 s26, $0x1;
	_ =	strace $0x80000046;
	[dreg:$0x1] =	wrdreg $0xFFFFFFFF  }
0xad: {  	s28 =	simm.s32 $_size_execute0_lowered;
	s4 =	sadd.s32 s4, s6;
	[dreg:$0x0] =	wrdreg $0x0  }
0xae: {  	s6 =	sshll.u32 s28, $0x1;
	[dreg:$0x2] =	wrdreg s4  }
0xaf: {  	[dreg:$0x3] =	wrdreg s6  }
0xb0: {  	[dreg:$0x4] =	wrdreg $0xC0  }
0xb1: {  	_ =	task [dreg:s8], $0x5FFFF  }
0xb2: {  	[dreg:$0x1] =	wrdreg $0xFFFFFFFF  }
0xb3: {  	[dreg:$0x0] =	wrdreg $0x60  }
0xb4: {  	[dreg:$0x2] =	wrdreg s24  }
0xb5: {  	[dreg:$0x3] =	wrdreg s16  }
0xb6: {  	[dreg:$0x4] =	wrdreg s17  }
0xb7: {  	[dreg:$0x5] =	wrdreg $0x0  }
0xb8: {  	[dreg:$0x6] =	wrdreg $0x9  }
0xb9: {  	_ =	task.clear_ibuf [dreg:s8], $0x7FFFF;
	_ =	strace $0x90000046  }
0xba: {  	s29 =	simm.s32 $0x9;
	_ =	strace $0x80000048  }
0xbb: {  	_ =	swait.ge [sflag:s29], $0x1  }
0xbc: {  	[sflag:s29] =	ssyncadd.s32 $0xFFFFFFFF  }
0xbd: {  	_ =	strace $0x90000048  }
0xbe: {  	_ =	sfence  }
0xbf: {  	s30 =	sld [smem:$0x0];
	_ =	sdelay $0x2  }
0xc0: {  	s31 =	sshll.u32 s1, $0xD;
	s1 =	sshrl.u32 s1, $0x2  }
0xc1: {  	s3 =	sand.u32 $0x4000, s31;
	s1 =	sadd.s32 s1, s30  }
0xc2: {  	s0 =	sor.u32 s3, s0;
	s1 =	sshll.u32 s1, $0x11  }
0xc3: {  	s0 =	sor.u32 s1, s0  }
0xc4: {  	s0 =	sadd.s32 $0x8F2B, s0  }
0xc5: {  	[sflag:s0] =	ssyncadd.remote.s32 $0x1  }
0xc6: {  	_ =	sfence.sel $0xFFFF  }
0xc7: {  	[dreg:$0x0] =	wrdreg $0xFFFFFFFF;
	(pc) =	sbr.abs _section_cstart, $3  }
0xc8: {  	[dreg:$0x1] =	wrdreg $0xFFFFFFFF  }
0xc9: {  	_ =	task.clear_ibuf [dreg:s8], $0x2FFFF;
	_ =	strace $0x9FFFFFFF  }
0xca: {  	(tm) =	ssettm $0x7FFFFFFF  }
0xcb: {  	_ =	shalt  }
tec
execute0_lowered:
.L_overlay_start_1:
0x0: {  	(tag) =	ssettag $0x1  }
0x1: {  	s4 =	rddreg [dreg:$0x0]  }
0x2: {  	s6 =	rddreg [dreg:$0x1]  }
0x3: {  	s7 =	rddreg [dreg:$0x2]  }
0x4: {  	s0 =	srdreg.scid;
	s2 =	rddreg [dreg:$0x3]  }
0x5: {  	s1 =	stileid.u32;
	s3 =	simm.s32 $0x0;
	s14 =	simm.s32 $0x2800  }
0x6: {  	s15 =	simm.s32 $0x2880;
	s16 =	simm.s32 $0x2900;
	s17 =	simm.s32 $0x2980  }
0x7: {  	s18 =	simm.s32 $0x2A00;
	s19 =	simm.s32 $0x2A80;
	s20 =	simm.s32 $0x2B00  }
0x8: {  	s21 =	simm.s32 $0x1;
	s5 =	sand.u32 $0x1, s0;
	s0 =	rddreg [dreg:$0x4]  }
0x9: {  	[smem:$0x7FF] =	sst s3;
	s10 =	smul.u32 $0x2780, s1;
	s31 =	sshll.u32 s1, $0x6  }
0xa: {  	s8 =	sshll.u32 s5, $0x4;
	_ =	strace $0x80000047;
	s9 =	ssub.s32 $0x2, s5  }
0xb: {  	s12 =	smul.u32 $0x4F00, s5;
	s8 =	sor.u32 s1, s8;
	s11 =	sshrl.u32 s9, $0x1  }
0xc: {  	s22 =	sshrl.u32 s10, $0x3;
	s13 =	sadd.s32 s10, s2;
	s10 =	simm.s32 $0x4F80  }
0xd: {  	s8 =	smul.u32 $0x500, s8;
	s9 =	ssub.s32 s9, s11;
	s6 =	sadd.s32 s6, s22  }
0xe: {  	s23 =	sadd.s32 s7, s12;
	s11 =	sor.u32 $0x1C02, s31;
	s12 =	sshrl.u32 s13, $0x3  }
0xf: {  	s13 =	simm.s32 $0x80;
	s7 =	smax.u32 s9, $0x1;
	s9 =	simm.s32 $0x2  }
0x10: {  	s22 =	sadd.s32 s22, s23;
	s23 =	simm.s32 $0x0;
	s8 =	sadd.s32 s8, s4  }
0x11: {  	s4 =	sadd.s32 $0xB400, s4;
	s5 =	sadd.s32 $0x1400, s8;
	s8 =	simm.s32 $0x2780  }
.LBB2_1:
0x12: {  	[tilespmem:s8], [sflag:$0x2] =	stream.linear.gather [hbm4b:s5+s3], $0x2800, $0x38;
	[tilespmem:$0x5780] =	vst v63  }
0x13: {  	_ =	swait.ge [sflag:s9], $0x2800  }
0x14: {  	[sflag:s9] =	ssyncset.done $0x0  }
0x15: {  	[sflag:s9] =	ssyncadd.s32 $0xFFFFD800  }
0x16: {  	[tilespmem:s10], [sflag:$0x2] =	stream.linear.gather [hbm4b:s4+s3], $0x800, $0x38;
	[tilespmem:$0x5780] =	vst v63  }
0x17: {  	_ =	swait.ge [sflag:s9], $0x800  }
0x18: {  	[sflag:s9] =	ssyncset.done $0x0  }
0x19: {  	[sflag:s9] =	ssyncadd.s32 $0xFFFFF800  }
0x1a: {  	[spmem:s12], [sflag:s11] =	dma.local [hbm:s6], $0x4F0  }
0x1b: {  	_ =	swait.ge [sflag:s9], $0x4F0  }
0x1c: {  	[sflag:s9] =	ssyncset.done $0x0  }
0x1d: {  	[sflag:s9] =	ssyncadd.s32 $0xFFFFFB10  }
0x1e: {  	[bflag:$0x0] =	sbarrier.arrive $0xFFFF  }
0x1f: {  	[spmem:s2] =	stream.indirect.scatter.add.f32 [tilespmem:s10], [sflag:$0x1], $0x10, s8, s13, $0xb8;
	[tilespmem:$0x5780] =	vst v63  }
0x20: {  	_ = 	snop  }
0x21: {  	[spmem:s2] =	stream.indirect.scatter.add.f32 [tilespmem:s10], [sflag:$0x1], $0x10, s14, s13, $0xb8;
	[tilespmem:$0x5780] =	vst v63  }
0x22: {  	_ = 	snop  }
0x23: {  	[spmem:s2] =	stream.indirect.scatter.add.f32 [tilespmem:s10], [sflag:$0x1], $0x10, s15, s13, $0xb8;
	[tilespmem:$0x5780] =	vst v63  }
0x24: {  	_ = 	snop  }
0x25: {  	[spmem:s2] =	stream.indirect.scatter.add.f32 [tilespmem:s10], [sflag:$0x1], $0x10, s16, s13, $0xb8;
	[tilespmem:$0x5780] =	vst v63  }
0x26: {  	_ = 	snop  }
0x27: {  	[spmem:s2] =	stream.indirect.scatter.add.f32 [tilespmem:s10], [sflag:$0x1], $0x10, s17, s13, $0xb8;
	[tilespmem:$0x5780] =	vst v63  }
0x28: {  	_ = 	snop  }
0x29: {  	[spmem:s2] =	stream.indirect.scatter.add.f32 [tilespmem:s10], [sflag:$0x1], $0x10, s18, s13, $0xb8;
	[tilespmem:$0x5780] =	vst v63  }
0x2a: {  	_ = 	snop  }
0x2b: {  	[spmem:s2] =	stream.indirect.scatter.add.f32 [tilespmem:s10], [sflag:$0x1], $0x10, s19, s13, $0xb8;
	[tilespmem:$0x5780] =	vst v63  }
0x2c: {  	_ = 	snop  }
0x2d: {  	[spmem:s2] =	stream.indirect.scatter.add.f32 [tilespmem:s10], [sflag:$0x1], $0x10, s20, s13, $0xb8;
	[tilespmem:$0x5780] =	vst v63  }
0x2e: {  	_ =	swait.ge [sflag:s21], $0x800  }
0x2f: {  	[sflag:s21] =	ssyncset.done $0x0  }
0x30: {  	s24 =	simm.s32 $0x1200;
	s25 =	simm.s32 $0x2B80;
	[sflag:s21] =	ssyncadd.s32 $0xFFFFF800  }
.LBB2_2:
0x31: {  	[spmem:s2] =	stream.indirect.scatter.add.f32 [tilespmem:s10], [sflag:$0x1], $0x10, s25, s13, $0xb8;
	[tilespmem:$0x5780] =	vst v63  }
0x32: {  	s25 =	smov.u32 s24;
	p0 =	sne.s32 s24, $0x9E00  }
.Ltmp0:
0x33: {  	s24 =	sadd.s32 $0x200, s24;
	(pc) =	sbr.rel @p0 .LBB2_2-.Ltmp0, $4  }
0x34: {  	_ = 	snop  }
0x35: {  	_ =	swait.ge [sflag:s21], $0x800  }
0x36: {  	s25 =	sshra.s32 s25, $0x2;
	[sflag:s21] =	ssyncset.done $0x0  }
0x37: {  	s25 =	sadd.s32 $0x2780, s25;
	[sflag:s21] =	ssyncadd.s32 $0xFFFFF800  }
0x38: {  	[spmem:s2] =	stream.indirect.scatter.add.f32 [tilespmem:s10], [sflag:$0x1], $0x10, s25, s13, $0xb8;
	[tilespmem:$0x5780] =	vst v63  }
0x39: {  	_ =	swait.ge [sflag:s21], $0x800  }
0x3a: {  	[sflag:s21] =	ssyncset.done $0x0  }
0x3b: {  	[sflag:s21] =	ssyncadd.s32 $0xFFFFF800  }
0x3c: {  	_ =	swait.ge [sflag:s21], $0x800  }
0x3d: {  	[sflag:s21] =	ssyncset.done $0x0  }
0x3e: {  	[sflag:s21] =	ssyncadd.s32 $0xFFFFF800  }
0x3f: {  	_ =	swait.ge [sflag:s21], $0x800  }
0x40: {  	[sflag:s21] =	ssyncset.done $0x0  }
0x41: {  	[sflag:s21] =	ssyncadd.s32 $0xFFFFF800  }
0x42: {  	_ =	swait.ge [sflag:s21], $0x800  }
0x43: {  	[sflag:s21] =	ssyncset.done $0x0  }
0x44: {  	[sflag:s21] =	ssyncadd.s32 $0xFFFFF800  }
0x45: {  	_ =	swait.ge [sflag:s21], $0x800  }
0x46: {  	[sflag:s21] =	ssyncset.done $0x0  }
0x47: {  	[sflag:s21] =	ssyncadd.s32 $0xFFFFF800  }
0x48: {  	_ =	swait.ge [sflag:s21], $0x800  }
0x49: {  	[sflag:s21] =	ssyncset.done $0x0  }
0x4a: {  	[sflag:s21] =	ssyncadd.s32 $0xFFFFF800  }
0x4b: {  	_ =	swait.ge [sflag:s21], $0x800  }
0x4c: {  	[sflag:s21] =	ssyncset.done $0x0  }
0x4d: {  	[sflag:s21] =	ssyncadd.s32 $0xFFFFF800  }
0x4e: {  	_ =	swait.ge [sflag:s21], $0x800  }
0x4f: {  	s23 =	sadd.s32 $0x1, s23;
	[sflag:s21] =	ssyncset.done $0x0  }
0x50: {  	p0 =	sne.s32 s23, s7;
	[sflag:s21] =	ssyncadd.s32 $0xFFFFF800  }
.Ltmp1:
0x51: {  	[bflag:$0x0] =	sbarrier.arrive $0xFFFF;
	(pc) =	sbr.rel @p0 .LBB2_1-.Ltmp1, $4  }
0x52: {  	[hbm:s22], [sflag:s11] =	dma.local [spmem:s12], $0x4F0  }
0x53: {  	_ =	swait.ge [sflag:s9], $0x4F0  }
0x54: {  	[sflag:s9] =	ssyncset.done $0x0  }
0x55: {  	[sflag:s9] =	ssyncadd.s32 $0xFFFFFB10  }
0x56: {  	_ =	sfence.sel $0x180000  }
0x57: {  	[bflag:$0x0] =	sbarrier.arrive $0xFFFF  }
0x58: {  	p0 =	sne.s32 s1, $0x0;
	_ =	strace $0x90000047  }
0x59: {  	s0 =	sadd.s32 @!p0 $0x100000, s0;
	[bflag:$0x2] =	sbarrier.arrive $0xFFFF  }
0x5a: {  	[sflag:s0] =	ssyncadd.tile.s32 @!p0 $0x1;
	_ =	shalt  }
.Lfunc_end2:
_tile_overlayer_lowered:
.L_overlay_start_2:
0x5b: {  	(tag) =	ssettag $0x2  }
0x5c: {  	s0 =	rddreg [dreg:$0x0];
	s2 =	stileid.u32  }
0x5d: {  	s1 =	rddreg [dreg:$0x1];
	p0 =	sne.s32 s2, $0x0  }
0x5e: {  	s3 =	rddreg [dreg:$0x2];
	[bflag:$0x3] =	sbarrier.arrive $0xFFFF;
	s2 =	simm.s32 @!p0 $0x1C02  }
0x5f: {  	[timem:s3], [sflag:s2] =	dma.local @!p0 [hbm:s0], s1  }
0x60: {  	s0 =	simm.s32 @!p0 $0x2  }
0x61: {  	_ =	swait.ge @!p0 [sflag:s0], s1  }
0x62: {  	s1 =	ssub.s32 @!p0 $0x0, s1;
	[sflag:s0] =	ssyncset.done @!p0 $0x0  }
0x63: {  	[sflag:s0] =	ssyncadd.s32 @!p0 s1  }
0x64: {  	[bflag:$0x3] =	sbarrier.arrive $0xFFFF  }
0x65: {  	_ =	shalt  }

</sc_bundles>
